<compile_context>
chip_gen: v7x
topology: tpu7x:2x2x1
jax: 0.10.2.dev20260603
libtpu: 0.0.44.dev20260713+nightly
codegen_flags: <defaults>
</compile_context>

<pallas_src>
import functools
import jax
import jax.numpy as jnp
from jax.experimental import pallas as pl
from jax.experimental.pallas import tpu as pltpu
from jax.experimental.pallas import tpu_sc as plsc

B = 4
N = 8192
S = 512
CIN = 32
CT = 128
RAD = (0.2, 0.4)
KS = (32, 64)
S_BLK = 128



def _fps_body(xyz_ref, out_ref):
    x = xyz_ref[:, 0, :]
    y = xyz_ref[:, 1, :]
    z = xyz_ref[:, 2, :]
    lane = jax.lax.broadcasted_iota(jnp.int32, (B, N), 1)

    def step(t, carry):
        distance, farthest = carry
        sel = (lane == farthest).astype(jnp.float32)
        cx = jnp.sum(x * sel, axis=-1, keepdims=True)
        cy = jnp.sum(y * sel, axis=-1, keepdims=True)
        cz = jnp.sum(z * sel, axis=-1, keepdims=True)
        cvec = jnp.concatenate([cx, cy, cz], axis=-1)
        out_ref[:, pl.ds(t, 1), :] = cvec[:, None, :]
        dx = x - cx
        dy = y - cy
        dz = z - cz
        dist = dx * dx + dy * dy + dz * dz
        distance = jnp.minimum(distance, dist)
        m = jnp.max(distance, axis=-1, keepdims=True)
        new_far = jnp.min(jnp.where(distance == m, lane, N), axis=-1,
                          keepdims=True)
        return distance, new_far

    dist0 = jnp.full((B, N), 1e10, dtype=jnp.float32)
    far0 = jnp.zeros((B, 1), dtype=jnp.int32)
    jax.lax.fori_loop(0, S, step, (dist0, far0))


def _fps(xyz):
    return pl.pallas_call(
        _fps_body,
        out_shape=jax.ShapeDtypeStruct((B, S, 3), jnp.float32),
    )(xyz)




DBLK = 256


def _dist_body(c_ref, pts_ref, out_ref):
    c = c_ref[...]
    p = pts_ref[...][0]
    dot = jnp.dot(c, p)
    s2 = jnp.sum(c * c, axis=1, keepdims=True)
    n2 = jnp.sum(p * p, axis=0, keepdims=True)
    out_ref[...] = (s2 + n2) - 2.0 * dot


def _dist(centers, xyz):
    nj = S // DBLK
    return pl.pallas_call(
        _dist_body,
        grid=(B, nj),
        in_specs=[
            pl.BlockSpec((DBLK, 3), lambda b, j: (b * (S // DBLK) + j, 0)),
            pl.BlockSpec((1, 3, N), lambda b, j: (b, 0, 0)),
        ],
        out_specs=pl.BlockSpec((DBLK, N), lambda b, j: (b * (S // DBLK) + j, 0)),
        out_shape=jax.ShapeDtypeStruct((B * S, N), jnp.float32),
    )(centers, xyz)



NW = 32
RPW = (B * S) // NW
K0, K1 = KS
R0SQ, R1SQ = RAD[0] ** 2, RAD[1] ** 2
NCHUNK = N // 16


def _bq_body(d2_hbm, table_hbm, g0_hbm, g1_hbm,
             dbuf, sm0, sm1, cnt0, cnt1, tb0, ivb0, ivb1,
             rows0, rows1, sem):
    wid = jax.lax.axis_index("s") * 2 + jax.lax.axis_index("c")
    b = wid // (NW // B)
    row0 = wid * RPW
    boff = b * N
    lane = jax.lax.broadcasted_iota(jnp.int32, (16,), 0)
    tb0[pl.ds(48, 16)] = jnp.zeros((16,), jnp.int32)

    def per_s(sl, _):
        pltpu.sync_copy(d2_hbm.at[row0 + sl], dbuf)
        cnt0[0] = 0
        cnt1[0] = 0

        def scan_chunk(j, _2):
            c0 = cnt0[0]
            c1 = cnt1[0]

            @pl.when((c0 < K0) | (c1 < K1))
            def _():
                base = j * 16
                d2 = dbuf[pl.ds(base, 16)]
                tb0[pl.ds(0, 16)] = jnp.where(d2 <= R0SQ, 1, 0)
                tb0[pl.ds(16, 16)] = jnp.where(d2 <= R1SQ, 1, 0)
                h0v = tb0[pl.ds(0, 16)]
                h1v = tb0[pl.ds(16, 16)]
                hb = jnp.where(c0 < K0, h0v, 0) + jnp.where(c1 < K1, h1v, 0)
                tb0[pl.ds(32, 16)] = hb
                tb0[pl.ds(32, 16)] = tb0[pl.ds(32, 16)] + tb0[pl.ds(40, 16)]
                tb0[pl.ds(32, 16)] = tb0[pl.ds(32, 16)] + tb0[pl.ds(36, 16)]
                tb0[pl.ds(32, 16)] = tb0[pl.ds(32, 16)] + tb0[pl.ds(34, 16)]
                tb0[pl.ds(32, 16)] = tb0[pl.ds(32, 16)] + tb0[pl.ds(33, 16)]
                nhit = tb0[pl.ds(32, 16)][0]

                @pl.when(nhit > 0)
                def _():
                    gi = boff + base
                    c0i = c0
                    c1i = c1
                    for i in range(16):
                        h0 = h0v[i]
                        h1 = h1v[i]
                        a0 = jnp.where(h0 > 0, jnp.minimum(c0i, K0), K0)
                        a1 = jnp.where(h1 > 0, jnp.minimum(c1i, K1), K1)
                        sm0[a0] = gi + i
                        sm1[a1] = gi + i
                        c0i = c0i + h0
                        c1i = c1i + h1
                    cnt0[0] = c0i
                    cnt1[0] = c1i

            return _2

        jax.lax.fori_loop(0, NCHUNK, scan_chunk, 0)
        c0 = cnt0[0]
        c1 = cnt1[0]
        f0 = sm0[0]
        f1 = sm1[0]

        for w in range(K0 // 16):
            vv = jnp.full((16,), jnp.where(w * 16 < c0, sm0[w * 16], f0),
                          jnp.int32)
            for i in range(1, 16):
                si = jnp.where(w * 16 + i < c0, sm0[w * 16 + i], f0)
                vv = jnp.where(lane == i, si, vv)
            ivb0[pl.ds(w * 16, 16)] = vv
        for w in range(K1 // 16):
            vv = jnp.full((16,), jnp.where(w * 16 < c1, sm1[w * 16], f1),
                          jnp.int32)
            for i in range(1, 16):
                si = jnp.where(w * 16 + i < c1, sm1[w * 16 + i], f1)
                vv = jnp.where(lane == i, si, vv)
            ivb1[pl.ds(w * 16, 16)] = vv

        pltpu.async_copy(table_hbm.at[ivb0], rows0, sem).wait()
        pltpu.async_copy(table_hbm.at[ivb1], rows1, sem).wait()
        pltpu.sync_copy(rows0, g0_hbm.at[pl.ds((row0 + sl) * K0, K0), :])
        pltpu.sync_copy(rows1, g1_hbm.at[pl.ds((row0 + sl) * K1, K1), :])
        return 0

    jax.lax.fori_loop(0, RPW, per_s, 0)


def _ball_query_gather_sc(d2, table2d):
    mesh = plsc.VectorSubcoreMesh(core_axis_name="c", subcore_axis_name="s",
                                  num_cores=2, num_subcores=16)
    fn = pl.kernel(
        _bq_body,
        out_type=[
            jax.ShapeDtypeStruct((B * S * K0, CT), jnp.float32),
            jax.ShapeDtypeStruct((B * S * K1, CT), jnp.float32),
        ],
        mesh=mesh,
        scratch_types=[
            pltpu.VMEM((N,), jnp.float32),
            pltpu.SMEM((K0 + 1,), jnp.int32),
            pltpu.SMEM((K1 + 1,), jnp.int32),
            pltpu.SMEM((1,), jnp.int32),
            pltpu.SMEM((1,), jnp.int32),
            pltpu.VMEM((64,), jnp.int32),
            pltpu.VMEM((K0,), jnp.int32),
            pltpu.VMEM((K1,), jnp.int32),
            pltpu.VMEM((K0, CT), jnp.float32),
            pltpu.VMEM((K1, CT), jnp.float32),
            pltpu.SemaphoreType.DMA,
        ],
    )
    return fn(d2, table2d)



def _mlp_body(g_ref, c_ref, w1_ref, b1_ref, w2_ref, b2_ref, w3_ref, b3_ref,
              out_ref, *, k):
    g = g_ref[...]
    h = jnp.dot(g, w1_ref[...], preferred_element_type=jnp.float32)
    c1 = w1_ref.shape[1]
    bias1 = b1_ref[...] - jnp.dot(c_ref[...], w1_ref[32:35, :],
                                  preferred_element_type=jnp.float32)
    h = h.reshape(S_BLK, k, c1)
    h = jnp.maximum(h + bias1[:, None, :], 0.0)
    h = h.reshape(S_BLK * k, c1)
    h = jnp.maximum(jnp.dot(h, w2_ref[...],
                            preferred_element_type=jnp.float32)
                    + b2_ref[...], 0.0)
    h = jnp.maximum(jnp.dot(h, w3_ref[...],
                            preferred_element_type=jnp.float32)
                    + b3_ref[...], 0.0)
    c3 = w3_ref.shape[1]
    out_ref[...] = jnp.max(h.reshape(S_BLK, k, c3), axis=1)


def _mlp_max(g, centers, ws, bs, k):
    c1, c2, c3 = ws[0].shape[1], ws[1].shape[1], ws[2].shape[1]
    nblk = (B * S) // S_BLK
    return pl.pallas_call(
        functools.partial(_mlp_body, k=k),
        grid=(nblk,),
        in_specs=[
            pl.BlockSpec((S_BLK * k, CT), lambda i: (i, 0)),
            pl.BlockSpec((S_BLK, 3), lambda i: (i, 0)),
            pl.BlockSpec((CT, c1), lambda i: (0, 0)),
            pl.BlockSpec((1, c1), lambda i: (0, 0)),
            pl.BlockSpec((c1, c2), lambda i: (0, 0)),
            pl.BlockSpec((1, c2), lambda i: (0, 0)),
            pl.BlockSpec((c2, c3), lambda i: (0, 0)),
            pl.BlockSpec((1, c3), lambda i: (0, 0)),
        ],
        out_specs=pl.BlockSpec((S_BLK, c3), lambda i: (i, 0)),
        out_shape=jax.ShapeDtypeStruct((B * S, c3), jnp.float32),
    )(g, centers, ws[0], bs[0], ws[1], bs[1], ws[2], bs[2])



def kernel(xyz, points, W_0_0, b_0_0, W_0_1, b_0_1, W_0_2, b_0_2,
           W_1_0, b_1_0, W_1_1, b_1_1, W_1_2, b_1_2):
    weights = ((W_0_0, b_0_0, W_0_1, b_0_1, W_0_2, b_0_2),
               (W_1_0, b_1_0, W_1_1, b_1_1, W_1_2, b_1_2))

    xyz_t = jnp.transpose(xyz, (0, 2, 1))
    points_t = jnp.transpose(points, (0, 2, 1))
    table = jnp.concatenate(
        [points_t, xyz_t, jnp.zeros((B, N, CT - CIN - 3), jnp.float32)],
        axis=-1)

    new_xyz = _fps(xyz)
    centers = new_xyz.reshape(B * S, 3)

    d2 = _dist(centers, xyz)
    gs = _ball_query_gather_sc(d2, table.reshape(B * N, CT))

    outs = []
    for bi in range(2):
        k = KS[bi]
        w0, bb0, w1, bb1, w2, bb2 = weights[bi]
        ws = (jnp.pad(w0.T, ((0, CT - w0.shape[1]), (0, 0))), w1.T, w2.T)
        bs = (bb0[None, :], bb1[None, :], bb2[None, :])
        o = _mlp_max(gs[bi], centers, ws, bs, k)
        outs.append(o.reshape(B, S, -1))

    new_xyz_out = jnp.transpose(new_xyz, (0, 2, 1))
    new_points = jnp.transpose(jnp.concatenate(outs, axis=-1), (0, 2, 1))
    return (new_xyz_out, new_points)

# --- scband reference (transcript-rebuilt; emitter-appended) ---
"""Pipeline reference for scband-point-net-set-abstraction-msg-20675972563784 (READ-ONLY COPY).

The authoritative reference and input builder live on the scoring server;
editing this copy changes nothing except your own understanding.
"""

import jax, jax.numpy as jnp
import numpy as np

NUM_POINTS = 512
RADIUS_LIST = [0.2, 0.4]
NUM_SAMPLE_LIST = [32, 64]
INIT_IN_CHANNELS = 32
MLP_LIST = [[32, 32, 64], [64, 64, 128]]

def square_distance(src, dst):
    return jnp.sum(src ** 2, -1)[:, :, None] + jnp.sum(dst ** 2, -1)[:, None, :] - 2.0 * jnp.einsum('bsc,bnc->bsn', src, dst)

def index_points(points, idx):
    B = points.shape[0]
    out_shape = idx.shape + (points.shape[-1],)
    flat = idx.reshape(B, -1)
    g = jnp.take_along_axis(points, flat[:, :, None], axis=1)
    return g.reshape(out_shape)

def farthest_point_sample(xyz, npoint):
    B, N, _ = xyz.shape
    distance0 = jnp.full((B, N), 1e10, dtype=xyz.dtype)
    farthest0 = jnp.zeros((B,), dtype=jnp.int32)
    def step(carry, _):
        distance, farthest = carry
        centroid = jnp.take_along_axis(xyz, farthest[:, None, None], axis=1)
        dist = jnp.sum((xyz - centroid) ** 2, axis=-1)
        distance = jnp.minimum(distance, dist)
        new_farthest = jnp.argmax(distance, axis=-1).astype(jnp.int32)
        return (distance, new_farthest), farthest
    _, centroids = jax.lax.scan(step, (distance0, farthest0), None, length=npoint)
    return jnp.transpose(centroids)

def query_ball_point(radius, nsample, xyz, new_xyz):
    B, N, _ = xyz.shape
    S = new_xyz.shape[1]
    sqrdists = square_distance(new_xyz, xyz)
    group_idx = jnp.broadcast_to(jnp.arange(N, dtype=jnp.int32), (B, S, N))
    group_idx = jnp.where(sqrdists > radius ** 2, N, group_idx)
    group_idx = jnp.sort(group_idx, axis=-1)[:, :, :nsample]
    group_first = group_idx[:, :, :1]
    group_idx = jnp.where(group_idx == N, jnp.broadcast_to(group_first, group_idx.shape), group_idx)
    return group_idx

def _forward(xyz, points, weights):
    xyz_t = jnp.transpose(xyz, (0, 2, 1))
    points_t = jnp.transpose(points, (0, 2, 1))
    B, N, C = xyz_t.shape
    S = NUM_POINTS
    fps_idx = jax.lax.stop_gradient(farthest_point_sample(xyz_t, S))
    new_xyz = index_points(xyz_t, fps_idx)
    new_points_list = []
    for i, radius in enumerate(RADIUS_LIST):
        K = NUM_SAMPLE_LIST[i]
        group_idx = query_ball_point(radius, K, xyz_t, new_xyz)
        grouped_xyz = index_points(xyz_t, group_idx) - new_xyz[:, :, None, :]
        grouped_points = jnp.concatenate([index_points(points_t, group_idx), grouped_xyz], axis=-1)
        h = grouped_points
        for (W, b) in weights[i]:
            h = jax.nn.relu(jnp.einsum('bskc,oc->bsko', h, W) + b)
        new_points = jnp.max(h, axis=2)
        new_points_list.append(jnp.transpose(new_points, (0, 2, 1)))
    new_xyz_out = jnp.transpose(new_xyz, (0, 2, 1))
    new_points_concat = jnp.concatenate(new_points_list, axis=1)
    return (new_xyz_out, new_points_concat)

def setup_inputs(seed: int = 0):
    key = jax.random.key(seed)
    ks = jax.random.split(key, 16)
    B, N, Cin = 4, 8192, INIT_IN_CHANNELS
    inp = {
        'xyz': jax.random.uniform(ks[0], (B, 3, N), dtype=jnp.float32),
        'points': jax.random.normal(ks[1], (B, Cin, N), dtype=jnp.float32),
    }
    kidx = 2
    for bi, mlp in enumerate(MLP_LIST):
        in_ch = Cin + 3
        for li, out_ch in enumerate(mlp):
            inp['W_%d_%d' % (bi, li)] = jax.random.normal(ks[kidx], (out_ch, in_ch), dtype=jnp.float32) * (1.0 / np.sqrt(in_ch))
            inp['b_%d_%d' % (bi, li)] = jnp.zeros((out_ch,), dtype=jnp.float32)
            kidx += 1
            in_ch = out_ch
    return inp

def reference(xyz, points, W_0_0, b_0_0, W_0_1, b_0_1, W_0_2, b_0_2, W_1_0, b_1_0, W_1_1, b_1_1, W_1_2, b_1_2):
    weights = [[(W_0_0, b_0_0), (W_0_1, b_0_1), (W_0_2, b_0_2)], [(W_1_0, b_1_0), (W_1_1, b_1_1), (W_1_2, b_1_2)]]
    return _forward(xyz, points, weights)

if __name__ == "__main__":
    import jax
    _d = setup_inputs()
    print(jax.jit(kernel)(*tuple(_d.values())))

</pallas_src>

<mosaic_0001>
#map = affine_map<(d0, d1) -> (0, 0)>
module attributes {stable_mosaic.version = 14 : i64} {
  func.func @_bq_body(%arg0: i32, %arg1: i32, %arg2: memref<2048x8192xf32, #tpu.memory_space<hbm>>, %arg3: memref<32768x128xf32, #tpu.memory_space<hbm>>, %arg4: memref<65536x128xf32, #tpu.memory_space<hbm>>, %arg5: memref<131072x128xf32, #tpu.memory_space<hbm>>, %arg6: memref<8192xf32, #tpu.memory_space<vmem>>, %arg7: memref<33xi32, #tpu.memory_space<smem>>, %arg8: memref<65xi32, #tpu.memory_space<smem>>, %arg9: memref<1xi32, #tpu.memory_space<smem>>, %arg10: memref<1xi32, #tpu.memory_space<smem>>, %arg11: memref<64xi32, #tpu.memory_space<vmem>>, %arg12: memref<32xi32, #tpu.memory_space<vmem>>, %arg13: memref<64xi32, #tpu.memory_space<vmem>>, %arg14: memref<32x128xf32, #tpu.memory_space<vmem>>, %arg15: memref<64x128xf32, #tpu.memory_space<vmem>>, %arg16: memref<!tpu.dma_semaphore, #tpu.memory_space<semaphore_mem>>) attributes {dimension_semantics = [#tpu.dimension_semantics<core_parallel>, #tpu.dimension_semantics<subcore_parallel>], iteration_bounds = array<i64: 2, 16>, scalar_prefetch = 0 : i64, scratch_operands = 11 : i64, tpu.core_type = #tpu.core_type<sc_vector_subcore>, window_params = [{transform_indices = #map}, {transform_indices = #map}, {transform_indices = #map}, {transform_indices = #map}]} {
    %mul3A = arith.constant 2 : i32
    %mul3A_0 = arith.muli %arg1, %mul3A : i32
    %add3A = arith.addi %mul3A_0, %arg0 : i32
    %jit3A = arith.constant 8 : i32
    %div3A = arith.divsi %add3A, %jit3A : i32
    %sign3A = arith.constant 0 : i32
    %sign3A_1 = arith.cmpi sgt, %add3A, %sign3A : i32
    %sign3A_2 = arith.extui %sign3A_1 : i1 to i32
    %sign3A_3 = arith.constant 0 : i32
    %sign3A_4 = arith.cmpi slt, %add3A, %sign3A_3 : i32
    %sign3A_5 = arith.extui %sign3A_4 : i1 to i32
    %sign3A_6 = arith.subi %sign3A_2, %sign3A_5 : i32
    %sign3A_7 = arith.constant 0 : i32
    %sign3A_8 = arith.cmpi sgt, %jit3A, %sign3A_7 : i32
    %sign3A_9 = arith.extui %sign3A_8 : i1 to i32
    %sign3A_10 = arith.constant 0 : i32
    %sign3A_11 = arith.cmpi slt, %jit3A, %sign3A_10 : i32
    %sign3A_12 = arith.extui %sign3A_11 : i1 to i32
    %sign3A_13 = arith.subi %sign3A_9, %sign3A_12 : i32
    %ne3A = arith.cmpi ne, %sign3A_6, %sign3A_13 : i32
    %rem3A = arith.remsi %add3A, %jit3A : i32
    %ne3A_14 = arith.constant 0 : i32
    %ne3A_15 = arith.cmpi ne, %rem3A, %ne3A_14 : i32
    %and3A = arith.andi %ne3A, %ne3A_15 : i1
    %sub3A = arith.constant 1 : i32
    %sub3A_16 = arith.subi %div3A, %sub3A : i32
    %select_n3A = arith.select %and3A, %sub3A_16, %div3A : i32
    %mul3A_17 = arith.constant 64 : i32
    %mul3A_18 = arith.muli %add3A, %mul3A_17 : i32
    %mul3A_19 = arith.constant 8192 : i32
    %mul3A_20 = arith.muli %select_n3A, %mul3A_19 : i32
    %iota3A = tpu.iota {dimensions = array<i32: 0>} : vector<16xi32>
    %broadcast_in_dim3A = arith.constant 0 : i32
    %broadcast_in_dim3A_21 = vector.broadcast %broadcast_in_dim3A : i32 to vector<16xi32>
    %swap3A = arith.constant 48 : index
    %swap3A_22 = tpu.vector_load %arg11[%swap3A] {strides = array<i32>} : memref<64xi32, #tpu.memory_space<vmem>>, vector<16xi32>,
    %swap3A_23 = vector.shape_cast %swap3A_22 : vector<16xi32> to vector<16xi32>
    %swap3A_24 = vector.shape_cast %broadcast_in_dim3A_21 : vector<16xi32> to vector<16xi32>
    tpu.vector_store %arg11[%swap3A], %swap3A_24 {strides = array<i32>} : memref<64xi32, #tpu.memory_space<vmem>>, vector<16xi32>,
    %scan3A = arith.constant 0 : i32
    %scan3A_25 = arith.constant 0 : i32
    %scan3A_26 = arith.constant 64 : i32
    %scan3A_27 = arith.addi %scan3A_25, %scan3A_26 : i32
    %scan3A_28 = arith.constant 1 : i32
    %scan3A_29 = scf.for %scan3A_31 = %scan3A_25 to %scan3A_27 step %scan3A_28 iter_args(%scan3A_32 = %scan3A) -> (i32)  : i32 {
      %add3A_33 = arith.addi %mul3A_18, %scan3A_31 : i32
      "tpu.region"() ({
        %run_scoped3A = tpu.sem_alloc : memref<!tpu.dma_semaphore, #tpu.memory_space<semaphore_mem>>
        %dma_start3A_1130 = arith.constant 0 : i32
        %dma_start3A_1131 = tpu.memref_slice %arg2[%add3A_33, %dma_start3A_1130] : memref<2048x8192xf32, #tpu.memory_space<hbm>> -> memref<1x8192xf32, #tpu.memory_space<hbm>>
        %dma_start3A_1132 = tpu.memref_squeeze %dma_start3A_1131 : memref<1x8192xf32, #tpu.memory_space<hbm>> -> memref<8192xf32, #tpu.memory_space<hbm>>
        %dma_start3A_1133 = arith.constant 0 : i32
        %dma_start3A_1134 = tpu.memref_slice %arg2[%add3A_33, %dma_start3A_1133] : memref<2048x8192xf32, #tpu.memory_space<hbm>> -> memref<1x8192xf32, #tpu.memory_space<hbm>>
        %dma_start3A_1135 = tpu.memref_squeeze %dma_start3A_1134 : memref<1x8192xf32, #tpu.memory_space<hbm>> -> memref<8192xf32, #tpu.memory_space<hbm>>
        tpu.enqueue_dma source(%dma_start3A_1135 : memref<8192xf32, #tpu.memory_space<hbm>>) target(%arg6 : memref<8192xf32, #tpu.memory_space<vmem>>) target_semaphore(%run_scoped3A : memref<!tpu.dma_semaphore, #tpu.memory_space<semaphore_mem>>)
        %dma_wait3A_1136 = arith.constant 0 : i32
        %dma_wait3A_1137 = tpu.memref_slice %arg2[%add3A_33, %dma_wait3A_1136] : memref<2048x8192xf32, #tpu.memory_space<hbm>> -> memref<1x8192xf32, #tpu.memory_space<hbm>>
        %dma_wait3A_1138 = tpu.memref_squeeze %dma_wait3A_1137 : memref<1x8192xf32, #tpu.memory_space<hbm>> -> memref<8192xf32, #tpu.memory_space<hbm>>
        %dma_wait3A_1139 = arith.constant 0 : i32
        %dma_wait3A_1140 = tpu.memref_slice %arg2[%add3A_33, %dma_wait3A_1139] : memref<2048x8192xf32, #tpu.memory_space<hbm>> -> memref<1x8192xf32, #tpu.memory_space<hbm>>
        %dma_wait3A_1141 = tpu.memref_squeeze %dma_wait3A_1140 : memref<1x8192xf32, #tpu.memory_space<hbm>> -> memref<8192xf32, #tpu.memory_space<hbm>>
        tpu.wait_dma2 semaphore(%run_scoped3A : memref<!tpu.dma_semaphore, #tpu.memory_space<semaphore_mem>>) src(%dma_wait3A_1141 : memref<8192xf32, #tpu.memory_space<hbm>>) dst(%arg6 : memref<8192xf32, #tpu.memory_space<vmem>>)
        tpu.yield
      }) : () -> ()
      %swap3A_34 = arith.constant 0 : i32
      %swap3A_35 = arith.constant 0 : i32
      %swap3A_36 = arith.index_cast %swap3A_35 : i32 to index
      %swap3A_37 = memref.load %arg9[%swap3A_36] : memref<1xi32, #tpu.memory_space<smem>>
      memref.store %swap3A_34, %arg9[%swap3A_36] : memref<1xi32, #tpu.memory_space<smem>>
      %swap3A_38 = arith.constant 0 : i32
      %swap3A_39 = arith.constant 0 : i32
      %swap3A_40 = arith.index_cast %swap3A_39 : i32 to index
      %swap3A_41 = memref.load %arg10[%swap3A_40] : memref<1xi32, #tpu.memory_space<smem>>
      memref.store %swap3A_38, %arg10[%swap3A_40] : memref<1xi32, #tpu.memory_space<smem>>
      %scan3A_42 = arith.constant 0 : i32
      %scan3A_43 = arith.constant 0 : i32
      %scan3A_44 = arith.constant 512 : i32
      %scan3A_45 = arith.addi %scan3A_43, %scan3A_44 : i32
      %scan3A_46 = arith.constant 1 : i32
      scf.for %scan3A_1130 = %scan3A_43 to %scan3A_45 step %scan3A_46  : i32 {
        %get3A_1131 = arith.constant 0 : i32
        %get3A_1132 = arith.index_cast %get3A_1131 : i32 to index
        %get3A_1133 = memref.load %arg9[%get3A_1132] : memref<1xi32, #tpu.memory_space<smem>>
        %get3A_1134 = arith.constant 0 : i32
        %get3A_1135 = arith.index_cast %get3A_1134 : i32 to index
        %get3A_1136 = memref.load %arg10[%get3A_1135] : memref<1xi32, #tpu.memory_space<smem>>
        %lt3A = arith.constant 32 : i32
        %lt3A_1137 = arith.cmpi slt, %get3A_1133, %lt3A : i32
        %lt3A_1138 = arith.constant 64 : i32
        %lt3A_1139 = arith.cmpi slt, %get3A_1136, %lt3A_1138 : i32
        %or3A = arith.ori %lt3A_1137, %lt3A_1139 : i1
        %convert_element_type3A = arith.extui %or3A : i1 to i32
        %cond3A = arith.constant 0 : i32
        %cond3A_1140 = arith.cmpi ne, %convert_element_type3A, %cond3A : i32
        scf.if %cond3A_1140 {
          %mul3A_1141 = arith.constant 16 : i32
          %mul3A_1142 = arith.muli %scan3A_1130, %mul3A_1141 : i32
          %get3A_1143 = arith.index_cast %mul3A_1142 : i32 to index
          %get3A_1144 = tpu.vector_load %arg6[%get3A_1143] {strides = array<i32>} : memref<8192xf32, #tpu.memory_space<vmem>>, vector<16xf32>,
          %get3A_1145 = vector.shape_cast %get3A_1144 : vector<16xf32> to vector<16xf32>
          %le3A = arith.constant 4.000000e-02 : f32
          %le3A_1146 = vector.broadcast %le3A : f32 to vector<16xf32>
          %le3A_1147 = arith.cmpf ole, %get3A_1145, %le3A_1146 : vector<16xf32>
          %jit3A_1148 = arith.constant 1 : i32
          %jit3A_1149 = arith.constant 0 : i32
          %broadcast_in_dim3A_1150 = vector.broadcast %jit3A_1148 : i32 to vector<16xi32>
          %broadcast_in_dim3A_1151 = vector.broadcast %jit3A_1149 : i32 to vector<16xi32>
          %select_n3A_1152 = arith.select %le3A_1147, %broadcast_in_dim3A_1150, %broadcast_in_dim3A_1151 : vector<16xi1>, vector<16xi32>
          %swap3A_1153 = arith.constant 0 : index
          %swap3A_1154 = tpu.vector_load %arg11[%swap3A_1153] {strides = array<i32>} : memref<64xi32, #tpu.memory_space<vmem>>, vector<16xi32>,
          %swap3A_1155 = vector.shape_cast %swap3A_1154 : vector<16xi32> to vector<16xi32>
          %swap3A_1156 = vector.shape_cast %select_n3A_1152 : vector<16xi32> to vector<16xi32>
          tpu.vector_store %arg11[%swap3A_1153], %swap3A_1156 {strides = array<i32>} : memref<64xi32, #tpu.memory_space<vmem>>, vector<16xi32>,
          %le3A_1157 = arith.constant 1.600000e-01 : f32
          %le3A_1158 = vector.broadcast %le3A_1157 : f32 to vector<16xf32>
          %le3A_1159 = arith.cmpf ole, %get3A_1145, %le3A_1158 : vector<16xf32>
          %jit3A_1160 = arith.constant 1 : i32
          %jit3A_1161 = arith.constant 0 : i32
          %broadcast_in_dim3A_1162 = vector.broadcast %jit3A_1160 : i32 to vector<16xi32>
          %broadcast_in_dim3A_1163 = vector.broadcast %jit3A_1161 : i32 to vector<16xi32>
          %select_n3A_1164 = arith.select %le3A_1159, %broadcast_in_dim3A_1162, %broadcast_in_dim3A_1163 : vector<16xi1>, vector<16xi32>
          %swap3A_1165 = arith.constant 16 : index
          %swap3A_1166 = tpu.vector_load %arg11[%swap3A_1165] {strides = array<i32>} : memref<64xi32, #tpu.memory_space<vmem>>, vector<16xi32>,
          %swap3A_1167 = vector.shape_cast %swap3A_1166 : vector<16xi32> to vector<16xi32>
          %swap3A_1168 = vector.shape_cast %select_n3A_1164 : vector<16xi32> to vector<16xi32>
          tpu.vector_store %arg11[%swap3A_1165], %swap3A_1168 {strides = array<i32>} : memref<64xi32, #tpu.memory_space<vmem>>, vector<16xi32>,
          %get3A_1169 = arith.constant 0 : index
          %get3A_1170 = tpu.vector_load %arg11[%get3A_1169] {strides = array<i32>} : memref<64xi32, #tpu.memory_space<vmem>>, vector<16xi32>,
          %get3A_1171 = vector.shape_cast %get3A_1170 : vector<16xi32> to vector<16xi32>
          %get3A_1172 = arith.constant 16 : index
          %get3A_1173 = tpu.vector_load %arg11[%get3A_1172] {strides = array<i32>} : memref<64xi32, #tpu.memory_space<vmem>>, vector<16xi32>,
          %get3A_1174 = vector.shape_cast %get3A_1173 : vector<16xi32> to vector<16xi32>
          %lt3A_1175 = arith.constant 32 : i32
          %lt3A_1176 = arith.cmpi slt, %get3A_1133, %lt3A_1175 : i32
          %jit3A_1177 = arith.constant 0 : i32
          %broadcast_in_dim3A_1178 = vector.broadcast %jit3A_1177 : i32 to vector<16xi32>
          %select_n3A_1179 = arith.select %lt3A_1176, %get3A_1171, %broadcast_in_dim3A_1178 : vector<16xi32>
          %lt3A_1180 = arith.constant 64 : i32
          %lt3A_1181 = arith.cmpi slt, %get3A_1136, %lt3A_1180 : i32
          %jit3A_1182 = arith.constant 0 : i32
          %broadcast_in_dim3A_1183 = vector.broadcast %jit3A_1182 : i32 to vector<16xi32>
          %select_n3A_1184 = arith.select %lt3A_1181, %get3A_1174, %broadcast_in_dim3A_1183 : vector<16xi32>
          %add3A_1185 = arith.addi %select_n3A_1179, %select_n3A_1184 : vector<16xi32>
          %swap3A_1186 = arith.constant 32 : index
          %swap3A_1187 = tpu.vector_load %arg11[%swap3A_1186] {strides = array<i32>} : memref<64xi32, #tpu.memory_space<vmem>>, vector<16xi32>,
          %swap3A_1188 = vector.shape_cast %swap3A_1187 : vector<16xi32> to vector<16xi32>
          %swap3A_1189 = vector.shape_cast %add3A_1185 : vector<16xi32> to vector<16xi32>
          tpu.vector_store %arg11[%swap3A_1186], %swap3A_1189 {strides = array<i32>} : memref<64xi32, #tpu.memory_space<vmem>>, vector<16xi32>,
          %get3A_1190 = arith.constant 32 : index
          %get3A_1191 = tpu.vector_load %arg11[%get3A_1190] {strides = array<i32>} : memref<64xi32, #tpu.memory_space<vmem>>, vector<16xi32>,
          %get3A_1192 = vector.shape_cast %get3A_1191 : vector<16xi32> to vector<16xi32>
          %get3A_1193 = arith.constant 40 : index
          %get3A_1194 = tpu.vector_load %arg11[%get3A_1193] {strides = array<i32>} : memref<64xi32, #tpu.memory_space<vmem>>, vector<16xi32>,
          %get3A_1195 = vector.shape_cast %get3A_1194 : vector<16xi32> to vector<16xi32>
          %add3A_1196 = arith.addi %get3A_1192, %get3A_1195 : vector<16xi32>
          %swap3A_1197 = arith.constant 32 : index
          %swap3A_1198 = tpu.vector_load %arg11[%swap3A_1197] {strides = array<i32>} : memref<64xi32, #tpu.memory_space<vmem>>, vector<16xi32>,
          %swap3A_1199 = vector.shape_cast %swap3A_1198 : vector<16xi32> to vector<16xi32>
          %swap3A_1200 = vector.shape_cast %add3A_1196 : vector<16xi32> to vector<16xi32>
          tpu.vector_store %arg11[%swap3A_1197], %swap3A_1200 {strides = array<i32>} : memref<64xi32, #tpu.memory_space<vmem>>, vector<16xi32>,
          %get3A_1201 = arith.constant 32 : index
          %get3A_1202 = tpu.vector_load %arg11[%get3A_1201] {strides = array<i32>} : memref<64xi32, #tpu.memory_space<vmem>>, vector<16xi32>,
          %get3A_1203 = vector.shape_cast %get3A_1202 : vector<16xi32> to vector<16xi32>
          %get3A_1204 = arith.constant 36 : index
          %get3A_1205 = tpu.vector_load %arg11[%get3A_1204] {strides = array<i32>} : memref<64xi32, #tpu.memory_space<vmem>>, vector<16xi32>,
          %get3A_1206 = vector.shape_cast %get3A_1205 : vector<16xi32> to vector<16xi32>
          %add3A_1207 = arith.addi %get3A_1203, %get3A_1206 : vector<16xi32>
          %swap3A_1208 = arith.constant 32 : index
          %swap3A_1209 = tpu.vector_load %arg11[%swap3A_1208] {strides = array<i32>} : memref<64xi32, #tpu.memory_space<vmem>>, vector<16xi32>,
          %swap3A_1210 = vector.shape_cast %swap3A_1209 : vector<16xi32> to vector<16xi32>
          %swap3A_1211 = vector.shape_cast %add3A_1207 : vector<16xi32> to vector<16xi32>
          tpu.vector_store %arg11[%swap3A_1208], %swap3A_1211 {strides = array<i32>} : memref<64xi32, #tpu.memory_space<vmem>>, vector<16xi32>,
          %get3A_1212 = arith.constant 32 : index
          %get3A_1213 = tpu.vector_load %arg11[%get3A_1212] {strides = array<i32>} : memref<64xi32, #tpu.memory_space<vmem>>, vector<16xi32>,
          %get3A_1214 = vector.shape_cast %get3A_1213 : vector<16xi32> to vector<16xi32>
          %get3A_1215 = arith.constant 34 : index
          %get3A_1216 = tpu.vector_load %arg11[%get3A_1215] {strides = array<i32>} : memref<64xi32, #tpu.memory_space<vmem>>, vector<16xi32>,
          %get3A_1217 = vector.shape_cast %get3A_1216 : vector<16xi32> to vector<16xi32>
          %add3A_1218 = arith.addi %get3A_1214, %get3A_1217 : vector<16xi32>
          %swap3A_1219 = arith.constant 32 : index
          %swap3A_1220 = tpu.vector_load %arg11[%swap3A_1219] {strides = array<i32>} : memref<64xi32, #tpu.memory_space<vmem>>, vector<16xi32>,
          %swap3A_1221 = vector.shape_cast %swap3A_1220 : vector<16xi32> to vector<16xi32>
          %swap3A_1222 = vector.shape_cast %add3A_1218 : vector<16xi32> to vector<16xi32>
          tpu.vector_store %arg11[%swap3A_1219], %swap3A_1222 {strides = array<i32>} : memref<64xi32, #tpu.memory_space<vmem>>, vector<16xi32>,
          %get3A_1223 = arith.constant 32 : index
          %get3A_1224 = tpu.vector_load %arg11[%get3A_1223] {strides = array<i32>} : memref<64xi32, #tpu.memory_space<vmem>>, vector<16xi32>,
          %get3A_1225 = vector.shape_cast %get3A_1224 : vector<16xi32> to vector<16xi32>
          %get3A_1226 = arith.constant 33 : index
          %get3A_1227 = tpu.vector_load %arg11[%get3A_1226] {strides = array<i32>} : memref<64xi32, #tpu.memory_space<vmem>>, vector<16xi32>,
          %get3A_1228 = vector.shape_cast %get3A_1227 : vector<16xi32> to vector<16xi32>
          %add3A_1229 = arith.addi %get3A_1225, %get3A_1228 : vector<16xi32>
          %swap3A_1230 = arith.constant 32 : index
          %swap3A_1231 = tpu.vector_load %arg11[%swap3A_1230] {strides = array<i32>} : memref<64xi32, #tpu.memory_space<vmem>>, vector<16xi32>,
          %swap3A_1232 = vector.shape_cast %swap3A_1231 : vector<16xi32> to vector<16xi32>
          %swap3A_1233 = vector.shape_cast %add3A_1229 : vector<16xi32> to vector<16xi32>
          tpu.vector_store %arg11[%swap3A_1230], %swap3A_1233 {strides = array<i32>} : memref<64xi32, #tpu.memory_space<vmem>>, vector<16xi32>,
          %get3A_1234 = arith.constant 32 : index
          %get3A_1235 = tpu.vector_load %arg11[%get3A_1234] {strides = array<i32>} : memref<64xi32, #tpu.memory_space<vmem>>, vector<16xi32>,
          %get3A_1236 = vector.shape_cast %get3A_1235 : vector<16xi32> to vector<16xi32>
          %slice3A = vector.extract_strided_slice %get3A_1236 {offsets = [0], sizes = [1], strides = [1]} : vector<16xi32> to vector<1xi32>
          %squeeze3A = vector.extract %slice3A[0] : i32 from vector<1xi32>
          %gt3A_1237 = arith.constant 0 : i32
          %gt3A_1238 = arith.cmpi sgt, %squeeze3A, %gt3A_1237 : i32
          %convert_element_type3A_1239 = arith.extui %gt3A_1238 : i1 to i32
          %cond3A_1240 = arith.constant 0 : i32
          %cond3A_1241 = arith.cmpi ne, %convert_element_type3A_1239, %cond3A_1240 : i32
          scf.if %cond3A_1241 {
            %add3A_1242 = arith.addi %mul3A_20, %mul3A_1142 : i32
            %slice3A_1243 = vector.extract_strided_slice %get3A_1171 {offsets = [0], sizes = [1], strides = [1]} : vector<16xi32> to vector<1xi32>
            %squeeze3A_1244 = vector.extract %slice3A_1243[0] : i32 from vector<1xi32>
            %slice3A_1245 = vector.extract_strided_slice %get3A_1174 {offsets = [0], sizes = [1], strides = [1]} : vector<16xi32> to vector<1xi32>
            %squeeze3A_1246 = vector.extract %slice3A_1245[0] : i32 from vector<1xi32>
            %gt3A_1247 = arith.constant 0 : i32
            %gt3A_1248 = arith.cmpi sgt, %squeeze3A_1244, %gt3A_1247 : i32
            %min3A = arith.constant 32 : i32
            %min3A_1249 = arith.minsi %get3A_1133, %min3A : i32
            %jit3A_1250 = arith.constant 32 : i32
            %select_n3A_1251 = arith.select %gt3A_1248, %min3A_1249, %jit3A_1250 : i32
            %gt3A_1252 = arith.constant 0 : i32
            %gt3A_1253 = arith.cmpi sgt, %squeeze3A_1246, %gt3A_1252 : i32
            %min3A_1254 = arith.constant 64 : i32
            %min3A_1255 = arith.minsi %get3A_1136, %min3A_1254 : i32
            %jit3A_1256 = arith.constant 64 : i32
            %select_n3A_1257 = arith.select %gt3A_1253, %min3A_1255, %jit3A_1256 : i32
            %add3A_1258 = arith.constant 0 : i32
            %add3A_1259 = arith.addi %add3A_1242, %add3A_1258 : i32
            %swap3A_1260 = arith.index_cast %select_n3A_1251 : i32 to index
            %swap3A_1261 = memref.load %arg7[%swap3A_1260] : memref<33xi32, #tpu.memory_space<smem>>
            memref.store %add3A_1259, %arg7[%swap3A_1260] : memref<33xi32, #tpu.memory_space<smem>>
            %add3A_1262 = arith.constant 0 : i32
            %add3A_1263 = arith.addi %add3A_1242, %add3A_1262 : i32
            %swap3A_1264 = arith.index_cast %select_n3A_1257 : i32 to index
            %swap3A_1265 = memref.load %arg8[%swap3A_1264] : memref<65xi32, #tpu.memory_space<smem>>
            memref.store %add3A_1263, %arg8[%swap3A_1264] : memref<65xi32, #tpu.memory_space<smem>>
            %add3A_1266 = arith.addi %get3A_1133, %squeeze3A_1244 : i32
            %add3A_1267 = arith.addi %get3A_1136, %squeeze3A_1246 : i32
            %slice3A_1268 = vector.extract_strided_slice %get3A_1171 {offsets = [1], sizes = [1], strides = [1]} : vector<16xi32> to vector<1xi32>
            %squeeze3A_1269 = vector.extract %slice3A_1268[0] : i32 from vector<1xi32>
            %slice3A_1270 = vector.extract_strided_slice %get3A_1174 {offsets = [1], sizes = [1], strides = [1]} : vector<16xi32> to vector<1xi32>
            %squeeze3A_1271 = vector.extract %slice3A_1270[0] : i32 from vector<1xi32>
            %gt3A_1272 = arith.constant 0 : i32
            %gt3A_1273 = arith.cmpi sgt, %squeeze3A_1269, %gt3A_1272 : i32
            %min3A_1274 = arith.constant 32 : i32
            %min3A_1275 = arith.minsi %add3A_1266, %min3A_1274 : i32
            %jit3A_1276 = arith.constant 32 : i32
            %select_n3A_1277 = arith.select %gt3A_1273, %min3A_1275, %jit3A_1276 : i32
            %gt3A_1278 = arith.constant 0 : i32
            %gt3A_1279 = arith.cmpi sgt, %squeeze3A_1271, %gt3A_1278 : i32
            %min3A_1280 = arith.constant 64 : i32
            %min3A_1281 = arith.minsi %add3A_1267, %min3A_1280 : i32
            %jit3A_1282 = arith.constant 64 : i32
            %select_n3A_1283 = arith.select %gt3A_1279, %min3A_1281, %jit3A_1282 : i32
            %add3A_1284 = arith.constant 1 : i32
            %add3A_1285 = arith.addi %add3A_1242, %add3A_1284 : i32
            %swap3A_1286 = arith.index_cast %select_n3A_1277 : i32 to index
            %swap3A_1287 = memref.load %arg7[%swap3A_1286] : memref<33xi32, #tpu.memory_space<smem>>
            memref.store %add3A_1285, %arg7[%swap3A_1286] : memref<33xi32, #tpu.memory_space<smem>>
            %add3A_1288 = arith.constant 1 : i32
            %add3A_1289 = arith.addi %add3A_1242, %add3A_1288 : i32
            %swap3A_1290 = arith.index_cast %select_n3A_1283 : i32 to index
            %swap3A_1291 = memref.load %arg8[%swap3A_1290] : memref<65xi32, #tpu.memory_space<smem>>
            memref.store %add3A_1289, %arg8[%swap3A_1290] : memref<65xi32, #tpu.memory_space<smem>>
            %add3A_1292 = arith.addi %add3A_1266, %squeeze3A_1269 : i32
            %add3A_1293 = arith.addi %add3A_1267, %squeeze3A_1271 : i32
            %slice3A_1294 = vector.extract_strided_slice %get3A_1171 {offsets = [2], sizes = [1], strides = [1]} : vector<16xi32> to vector<1xi32>
            %squeeze3A_1295 = vector.extract %slice3A_1294[0] : i32 from vector<1xi32>
            %slice3A_1296 = vector.extract_strided_slice %get3A_1174 {offsets = [2], sizes = [1], strides = [1]} : vector<16xi32> to vector<1xi32>
            %squeeze3A_1297 = vector.extract %slice3A_1296[0] : i32 from vector<1xi32>
            %gt3A_1298 = arith.constant 0 : i32
            %gt3A_1299 = arith.cmpi sgt, %squeeze3A_1295, %gt3A_1298 : i32
            %min3A_1300 = arith.constant 32 : i32
            %min3A_1301 = arith.minsi %add3A_1292, %min3A_1300 : i32
            %jit3A_1302 = arith.constant 32 : i32
            %select_n3A_1303 = arith.select %gt3A_1299, %min3A_1301, %jit3A_1302 : i32
            %gt3A_1304 = arith.constant 0 : i32
            %gt3A_1305 = arith.cmpi sgt, %squeeze3A_1297, %gt3A_1304 : i32
            %min3A_1306 = arith.constant 64 : i32
            %min3A_1307 = arith.minsi %add3A_1293, %min3A_1306 : i32
            %jit3A_1308 = arith.constant 64 : i32
            %select_n3A_1309 = arith.select %gt3A_1305, %min3A_1307, %jit3A_1308 : i32
            %add3A_1310 = arith.constant 2 : i32
            %add3A_1311 = arith.addi %add3A_1242, %add3A_1310 : i32
            %swap3A_1312 = arith.index_cast %select_n3A_1303 : i32 to index
            %swap3A_1313 = memref.load %arg7[%swap3A_1312] : memref<33xi32, #tpu.memory_space<smem>>
            memref.store %add3A_1311, %arg7[%swap3A_1312] : memref<33xi32, #tpu.memory_space<smem>>
            %add3A_1314 = arith.constant 2 : i32
            %add3A_1315 = arith.addi %add3A_1242, %add3A_1314 : i32
            %swap3A_1316 = arith.index_cast %select_n3A_1309 : i32 to index
            %swap3A_1317 = memref.load %arg8[%swap3A_1316] : memref<65xi32, #tpu.memory_space<smem>>
            memref.store %add3A_1315, %arg8[%swap3A_1316] : memref<65xi32, #tpu.memory_space<smem>>
            %add3A_1318 = arith.addi %add3A_1292, %squeeze3A_1295 : i32
            %add3A_1319 = arith.addi %add3A_1293, %squeeze3A_1297 : i32
            %slice3A_1320 = vector.extract_strided_slice %get3A_1171 {offsets = [3], sizes = [1], strides = [1]} : vector<16xi32> to vector<1xi32>
            %squeeze3A_1321 = vector.extract %slice3A_1320[0] : i32 from vector<1xi32>
            %slice3A_1322 = vector.extract_strided_slice %get3A_1174 {offsets = [3], sizes = [1], strides = [1]} : vector<16xi32> to vector<1xi32>
            %squeeze3A_1323 = vector.extract %slice3A_1322[0] : i32 from vector<1xi32>
            %gt3A_1324 = arith.constant 0 : i32
            %gt3A_1325 = arith.cmpi sgt, %squeeze3A_1321, %gt3A_1324 : i32
            %min3A_1326 = arith.constant 32 : i32
            %min3A_1327 = arith.minsi %add3A_1318, %min3A_1326 : i32
            %jit3A_1328 = arith.constant 32 : i32
            %select_n3A_1329 = arith.select %gt3A_1325, %min3A_1327, %jit3A_1328 : i32
            %gt3A_1330 = arith.constant 0 : i32
            %gt3A_1331 = arith.cmpi sgt, %squeeze3A_1323, %gt3A_1330 : i32
            %min3A_1332 = arith.constant 64 : i32
            %min3A_1333 = arith.minsi %add3A_1319, %min3A_1332 : i32
            %jit3A_1334 = arith.constant 64 : i32
            %select_n3A_1335 = arith.select %gt3A_1331, %min3A_1333, %jit3A_1334 : i32
            %add3A_1336 = arith.constant 3 : i32
            %add3A_1337 = arith.addi %add3A_1242, %add3A_1336 : i32
            %swap3A_1338 = arith.index_cast %select_n3A_1329 : i32 to index
            %swap3A_1339 = memref.load %arg7[%swap3A_1338] : memref<33xi32, #tpu.memory_space<smem>>
            memref.store %add3A_1337, %arg7[%swap3A_1338] : memref<33xi32, #tpu.memory_space<smem>>
            %add3A_1340 = arith.constant 3 : i32
            %add3A_1341 = arith.addi %add3A_1242, %add3A_1340 : i32
            %swap3A_1342 = arith.index_cast %select_n3A_1335 : i32 to index
            %swap3A_1343 = memref.load %arg8[%swap3A_1342] : memref<65xi32, #tpu.memory_space<smem>>
            memref.store %add3A_1341, %arg8[%swap3A_1342] : memref<65xi32, #tpu.memory_space<smem>>
            %add3A_1344 = arith.addi %add3A_1318, %squeeze3A_1321 : i32
            %add3A_1345 = arith.addi %add3A_1319, %squeeze3A_1323 : i32
            %slice3A_1346 = vector.extract_strided_slice %get3A_1171 {offsets = [4], sizes = [1], strides = [1]} : vector<16xi32> to vector<1xi32>
            %squeeze3A_1347 = vector.extract %slice3A_1346[0] : i32 from vector<1xi32>
            %slice3A_1348 = vector.extract_strided_slice %get3A_1174 {offsets = [4], sizes = [1], strides = [1]} : vector<16xi32> to vector<1xi32>
            %squeeze3A_1349 = vector.extract %slice3A_1348[0] : i32 from vector<1xi32>
            %gt3A_1350 = arith.constant 0 : i32
            %gt3A_1351 = arith.cmpi sgt, %squeeze3A_1347, %gt3A_1350 : i32
            %min3A_1352 = arith.constant 32 : i32
            %min3A_1353 = arith.minsi %add3A_1344, %min3A_1352 : i32
            %jit3A_1354 = arith.constant 32 : i32
            %select_n3A_1355 = arith.select %gt3A_1351, %min3A_1353, %jit3A_1354 : i32
            %gt3A_1356 = arith.constant 0 : i32
            %gt3A_1357 = arith.cmpi sgt, %squeeze3A_1349, %gt3A_1356 : i32
            %min3A_1358 = arith.constant 64 : i32
            %min3A_1359 = arith.minsi %add3A_1345, %min3A_1358 : i32
            %jit3A_1360 = arith.constant 64 : i32
            %select_n3A_1361 = arith.select %gt3A_1357, %min3A_1359, %jit3A_1360 : i32
            %add3A_1362 = arith.constant 4 : i32
            %add3A_1363 = arith.addi %add3A_1242, %add3A_1362 : i32
            %swap3A_1364 = arith.index_cast %select_n3A_1355 : i32 to index
            %swap3A_1365 = memref.load %arg7[%swap3A_1364] : memref<33xi32, #tpu.memory_space<smem>>
            memref.store %add3A_1363, %arg7[%swap3A_1364] : memref<33xi32, #tpu.memory_space<smem>>
            %add3A_1366 = arith.constant 4 : i32
            %add3A_1367 = arith.addi %add3A_1242, %add3A_1366 : i32
            %swap3A_1368 = arith.index_cast %select_n3A_1361 : i32 to index
            %swap3A_1369 = memref.load %arg8[%swap3A_1368] : memref<65xi32, #tpu.memory_space<smem>>
            memref.store %add3A_1367, %arg8[%swap3A_1368] : memref<65xi32, #tpu.memory_space<smem>>
            %add3A_1370 = arith.addi %add3A_1344, %squeeze3A_1347 : i32
            %add3A_1371 = arith.addi %add3A_1345, %squeeze3A_1349 : i32
            %slice3A_1372 = vector.extract_strided_slice %get3A_1171 {offsets = [5], sizes = [1], strides = [1]} : vector<16xi32> to vector<1xi32>
            %squeeze3A_1373 = vector.extract %slice3A_1372[0] : i32 from vector<1xi32>
            %slice3A_1374 = vector.extract_strided_slice %get3A_1174 {offsets = [5], sizes = [1], strides = [1]} : vector<16xi32> to vector<1xi32>
            %squeeze3A_1375 = vector.extract %slice3A_1374[0] : i32 from vector<1xi32>
            %gt3A_1376 = arith.constant 0 : i32
            %gt3A_1377 = arith.cmpi sgt, %squeeze3A_1373, %gt3A_1376 : i32
            %min3A_1378 = arith.constant 32 : i32
            %min3A_1379 = arith.minsi %add3A_1370, %min3A_1378 : i32
            %jit3A_1380 = arith.constant 32 : i32
            %select_n3A_1381 = arith.select %gt3A_1377, %min3A_1379, %jit3A_1380 : i32
            %gt3A_1382 = arith.constant 0 : i32
            %gt3A_1383 = arith.cmpi sgt, %squeeze3A_1375, %gt3A_1382 : i32
            %min3A_1384 = arith.constant 64 : i32
            %min3A_1385 = arith.minsi %add3A_1371, %min3A_1384 : i32
            %jit3A_1386 = arith.constant 64 : i32
            %select_n3A_1387 = arith.select %gt3A_1383, %min3A_1385, %jit3A_1386 : i32
            %add3A_1388 = arith.constant 5 : i32
            %add3A_1389 = arith.addi %add3A_1242, %add3A_1388 : i32
            %swap3A_1390 = arith.index_cast %select_n3A_1381 : i32 to index
            %swap3A_1391 = memref.load %arg7[%swap3A_1390] : memref<33xi32, #tpu.memory_space<smem>>
            memref.store %add3A_1389, %arg7[%swap3A_1390] : memref<33xi32, #tpu.memory_space<smem>>
            %add3A_1392 = arith.constant 5 : i32
            %add3A_1393 = arith.addi %add3A_1242, %add3A_1392 : i32
            %swap3A_1394 = arith.index_cast %select_n3A_1387 : i32 to index
            %swap3A_1395 = memref.load %arg8[%swap3A_1394] : memref<65xi32, #tpu.memory_space<smem>>
            memref.store %add3A_1393, %arg8[%swap3A_1394] : memref<65xi32, #tpu.memory_space<smem>>
            %add3A_1396 = arith.addi %add3A_1370, %squeeze3A_1373 : i32
            %add3A_1397 = arith.addi %add3A_1371, %squeeze3A_1375 : i32
            %slice3A_1398 = vector.extract_strided_slice %get3A_1171 {offsets = [6], sizes = [1], strides = [1]} : vector<16xi32> to vector<1xi32>
            %squeeze3A_1399 = vector.extract %slice3A_1398[0] : i32 from vector<1xi32>
            %slice3A_1400 = vector.extract_strided_slice %get3A_1174 {offsets = [6], sizes = [1], strides = [1]} : vector<16xi32> to vector<1xi32>
            %squeeze3A_1401 = vector.extract %slice3A_1400[0] : i32 from vector<1xi32>
            %gt3A_1402 = arith.constant 0 : i32
            %gt3A_1403 = arith.cmpi sgt, %squeeze3A_1399, %gt3A_1402 : i32
            %min3A_1404 = arith.constant 32 : i32
            %min3A_1405 = arith.minsi %add3A_1396, %min3A_1404 : i32
            %jit3A_1406 = arith.constant 32 : i32
            %select_n3A_1407 = arith.select %gt3A_1403, %min3A_1405, %jit3A_1406 : i32
            %gt3A_1408 = arith.constant 0 : i32
            %gt3A_1409 = arith.cmpi sgt, %squeeze3A_1401, %gt3A_1408 : i32
            %min3A_1410 = arith.constant 64 : i32
            %min3A_1411 = arith.minsi %add3A_1397, %min3A_1410 : i32
            %jit3A_1412 = arith.constant 64 : i32
            %select_n3A_1413 = arith.select %gt3A_1409, %min3A_1411, %jit3A_1412 : i32
            %add3A_1414 = arith.constant 6 : i32
            %add3A_1415 = arith.addi %add3A_1242, %add3A_1414 : i32
            %swap3A_1416 = arith.index_cast %select_n3A_1407 : i32 to index
            %swap3A_1417 = memref.load %arg7[%swap3A_1416] : memref<33xi32, #tpu.memory_space<smem>>
            memref.store %add3A_1415, %arg7[%swap3A_1416] : memref<33xi32, #tpu.memory_space<smem>>
            %add3A_1418 = arith.constant 6 : i32
            %add3A_1419 = arith.addi %add3A_1242, %add3A_1418 : i32
            %swap3A_1420 = arith.index_cast %select_n3A_1413 : i32 to index
            %swap3A_1421 = memref.load %arg8[%swap3A_1420] : memref<65xi32, #tpu.memory_space<smem>>
            memref.store %add3A_1419, %arg8[%swap3A_1420] : memref<65xi32, #tpu.memory_space<smem>>
            %add3A_1422 = arith.addi %add3A_1396, %squeeze3A_1399 : i32
            %add3A_1423 = arith.addi %add3A_1397, %squeeze3A_1401 : i32
            %slice3A_1424 = vector.extract_strided_slice %get3A_1171 {offsets = [7], sizes = [1], strides = [1]} : vector<16xi32> to vector<1xi32>
            %squeeze3A_1425 = vector.extract %slice3A_1424[0] : i32 from vector<1xi32>
            %slice3A_1426 = vector.extract_strided_slice %get3A_1174 {offsets = [7], sizes = [1], strides = [1]} : vector<16xi32> to vector<1xi32>
            %squeeze3A_1427 = vector.extract %slice3A_1426[0] : i32 from vector<1xi32>
            %gt3A_1428 = arith.constant 0 : i32
            %gt3A_1429 = arith.cmpi sgt, %squeeze3A_1425, %gt3A_1428 : i32
            %min3A_1430 = arith.constant 32 : i32
            %min3A_1431 = arith.minsi %add3A_1422, %min3A_1430 : i32
            %jit3A_1432 = arith.constant 32 : i32
            %select_n3A_1433 = arith.select %gt3A_1429, %min3A_1431, %jit3A_1432 : i32
            %gt3A_1434 = arith.constant 0 : i32
            %gt3A_1435 = arith.cmpi sgt, %squeeze3A_1427, %gt3A_1434 : i32
            %min3A_1436 = arith.constant 64 : i32
            %min3A_1437 = arith.minsi %add3A_1423, %min3A_1436 : i32
            %jit3A_1438 = arith.constant 64 : i32
            %select_n3A_1439 = arith.select %gt3A_1435, %min3A_1437, %jit3A_1438 : i32
            %add3A_1440 = arith.constant 7 : i32
            %add3A_1441 = arith.addi %add3A_1242, %add3A_1440 : i32
            %swap3A_1442 = arith.index_cast %select_n3A_1433 : i32 to index
            %swap3A_1443 = memref.load %arg7[%swap3A_1442] : memref<33xi32, #tpu.memory_space<smem>>
            memref.store %add3A_1441, %arg7[%swap3A_1442] : memref<33xi32, #tpu.memory_space<smem>>
            %add3A_1444 = arith.constant 7 : i32
            %add3A_1445 = arith.addi %add3A_1242, %add3A_1444 : i32
            %swap3A_1446 = arith.index_cast %select_n3A_1439 : i32 to index
            %swap3A_1447 = memref.load %arg8[%swap3A_1446] : memref<65xi32, #tpu.memory_space<smem>>
            memref.store %add3A_1445, %arg8[%swap3A_1446] : memref<65xi32, #tpu.memory_space<smem>>
            %add3A_1448 = arith.addi %add3A_1422, %squeeze3A_1425 : i32
            %add3A_1449 = arith.addi %add3A_1423, %squeeze3A_1427 : i32
            %slice3A_1450 = vector.extract_strided_slice %get3A_1171 {offsets = [8], sizes = [1], strides = [1]} : vector<16xi32> to vector<1xi32>
            %squeeze3A_1451 = vector.extract %slice3A_1450[0] : i32 from vector<1xi32>
            %slice3A_1452 = vector.extract_strided_slice %get3A_1174 {offsets = [8], sizes = [1], strides = [1]} : vector<16xi32> to vector<1xi32>
            %squeeze3A_1453 = vector.extract %slice3A_1452[0] : i32 from vector<1xi32>
            %gt3A_1454 = arith.constant 0 : i32
            %gt3A_1455 = arith.cmpi sgt, %squeeze3A_1451, %gt3A_1454 : i32
            %min3A_1456 = arith.constant 32 : i32
            %min3A_1457 = arith.minsi %add3A_1448, %min3A_1456 : i32
            %jit3A_1458 = arith.constant 32 : i32
            %select_n3A_1459 = arith.select %gt3A_1455, %min3A_1457, %jit3A_1458 : i32
            %gt3A_1460 = arith.constant 0 : i32
            %gt3A_1461 = arith.cmpi sgt, %squeeze3A_1453, %gt3A_1460 : i32
            %min3A_1462 = arith.constant 64 : i32
            %min3A_1463 = arith.minsi %add3A_1449, %min3A_1462 : i32
            %jit3A_1464 = arith.constant 64 : i32
            %select_n3A_1465 = arith.select %gt3A_1461, %min3A_1463, %jit3A_1464 : i32
            %add3A_1466 = arith.constant 8 : i32
            %add3A_1467 = arith.addi %add3A_1242, %add3A_1466 : i32
            %swap3A_1468 = arith.index_cast %select_n3A_1459 : i32 to index
            %swap3A_1469 = memref.load %arg7[%swap3A_1468] : memref<33xi32, #tpu.memory_space<smem>>
            memref.store %add3A_1467, %arg7[%swap3A_1468] : memref<33xi32, #tpu.memory_space<smem>>
            %add3A_1470 = arith.constant 8 : i32
            %add3A_1471 = arith.addi %add3A_1242, %add3A_1470 : i32
            %swap3A_1472 = arith.index_cast %select_n3A_1465 : i32 to index
            %swap3A_1473 = memref.load %arg8[%swap3A_1472] : memref<65xi32, #tpu.memory_space<smem>>
            memref.store %add3A_1471, %arg8[%swap3A_1472] : memref<65xi32, #tpu.memory_space<smem>>
            %add3A_1474 = arith.addi %add3A_1448, %squeeze3A_1451 : i32
            %add3A_1475 = arith.addi %add3A_1449, %squeeze3A_1453 : i32
            %slice3A_1476 = vector.extract_strided_slice %get3A_1171 {offsets = [9], sizes = [1], strides = [1]} : vector<16xi32> to vector<1xi32>
            %squeeze3A_1477 = vector.extract %slice3A_1476[0] : i32 from vector<1xi32>
            %slice3A_1478 = vector.extract_strided_slice %get3A_1174 {offsets = [9], sizes = [1], strides = [1]} : vector<16xi32> to vector<1xi32>
            %squeeze3A_1479 = vector.extract %slice3A_1478[0] : i32 from vector<1xi32>
            %gt3A_1480 = arith.constant 0 : i32
            %gt3A_1481 = arith.cmpi sgt, %squeeze3A_1477, %gt3A_1480 : i32
            %min3A_1482 = arith.constant 32 : i32
            %min3A_1483 = arith.minsi %add3A_1474, %min3A_1482 : i32
            %jit3A_1484 = arith.constant 32 : i32
            %select_n3A_1485 = arith.select %gt3A_1481, %min3A_1483, %jit3A_1484 : i32
            %gt3A_1486 = arith.constant 0 : i32
            %gt3A_1487 = arith.cmpi sgt, %squeeze3A_1479, %gt3A_1486 : i32
            %min3A_1488 = arith.constant 64 : i32
            %min3A_1489 = arith.minsi %add3A_1475, %min3A_1488 : i32
            %jit3A_1490 = arith.constant 64 : i32
            %select_n3A_1491 = arith.select %gt3A_1487, %min3A_1489, %jit3A_1490 : i32
            %add3A_1492 = arith.constant 9 : i32
            %add3A_1493 = arith.addi %add3A_1242, %add3A_1492 : i32
            %swap3A_1494 = arith.index_cast %select_n3A_1485 : i32 to index
            %swap3A_1495 = memref.load %arg7[%swap3A_1494] : memref<33xi32, #tpu.memory_space<smem>>
            memref.store %add3A_1493, %arg7[%swap3A_1494] : memref<33xi32, #tpu.memory_space<smem>>
            %add3A_1496 = arith.constant 9 : i32
            %add3A_1497 = arith.addi %add3A_1242, %add3A_1496 : i32
            %swap3A_1498 = arith.index_cast %select_n3A_1491 : i32 to index
            %swap3A_1499 = memref.load %arg8[%swap3A_1498] : memref<65xi32, #tpu.memory_space<smem>>
            memref.store %add3A_1497, %arg8[%swap3A_1498] : memref<65xi32, #tpu.memory_space<smem>>
            %add3A_1500 = arith.addi %add3A_1474, %squeeze3A_1477 : i32
            %add3A_1501 = arith.addi %add3A_1475, %squeeze3A_1479 : i32
            %slice3A_1502 = vector.extract_strided_slice %get3A_1171 {offsets = [10], sizes = [1], strides = [1]} : vector<16xi32> to vector<1xi32>
            %squeeze3A_1503 = vector.extract %slice3A_1502[0] : i32 from vector<1xi32>
            %slice3A_1504 = vector.extract_strided_slice %get3A_1174 {offsets = [10], sizes = [1], strides = [1]} : vector<16xi32> to vector<1xi32>
            %squeeze3A_1505 = vector.extract %slice3A_1504[0] : i32 from vector<1xi32>
            %gt3A_1506 = arith.constant 0 : i32
            %gt3A_1507 = arith.cmpi sgt, %squeeze3A_1503, %gt3A_1506 : i32
            %min3A_1508 = arith.constant 32 : i32
            %min3A_1509 = arith.minsi %add3A_1500, %min3A_1508 : i32
            %jit3A_1510 = arith.constant 32 : i32
            %select_n3A_1511 = arith.select %gt3A_1507, %min3A_1509, %jit3A_1510 : i32
            %gt3A_1512 = arith.constant 0 : i32
            %gt3A_1513 = arith.cmpi sgt, %squeeze3A_1505, %gt3A_1512 : i32
            %min3A_1514 = arith.constant 64 : i32
            %min3A_1515 = arith.minsi %add3A_1501, %min3A_1514 : i32
            %jit3A_1516 = arith.constant 64 : i32
            %select_n3A_1517 = arith.select %gt3A_1513, %min3A_1515, %jit3A_1516 : i32
            %add3A_1518 = arith.constant 10 : i32
            %add3A_1519 = arith.addi %add3A_1242, %add3A_1518 : i32
            %swap3A_1520 = arith.index_cast %select_n3A_1511 : i32 to index
            %swap3A_1521 = memref.load %arg7[%swap3A_1520] : memref<33xi32, #tpu.memory_space<smem>>
            memref.store %add3A_1519, %arg7[%swap3A_1520] : memref<33xi32, #tpu.memory_space<smem>>
            %add3A_1522 = arith.constant 10 : i32
            %add3A_1523 = arith.addi %add3A_1242, %add3A_1522 : i32
            %swap3A_1524 = arith.index_cast %select_n3A_1517 : i32 to index
            %swap3A_1525 = memref.load %arg8[%swap3A_1524] : memref<65xi32, #tpu.memory_space<smem>>
            memref.store %add3A_1523, %arg8[%swap3A_1524] : memref<65xi32, #tpu.memory_space<smem>>
            %add3A_1526 = arith.addi %add3A_1500, %squeeze3A_1503 : i32
            %add3A_1527 = arith.addi %add3A_1501, %squeeze3A_1505 : i32
            %slice3A_1528 = vector.extract_strided_slice %get3A_1171 {offsets = [11], sizes = [1], strides = [1]} : vector<16xi32> to vector<1xi32>
            %squeeze3A_1529 = vector.extract %slice3A_1528[0] : i32 from vector<1xi32>
            %slice3A_1530 = vector.extract_strided_slice %get3A_1174 {offsets = [11], sizes = [1], strides = [1]} : vector<16xi32> to vector<1xi32>
            %squeeze3A_1531 = vector.extract %slice3A_1530[0] : i32 from vector<1xi32>
            %gt3A_1532 = arith.constant 0 : i32
            %gt3A_1533 = arith.cmpi sgt, %squeeze3A_1529, %gt3A_1532 : i32
            %min3A_1534 = arith.constant 32 : i32
            %min3A_1535 = arith.minsi %add3A_1526, %min3A_1534 : i32
            %jit3A_1536 = arith.constant 32 : i32
            %select_n3A_1537 = arith.select %gt3A_1533, %min3A_1535, %jit3A_1536 : i32
            %gt3A_1538 = arith.constant 0 : i32
            %gt3A_1539 = arith.cmpi sgt, %squeeze3A_1531, %gt3A_1538 : i32
            %min3A_1540 = arith.constant 64 : i32
            %min3A_1541 = arith.minsi %add3A_1527, %min3A_1540 : i32
            %jit3A_1542 = arith.constant 64 : i32
            %select_n3A_1543 = arith.select %gt3A_1539, %min3A_1541, %jit3A_1542 : i32
            %add3A_1544 = arith.constant 11 : i32
            %add3A_1545 = arith.addi %add3A_1242, %add3A_1544 : i32
            %swap3A_1546 = arith.index_cast %select_n3A_1537 : i32 to index
            %swap3A_1547 = memref.load %arg7[%swap3A_1546] : memref<33xi32, #tpu.memory_space<smem>>
            memref.store %add3A_1545, %arg7[%swap3A_1546] : memref<33xi32, #tpu.memory_space<smem>>
            %add3A_1548 = arith.constant 11 : i32
            %add3A_1549 = arith.addi %add3A_1242, %add3A_1548 : i32
            %swap3A_1550 = arith.index_cast %select_n3A_1543 : i32 to index
            %swap3A_1551 = memref.load %arg8[%swap3A_1550] : memref<65xi32, #tpu.memory_space<smem>>
            memref.store %add3A_1549, %arg8[%swap3A_1550] : memref<65xi32, #tpu.memory_space<smem>>
            %add3A_1552 = arith.addi %add3A_1526, %squeeze3A_1529 : i32
            %add3A_1553 = arith.addi %add3A_1527, %squeeze3A_1531 : i32
            %slice3A_1554 = vector.extract_strided_slice %get3A_1171 {offsets = [12], sizes = [1], strides = [1]} : vector<16xi32> to vector<1xi32>
            %squeeze3A_1555 = vector.extract %slice3A_1554[0] : i32 from vector<1xi32>
            %slice3A_1556 = vector.extract_strided_slice %get3A_1174 {offsets = [12], sizes = [1], strides = [1]} : vector<16xi32> to vector<1xi32>
            %squeeze3A_1557 = vector.extract %slice3A_1556[0] : i32 from vector<1xi32>
            %gt3A_1558 = arith.constant 0 : i32
            %gt3A_1559 = arith.cmpi sgt, %squeeze3A_1555, %gt3A_1558 : i32
            %min3A_1560 = arith.constant 32 : i32
            %min3A_1561 = arith.minsi %add3A_1552, %min3A_1560 : i32
            %jit3A_1562 = arith.constant 32 : i32
            %select_n3A_1563 = arith.select %gt3A_1559, %min3A_1561, %jit3A_1562 : i32
            %gt3A_1564 = arith.constant 0 : i32
            %gt3A_1565 = arith.cmpi sgt, %squeeze3A_1557, %gt3A_1564 : i32
            %min3A_1566 = arith.constant 64 : i32
            %min3A_1567 = arith.minsi %add3A_1553, %min3A_1566 : i32
            %jit3A_1568 = arith.constant 64 : i32
            %select_n3A_1569 = arith.select %gt3A_1565, %min3A_1567, %jit3A_1568 : i32
            %add3A_1570 = arith.constant 12 : i32
            %add3A_1571 = arith.addi %add3A_1242, %add3A_1570 : i32
            %swap3A_1572 = arith.index_cast %select_n3A_1563 : i32 to index
            %swap3A_1573 = memref.load %arg7[%swap3A_1572] : memref<33xi32, #tpu.memory_space<smem>>
            memref.store %add3A_1571, %arg7[%swap3A_1572] : memref<33xi32, #tpu.memory_space<smem>>
            %add3A_1574 = arith.constant 12 : i32
            %add3A_1575 = arith.addi %add3A_1242, %add3A_1574 : i32
            %swap3A_1576 = arith.index_cast %select_n3A_1569 : i32 to index
            %swap3A_1577 = memref.load %arg8[%swap3A_1576] : memref<65xi32, #tpu.memory_space<smem>>
            memref.store %add3A_1575, %arg8[%swap3A_1576] : memref<65xi32, #tpu.memory_space<smem>>
            %add3A_1578 = arith.addi %add3A_1552, %squeeze3A_1555 : i32
            %add3A_1579 = arith.addi %add3A_1553, %squeeze3A_1557 : i32
            %slice3A_1580 = vector.extract_strided_slice %get3A_1171 {offsets = [13], sizes = [1], strides = [1]} : vector<16xi32> to vector<1xi32>
            %squeeze3A_1581 = vector.extract %slice3A_1580[0] : i32 from vector<1xi32>
            %slice3A_1582 = vector.extract_strided_slice %get3A_1174 {offsets = [13], sizes = [1], strides = [1]} : vector<16xi32> to vector<1xi32>
            %squeeze3A_1583 = vector.extract %slice3A_1582[0] : i32 from vector<1xi32>
            %gt3A_1584 = arith.constant 0 : i32
            %gt3A_1585 = arith.cmpi sgt, %squeeze3A_1581, %gt3A_1584 : i32
            %min3A_1586 = arith.constant 32 : i32
            %min3A_1587 = arith.minsi %add3A_1578, %min3A_1586 : i32
            %jit3A_1588 = arith.constant 32 : i32
            %select_n3A_1589 = arith.select %gt3A_1585, %min3A_1587, %jit3A_1588 : i32
            %gt3A_1590 = arith.constant 0 : i32
            %gt3A_1591 = arith.cmpi sgt, %squeeze3A_1583, %gt3A_1590 : i32
            %min3A_1592 = arith.constant 64 : i32
            %min3A_1593 = arith.minsi %add3A_1579, %min3A_1592 : i32
            %jit3A_1594 = arith.constant 64 : i32
            %select_n3A_1595 = arith.select %gt3A_1591, %min3A_1593, %jit3A_1594 : i32
            %add3A_1596 = arith.constant 13 : i32
            %add3A_1597 = arith.addi %add3A_1242, %add3A_1596 : i32
            %swap3A_1598 = arith.index_cast %select_n3A_1589 : i32 to index
            %swap3A_1599 = memref.load %arg7[%swap3A_1598] : memref<33xi32, #tpu.memory_space<smem>>
            memref.store %add3A_1597, %arg7[%swap3A_1598] : memref<33xi32, #tpu.memory_space<smem>>
            %add3A_1600 = arith.constant 13 : i32
            %add3A_1601 = arith.addi %add3A_1242, %add3A_1600 : i32
            %swap3A_1602 = arith.index_cast %select_n3A_1595 : i32 to index
            %swap3A_1603 = memref.load %arg8[%swap3A_1602] : memref<65xi32, #tpu.memory_space<smem>>
            memref.store %add3A_1601, %arg8[%swap3A_1602] : memref<65xi32, #tpu.memory_space<smem>>
            %add3A_1604 = arith.addi %add3A_1578, %squeeze3A_1581 : i32
            %add3A_1605 = arith.addi %add3A_1579, %squeeze3A_1583 : i32
            %slice3A_1606 = vector.extract_strided_slice %get3A_1171 {offsets = [14], sizes = [1], strides = [1]} : vector<16xi32> to vector<1xi32>
            %squeeze3A_1607 = vector.extract %slice3A_1606[0] : i32 from vector<1xi32>
            %slice3A_1608 = vector.extract_strided_slice %get3A_1174 {offsets = [14], sizes = [1], strides = [1]} : vector<16xi32> to vector<1xi32>
            %squeeze3A_1609 = vector.extract %slice3A_1608[0] : i32 from vector<1xi32>
            %gt3A_1610 = arith.constant 0 : i32
            %gt3A_1611 = arith.cmpi sgt, %squeeze3A_1607, %gt3A_1610 : i32
            %min3A_1612 = arith.constant 32 : i32
            %min3A_1613 = arith.minsi %add3A_1604, %min3A_1612 : i32
            %jit3A_1614 = arith.constant 32 : i32
            %select_n3A_1615 = arith.select %gt3A_1611, %min3A_1613, %jit3A_1614 : i32
            %gt3A_1616 = arith.constant 0 : i32
            %gt3A_1617 = arith.cmpi sgt, %squeeze3A_1609, %gt3A_1616 : i32
            %min3A_1618 = arith.constant 64 : i32
            %min3A_1619 = arith.minsi %add3A_1605, %min3A_1618 : i32
            %jit3A_1620 = arith.constant 64 : i32
            %select_n3A_1621 = arith.select %gt3A_1617, %min3A_1619, %jit3A_1620 : i32
            %add3A_1622 = arith.constant 14 : i32
            %add3A_1623 = arith.addi %add3A_1242, %add3A_1622 : i32
            %swap3A_1624 = arith.index_cast %select_n3A_1615 : i32 to index
            %swap3A_1625 = memref.load %arg7[%swap3A_1624] : memref<33xi32, #tpu.memory_space<smem>>
            memref.store %add3A_1623, %arg7[%swap3A_1624] : memref<33xi32, #tpu.memory_space<smem>>
            %add3A_1626 = arith.constant 14 : i32
            %add3A_1627 = arith.addi %add3A_1242, %add3A_1626 : i32
            %swap3A_1628 = arith.index_cast %select_n3A_1621 : i32 to index
            %swap3A_1629 = memref.load %arg8[%swap3A_1628] : memref<65xi32, #tpu.memory_space<smem>>
            memref.store %add3A_1627, %arg8[%swap3A_1628] : memref<65xi32, #tpu.memory_space<smem>>
            %add3A_1630 = arith.addi %add3A_1604, %squeeze3A_1607 : i32
            %add3A_1631 = arith.addi %add3A_1605, %squeeze3A_1609 : i32
            %slice3A_1632 = vector.extract_strided_slice %get3A_1171 {offsets = [15], sizes = [1], strides = [1]} : vector<16xi32> to vector<1xi32>
            %squeeze3A_1633 = vector.extract %slice3A_1632[0] : i32 from vector<1xi32>
            %slice3A_1634 = vector.extract_strided_slice %get3A_1174 {offsets = [15], sizes = [1], strides = [1]} : vector<16xi32> to vector<1xi32>
            %squeeze3A_1635 = vector.extract %slice3A_1634[0] : i32 from vector<1xi32>
            %gt3A_1636 = arith.constant 0 : i32
            %gt3A_1637 = arith.cmpi sgt, %squeeze3A_1633, %gt3A_1636 : i32
            %min3A_1638 = arith.constant 32 : i32
            %min3A_1639 = arith.minsi %add3A_1630, %min3A_1638 : i32
            %jit3A_1640 = arith.constant 32 : i32
            %select_n3A_1641 = arith.select %gt3A_1637, %min3A_1639, %jit3A_1640 : i32
            %gt3A_1642 = arith.constant 0 : i32
            %gt3A_1643 = arith.cmpi sgt, %squeeze3A_1635, %gt3A_1642 : i32
            %min3A_1644 = arith.constant 64 : i32
            %min3A_1645 = arith.minsi %add3A_1631, %min3A_1644 : i32
            %jit3A_1646 = arith.constant 64 : i32
            %select_n3A_1647 = arith.select %gt3A_1643, %min3A_1645, %jit3A_1646 : i32
            %add3A_1648 = arith.constant 15 : i32
            %add3A_1649 = arith.addi %add3A_1242, %add3A_1648 : i32
            %swap3A_1650 = arith.index_cast %select_n3A_1641 : i32 to index
            %swap3A_1651 = memref.load %arg7[%swap3A_1650] : memref<33xi32, #tpu.memory_space<smem>>
            memref.store %add3A_1649, %arg7[%swap3A_1650] : memref<33xi32, #tpu.memory_space<smem>>
            %add3A_1652 = arith.constant 15 : i32
            %add3A_1653 = arith.addi %add3A_1242, %add3A_1652 : i32
            %swap3A_1654 = arith.index_cast %select_n3A_1647 : i32 to index
            %swap3A_1655 = memref.load %arg8[%swap3A_1654] : memref<65xi32, #tpu.memory_space<smem>>
            memref.store %add3A_1653, %arg8[%swap3A_1654] : memref<65xi32, #tpu.memory_space<smem>>
            %add3A_1656 = arith.addi %add3A_1630, %squeeze3A_1633 : i32
            %add3A_1657 = arith.addi %add3A_1631, %squeeze3A_1635 : i32
            %swap3A_1658 = arith.constant 0 : i32
            %swap3A_1659 = arith.index_cast %swap3A_1658 : i32 to index
            %swap3A_1660 = memref.load %arg9[%swap3A_1659] : memref<1xi32, #tpu.memory_space<smem>>
            memref.store %add3A_1656, %arg9[%swap3A_1659] : memref<1xi32, #tpu.memory_space<smem>>
            %swap3A_1661 = arith.constant 0 : i32
            %swap3A_1662 = arith.index_cast %swap3A_1661 : i32 to index
            %swap3A_1663 = memref.load %arg10[%swap3A_1662] : memref<1xi32, #tpu.memory_space<smem>>
            memref.store %add3A_1657, %arg10[%swap3A_1662] : memref<1xi32, #tpu.memory_space<smem>>
          } else {
          }
        } else {
        }
      }
      %scan3A_47 = arith.constant 512 : i32
      %get3A = arith.constant 0 : i32
      %get3A_48 = arith.index_cast %get3A : i32 to index
      %get3A_49 = memref.load %arg9[%get3A_48] : memref<1xi32, #tpu.memory_space<smem>>
      %get3A_50 = arith.constant 0 : i32
      %get3A_51 = arith.index_cast %get3A_50 : i32 to index
      %get3A_52 = memref.load %arg10[%get3A_51] : memref<1xi32, #tpu.memory_space<smem>>
      %get3A_53 = arith.constant 0 : i32
      %get3A_54 = arith.index_cast %get3A_53 : i32 to index
      %get3A_55 = memref.load %arg7[%get3A_54] : memref<33xi32, #tpu.memory_space<smem>>
      %get3A_56 = arith.constant 0 : i32
      %get3A_57 = arith.index_cast %get3A_56 : i32 to index
      %get3A_58 = memref.load %arg8[%get3A_57] : memref<65xi32, #tpu.memory_space<smem>>
      %gt3A = arith.constant 0 : i32
      %gt3A_59 = arith.cmpi sgt, %get3A_49, %gt3A : i32
      %get3A_60 = arith.constant 0 : i32
      %get3A_61 = arith.index_cast %get3A_60 : i32 to index
      %get3A_62 = memref.load %arg7[%get3A_61] : memref<33xi32, #tpu.memory_space<smem>>
      %select_n3A_63 = arith.select %gt3A_59, %get3A_62, %get3A_55 : i32
      %broadcast_in_dim3A_64 = vector.broadcast %select_n3A_63 : i32 to vector<16xi32>
      %gt3A_65 = arith.constant 1 : i32
      %gt3A_66 = arith.cmpi sgt, %get3A_49, %gt3A_65 : i32
      %get3A_67 = arith.constant 1 : i32
      %get3A_68 = arith.index_cast %get3A_67 : i32 to index
      %get3A_69 = memref.load %arg7[%get3A_68] : memref<33xi32, #tpu.memory_space<smem>>
      %select_n3A_70 = arith.select %gt3A_66, %get3A_69, %get3A_55 : i32
      %eq3A = arith.constant 1 : i32
      %eq3A_71 = vector.broadcast %eq3A : i32 to vector<16xi32>
      %eq3A_72 = arith.cmpi eq, %iota3A, %eq3A_71 : vector<16xi32>
      %broadcast_in_dim3A_73 = vector.broadcast %select_n3A_70 : i32 to vector<16xi32>
      %select_n3A_74 = arith.select %eq3A_72, %broadcast_in_dim3A_73, %broadcast_in_dim3A_64 : vector<16xi1>, vector<16xi32>
      %gt3A_75 = arith.constant 2 : i32
      %gt3A_76 = arith.cmpi sgt, %get3A_49, %gt3A_75 : i32
      %get3A_77 = arith.constant 2 : i32
      %get3A_78 = arith.index_cast %get3A_77 : i32 to index
      %get3A_79 = memref.load %arg7[%get3A_78] : memref<33xi32, #tpu.memory_space<smem>>
      %select_n3A_80 = arith.select %gt3A_76, %get3A_79, %get3A_55 : i32
      %eq3A_81 = arith.constant 2 : i32
      %eq3A_82 = vector.broadcast %eq3A_81 : i32 to vector<16xi32>
      %eq3A_83 = arith.cmpi eq, %iota3A, %eq3A_82 : vector<16xi32>
      %broadcast_in_dim3A_84 = vector.broadcast %select_n3A_80 : i32 to vector<16xi32>
      %select_n3A_85 = arith.select %eq3A_83, %broadcast_in_dim3A_84, %select_n3A_74 : vector<16xi1>, vector<16xi32>
      %gt3A_86 = arith.constant 3 : i32
      %gt3A_87 = arith.cmpi sgt, %get3A_49, %gt3A_86 : i32
      %get3A_88 = arith.constant 3 : i32
      %get3A_89 = arith.index_cast %get3A_88 : i32 to index
      %get3A_90 = memref.load %arg7[%get3A_89] : memref<33xi32, #tpu.memory_space<smem>>
      %select_n3A_91 = arith.select %gt3A_87, %get3A_90, %get3A_55 : i32
      %eq3A_92 = arith.constant 3 : i32
      %eq3A_93 = vector.broadcast %eq3A_92 : i32 to vector<16xi32>
      %eq3A_94 = arith.cmpi eq, %iota3A, %eq3A_93 : vector<16xi32>
      %broadcast_in_dim3A_95 = vector.broadcast %select_n3A_91 : i32 to vector<16xi32>
      %select_n3A_96 = arith.select %eq3A_94, %broadcast_in_dim3A_95, %select_n3A_85 : vector<16xi1>, vector<16xi32>
      %gt3A_97 = arith.constant 4 : i32
      %gt3A_98 = arith.cmpi sgt, %get3A_49, %gt3A_97 : i32
      %get3A_99 = arith.constant 4 : i32
      %get3A_100 = arith.index_cast %get3A_99 : i32 to index
      %get3A_101 = memref.load %arg7[%get3A_100] : memref<33xi32, #tpu.memory_space<smem>>
      %select_n3A_102 = arith.select %gt3A_98, %get3A_101, %get3A_55 : i32
      %eq3A_103 = arith.constant 4 : i32
      %eq3A_104 = vector.broadcast %eq3A_103 : i32 to vector<16xi32>
      %eq3A_105 = arith.cmpi eq, %iota3A, %eq3A_104 : vector<16xi32>
      %broadcast_in_dim3A_106 = vector.broadcast %select_n3A_102 : i32 to vector<16xi32>
      %select_n3A_107 = arith.select %eq3A_105, %broadcast_in_dim3A_106, %select_n3A_96 : vector<16xi1>, vector<16xi32>
      %gt3A_108 = arith.constant 5 : i32
      %gt3A_109 = arith.cmpi sgt, %get3A_49, %gt3A_108 : i32
      %get3A_110 = arith.constant 5 : i32
      %get3A_111 = arith.index_cast %get3A_110 : i32 to index
      %get3A_112 = memref.load %arg7[%get3A_111] : memref<33xi32, #tpu.memory_space<smem>>
      %select_n3A_113 = arith.select %gt3A_109, %get3A_112, %get3A_55 : i32
      %eq3A_114 = arith.constant 5 : i32
      %eq3A_115 = vector.broadcast %eq3A_114 : i32 to vector<16xi32>
      %eq3A_116 = arith.cmpi eq, %iota3A, %eq3A_115 : vector<16xi32>
      %broadcast_in_dim3A_117 = vector.broadcast %select_n3A_113 : i32 to vector<16xi32>
      %select_n3A_118 = arith.select %eq3A_116, %broadcast_in_dim3A_117, %select_n3A_107 : vector<16xi1>, vector<16xi32>
      %gt3A_119 = arith.constant 6 : i32
      %gt3A_120 = arith.cmpi sgt, %get3A_49, %gt3A_119 : i32
      %get3A_121 = arith.constant 6 : i32
      %get3A_122 = arith.index_cast %get3A_121 : i32 to index
      %get3A_123 = memref.load %arg7[%get3A_122] : memref<33xi32, #tpu.memory_space<smem>>
      %select_n3A_124 = arith.select %gt3A_120, %get3A_123, %get3A_55 : i32
      %eq3A_125 = arith.constant 6 : i32
      %eq3A_126 = vector.broadcast %eq3A_125 : i32 to vector<16xi32>
      %eq3A_127 = arith.cmpi eq, %iota3A, %eq3A_126 : vector<16xi32>
      %broadcast_in_dim3A_128 = vector.broadcast %select_n3A_124 : i32 to vector<16xi32>
      %select_n3A_129 = arith.select %eq3A_127, %broadcast_in_dim3A_128, %select_n3A_118 : vector<16xi1>, vector<16xi32>
      %gt3A_130 = arith.constant 7 : i32
      %gt3A_131 = arith.cmpi sgt, %get3A_49, %gt3A_130 : i32
      %get3A_132 = arith.constant 7 : i32
      %get3A_133 = arith.index_cast %get3A_132 : i32 to index
      %get3A_134 = memref.load %arg7[%get3A_133] : memref<33xi32, #tpu.memory_space<smem>>
      %select_n3A_135 = arith.select %gt3A_131, %get3A_134, %get3A_55 : i32
      %eq3A_136 = arith.constant 7 : i32
      %eq3A_137 = vector.broadcast %eq3A_136 : i32 to vector<16xi32>
      %eq3A_138 = arith.cmpi eq, %iota3A, %eq3A_137 : vector<16xi32>
      %broadcast_in_dim3A_139 = vector.broadcast %select_n3A_135 : i32 to vector<16xi32>
      %select_n3A_140 = arith.select %eq3A_138, %broadcast_in_dim3A_139, %select_n3A_129 : vector<16xi1>, vector<16xi32>
      %gt3A_141 = arith.constant 8 : i32
      %gt3A_142 = arith.cmpi sgt, %get3A_49, %gt3A_141 : i32
      %get3A_143 = arith.constant 8 : i32
      %get3A_144 = arith.index_cast %get3A_143 : i32 to index
      %get3A_145 = memref.load %arg7[%get3A_144] : memref<33xi32, #tpu.memory_space<smem>>
      %select_n3A_146 = arith.select %gt3A_142, %get3A_145, %get3A_55 : i32
      %eq3A_147 = arith.constant 8 : i32
      %eq3A_148 = vector.broadcast %eq3A_147 : i32 to vector<16xi32>
      %eq3A_149 = arith.cmpi eq, %iota3A, %eq3A_148 : vector<16xi32>
      %broadcast_in_dim3A_150 = vector.broadcast %select_n3A_146 : i32 to vector<16xi32>
      %select_n3A_151 = arith.select %eq3A_149, %broadcast_in_dim3A_150, %select_n3A_140 : vector<16xi1>, vector<16xi32>
      %gt3A_152 = arith.constant 9 : i32
      %gt3A_153 = arith.cmpi sgt, %get3A_49, %gt3A_152 : i32
      %get3A_154 = arith.constant 9 : i32
      %get3A_155 = arith.index_cast %get3A_154 : i32 to index
      %get3A_156 = memref.load %arg7[%get3A_155] : memref<33xi32, #tpu.memory_space<smem>>
      %select_n3A_157 = arith.select %gt3A_153, %get3A_156, %get3A_55 : i32
      %eq3A_158 = arith.constant 9 : i32
      %eq3A_159 = vector.broadcast %eq3A_158 : i32 to vector<16xi32>
      %eq3A_160 = arith.cmpi eq, %iota3A, %eq3A_159 : vector<16xi32>
      %broadcast_in_dim3A_161 = vector.broadcast %select_n3A_157 : i32 to vector<16xi32>
      %select_n3A_162 = arith.select %eq3A_160, %broadcast_in_dim3A_161, %select_n3A_151 : vector<16xi1>, vector<16xi32>
      %gt3A_163 = arith.constant 10 : i32
      %gt3A_164 = arith.cmpi sgt, %get3A_49, %gt3A_163 : i32
      %get3A_165 = arith.constant 10 : i32
      %get3A_166 = arith.index_cast %get3A_165 : i32 to index
      %get3A_167 = memref.load %arg7[%get3A_166] : memref<33xi32, #tpu.memory_space<smem>>
      %select_n3A_168 = arith.select %gt3A_164, %get3A_167, %get3A_55 : i32
      %eq3A_169 = arith.constant 10 : i32
      %eq3A_170 = vector.broadcast %eq3A_169 : i32 to vector<16xi32>
      %eq3A_171 = arith.cmpi eq, %iota3A, %eq3A_170 : vector<16xi32>
      %broadcast_in_dim3A_172 = vector.broadcast %select_n3A_168 : i32 to vector<16xi32>
      %select_n3A_173 = arith.select %eq3A_171, %broadcast_in_dim3A_172, %select_n3A_162 : vector<16xi1>, vector<16xi32>
      %gt3A_174 = arith.constant 11 : i32
      %gt3A_175 = arith.cmpi sgt, %get3A_49, %gt3A_174 : i32
      %get3A_176 = arith.constant 11 : i32
      %get3A_177 = arith.index_cast %get3A_176 : i32 to index
      %get3A_178 = memref.load %arg7[%get3A_177] : memref<33xi32, #tpu.memory_space<smem>>
      %select_n3A_179 = arith.select %gt3A_175, %get3A_178, %get3A_55 : i32
      %eq3A_180 = arith.constant 11 : i32
      %eq3A_181 = vector.broadcast %eq3A_180 : i32 to vector<16xi32>
      %eq3A_182 = arith.cmpi eq, %iota3A, %eq3A_181 : vector<16xi32>
      %broadcast_in_dim3A_183 = vector.broadcast %select_n3A_179 : i32 to vector<16xi32>
      %select_n3A_184 = arith.select %eq3A_182, %broadcast_in_dim3A_183, %select_n3A_173 : vector<16xi1>, vector<16xi32>
      %gt3A_185 = arith.constant 12 : i32
      %gt3A_186 = arith.cmpi sgt, %get3A_49, %gt3A_185 : i32
      %get3A_187 = arith.constant 12 : i32
      %get3A_188 = arith.index_cast %get3A_187 : i32 to index
      %get3A_189 = memref.load %arg7[%get3A_188] : memref<33xi32, #tpu.memory_space<smem>>
      %select_n3A_190 = arith.select %gt3A_186, %get3A_189, %get3A_55 : i32
      %eq3A_191 = arith.constant 12 : i32
      %eq3A_192 = vector.broadcast %eq3A_191 : i32 to vector<16xi32>
      %eq3A_193 = arith.cmpi eq, %iota3A, %eq3A_192 : vector<16xi32>
      %broadcast_in_dim3A_194 = vector.broadcast %select_n3A_190 : i32 to vector<16xi32>
      %select_n3A_195 = arith.select %eq3A_193, %broadcast_in_dim3A_194, %select_n3A_184 : vector<16xi1>, vector<16xi32>
      %gt3A_196 = arith.constant 13 : i32
      %gt3A_197 = arith.cmpi sgt, %get3A_49, %gt3A_196 : i32
      %get3A_198 = arith.constant 13 : i32
      %get3A_199 = arith.index_cast %get3A_198 : i32 to index
      %get3A_200 = memref.load %arg7[%get3A_199] : memref<33xi32, #tpu.memory_space<smem>>
      %select_n3A_201 = arith.select %gt3A_197, %get3A_200, %get3A_55 : i32
      %eq3A_202 = arith.constant 13 : i32
      %eq3A_203 = vector.broadcast %eq3A_202 : i32 to vector<16xi32>
      %eq3A_204 = arith.cmpi eq, %iota3A, %eq3A_203 : vector<16xi32>
      %broadcast_in_dim3A_205 = vector.broadcast %select_n3A_201 : i32 to vector<16xi32>
      %select_n3A_206 = arith.select %eq3A_204, %broadcast_in_dim3A_205, %select_n3A_195 : vector<16xi1>, vector<16xi32>
      %gt3A_207 = arith.constant 14 : i32
      %gt3A_208 = arith.cmpi sgt, %get3A_49, %gt3A_207 : i32
      %get3A_209 = arith.constant 14 : i32
      %get3A_210 = arith.index_cast %get3A_209 : i32 to index
      %get3A_211 = memref.load %arg7[%get3A_210] : memref<33xi32, #tpu.memory_space<smem>>
      %select_n3A_212 = arith.select %gt3A_208, %get3A_211, %get3A_55 : i32
      %eq3A_213 = arith.constant 14 : i32
      %eq3A_214 = vector.broadcast %eq3A_213 : i32 to vector<16xi32>
      %eq3A_215 = arith.cmpi eq, %iota3A, %eq3A_214 : vector<16xi32>
      %broadcast_in_dim3A_216 = vector.broadcast %select_n3A_212 : i32 to vector<16xi32>
      %select_n3A_217 = arith.select %eq3A_215, %broadcast_in_dim3A_216, %select_n3A_206 : vector<16xi1>, vector<16xi32>
      %gt3A_218 = arith.constant 15 : i32
      %gt3A_219 = arith.cmpi sgt, %get3A_49, %gt3A_218 : i32
      %get3A_220 = arith.constant 15 : i32
      %get3A_221 = arith.index_cast %get3A_220 : i32 to index
      %get3A_222 = memref.load %arg7[%get3A_221] : memref<33xi32, #tpu.memory_space<smem>>
      %select_n3A_223 = arith.select %gt3A_219, %get3A_222, %get3A_55 : i32
      %eq3A_224 = arith.constant 15 : i32
      %eq3A_225 = vector.broadcast %eq3A_224 : i32 to vector<16xi32>
      %eq3A_226 = arith.cmpi eq, %iota3A, %eq3A_225 : vector<16xi32>
      %broadcast_in_dim3A_227 = vector.broadcast %select_n3A_223 : i32 to vector<16xi32>
      %select_n3A_228 = arith.select %eq3A_226, %broadcast_in_dim3A_227, %select_n3A_217 : vector<16xi1>, vector<16xi32>
      %swap3A_229 = arith.constant 0 : index
      %swap3A_230 = tpu.vector_load %arg12[%swap3A_229] {strides = array<i32>} : memref<32xi32, #tpu.memory_space<vmem>>, vector<16xi32>,
      %swap3A_231 = vector.shape_cast %swap3A_230 : vector<16xi32> to vector<16xi32>
      %swap3A_232 = vector.shape_cast %select_n3A_228 : vector<16xi32> to vector<16xi32>
      tpu.vector_store %arg12[%swap3A_229], %swap3A_232 {strides = array<i32>} : memref<32xi32, #tpu.memory_space<vmem>>, vector<16xi32>,
      %gt3A_233 = arith.constant 16 : i32
      %gt3A_234 = arith.cmpi sgt, %get3A_49, %gt3A_233 : i32
      %get3A_235 = arith.constant 16 : i32
      %get3A_236 = arith.index_cast %get3A_235 : i32 to index
      %get3A_237 = memref.load %arg7[%get3A_236] : memref<33xi32, #tpu.memory_space<smem>>
      %select_n3A_238 = arith.select %gt3A_234, %get3A_237, %get3A_55 : i32
      %broadcast_in_dim3A_239 = vector.broadcast %select_n3A_238 : i32 to vector<16xi32>
      %gt3A_240 = arith.constant 17 : i32
      %gt3A_241 = arith.cmpi sgt, %get3A_49, %gt3A_240 : i32
      %get3A_242 = arith.constant 17 : i32
      %get3A_243 = arith.index_cast %get3A_242 : i32 to index
      %get3A_244 = memref.load %arg7[%get3A_243] : memref<33xi32, #tpu.memory_space<smem>>
      %select_n3A_245 = arith.select %gt3A_241, %get3A_244, %get3A_55 : i32
      %eq3A_246 = arith.constant 1 : i32
      %eq3A_247 = vector.broadcast %eq3A_246 : i32 to vector<16xi32>
      %eq3A_248 = arith.cmpi eq, %iota3A, %eq3A_247 : vector<16xi32>
      %broadcast_in_dim3A_249 = vector.broadcast %select_n3A_245 : i32 to vector<16xi32>
      %select_n3A_250 = arith.select %eq3A_248, %broadcast_in_dim3A_249, %broadcast_in_dim3A_239 : vector<16xi1>, vector<16xi32>
      %gt3A_251 = arith.constant 18 : i32
      %gt3A_252 = arith.cmpi sgt, %get3A_49, %gt3A_251 : i32
      %get3A_253 = arith.constant 18 : i32
      %get3A_254 = arith.index_cast %get3A_253 : i32 to index
      %get3A_255 = memref.load %arg7[%get3A_254] : memref<33xi32, #tpu.memory_space<smem>>
      %select_n3A_256 = arith.select %gt3A_252, %get3A_255, %get3A_55 : i32
      %eq3A_257 = arith.constant 2 : i32
      %eq3A_258 = vector.broadcast %eq3A_257 : i32 to vector<16xi32>
      %eq3A_259 = arith.cmpi eq, %iota3A, %eq3A_258 : vector<16xi32>
      %broadcast_in_dim3A_260 = vector.broadcast %select_n3A_256 : i32 to vector<16xi32>
      %select_n3A_261 = arith.select %eq3A_259, %broadcast_in_dim3A_260, %select_n3A_250 : vector<16xi1>, vector<16xi32>
      %gt3A_262 = arith.constant 19 : i32
      %gt3A_263 = arith.cmpi sgt, %get3A_49, %gt3A_262 : i32
      %get3A_264 = arith.constant 19 : i32
      %get3A_265 = arith.index_cast %get3A_264 : i32 to index
      %get3A_266 = memref.load %arg7[%get3A_265] : memref<33xi32, #tpu.memory_space<smem>>
      %select_n3A_267 = arith.select %gt3A_263, %get3A_266, %get3A_55 : i32
      %eq3A_268 = arith.constant 3 : i32
      %eq3A_269 = vector.broadcast %eq3A_268 : i32 to vector<16xi32>
      %eq3A_270 = arith.cmpi eq, %iota3A, %eq3A_269 : vector<16xi32>
      %broadcast_in_dim3A_271 = vector.broadcast %select_n3A_267 : i32 to vector<16xi32>
      %select_n3A_272 = arith.select %eq3A_270, %broadcast_in_dim3A_271, %select_n3A_261 : vector<16xi1>, vector<16xi32>
      %gt3A_273 = arith.constant 20 : i32
      %gt3A_274 = arith.cmpi sgt, %get3A_49, %gt3A_273 : i32
      %get3A_275 = arith.constant 20 : i32
      %get3A_276 = arith.index_cast %get3A_275 : i32 to index
      %get3A_277 = memref.load %arg7[%get3A_276] : memref<33xi32, #tpu.memory_space<smem>>
      %select_n3A_278 = arith.select %gt3A_274, %get3A_277, %get3A_55 : i32
      %eq3A_279 = arith.constant 4 : i32
      %eq3A_280 = vector.broadcast %eq3A_279 : i32 to vector<16xi32>
      %eq3A_281 = arith.cmpi eq, %iota3A, %eq3A_280 : vector<16xi32>
      %broadcast_in_dim3A_282 = vector.broadcast %select_n3A_278 : i32 to vector<16xi32>
      %select_n3A_283 = arith.select %eq3A_281, %broadcast_in_dim3A_282, %select_n3A_272 : vector<16xi1>, vector<16xi32>
      %gt3A_284 = arith.constant 21 : i32
      %gt3A_285 = arith.cmpi sgt, %get3A_49, %gt3A_284 : i32
      %get3A_286 = arith.constant 21 : i32
      %get3A_287 = arith.index_cast %get3A_286 : i32 to index
      %get3A_288 = memref.load %arg7[%get3A_287] : memref<33xi32, #tpu.memory_space<smem>>
      %select_n3A_289 = arith.select %gt3A_285, %get3A_288, %get3A_55 : i32
      %eq3A_290 = arith.constant 5 : i32
      %eq3A_291 = vector.broadcast %eq3A_290 : i32 to vector<16xi32>
      %eq3A_292 = arith.cmpi eq, %iota3A, %eq3A_291 : vector<16xi32>
      %broadcast_in_dim3A_293 = vector.broadcast %select_n3A_289 : i32 to vector<16xi32>
      %select_n3A_294 = arith.select %eq3A_292, %broadcast_in_dim3A_293, %select_n3A_283 : vector<16xi1>, vector<16xi32>
      %gt3A_295 = arith.constant 22 : i32
      %gt3A_296 = arith.cmpi sgt, %get3A_49, %gt3A_295 : i32
      %get3A_297 = arith.constant 22 : i32
      %get3A_298 = arith.index_cast %get3A_297 : i32 to index
      %get3A_299 = memref.load %arg7[%get3A_298] : memref<33xi32, #tpu.memory_space<smem>>
      %select_n3A_300 = arith.select %gt3A_296, %get3A_299, %get3A_55 : i32
      %eq3A_301 = arith.constant 6 : i32
      %eq3A_302 = vector.broadcast %eq3A_301 : i32 to vector<16xi32>
      %eq3A_303 = arith.cmpi eq, %iota3A, %eq3A_302 : vector<16xi32>
      %broadcast_in_dim3A_304 = vector.broadcast %select_n3A_300 : i32 to vector<16xi32>
      %select_n3A_305 = arith.select %eq3A_303, %broadcast_in_dim3A_304, %select_n3A_294 : vector<16xi1>, vector<16xi32>
      %gt3A_306 = arith.constant 23 : i32
      %gt3A_307 = arith.cmpi sgt, %get3A_49, %gt3A_306 : i32
      %get3A_308 = arith.constant 23 : i32
      %get3A_309 = arith.index_cast %get3A_308 : i32 to index
      %get3A_310 = memref.load %arg7[%get3A_309] : memref<33xi32, #tpu.memory_space<smem>>
      %select_n3A_311 = arith.select %gt3A_307, %get3A_310, %get3A_55 : i32
      %eq3A_312 = arith.constant 7 : i32
      %eq3A_313 = vector.broadcast %eq3A_312 : i32 to vector<16xi32>
      %eq3A_314 = arith.cmpi eq, %iota3A, %eq3A_313 : vector<16xi32>
      %broadcast_in_dim3A_315 = vector.broadcast %select_n3A_311 : i32 to vector<16xi32>
      %select_n3A_316 = arith.select %eq3A_314, %broadcast_in_dim3A_315, %select_n3A_305 : vector<16xi1>, vector<16xi32>
      %gt3A_317 = arith.constant 24 : i32
      %gt3A_318 = arith.cmpi sgt, %get3A_49, %gt3A_317 : i32
      %get3A_319 = arith.constant 24 : i32
      %get3A_320 = arith.index_cast %get3A_319 : i32 to index
      %get3A_321 = memref.load %arg7[%get3A_320] : memref<33xi32, #tpu.memory_space<smem>>
      %select_n3A_322 = arith.select %gt3A_318, %get3A_321, %get3A_55 : i32
      %eq3A_323 = arith.constant 8 : i32
      %eq3A_324 = vector.broadcast %eq3A_323 : i32 to vector<16xi32>
      %eq3A_325 = arith.cmpi eq, %iota3A, %eq3A_324 : vector<16xi32>
      %broadcast_in_dim3A_326 = vector.broadcast %select_n3A_322 : i32 to vector<16xi32>
      %select_n3A_327 = arith.select %eq3A_325, %broadcast_in_dim3A_326, %select_n3A_316 : vector<16xi1>, vector<16xi32>
      %gt3A_328 = arith.constant 25 : i32
      %gt3A_329 = arith.cmpi sgt, %get3A_49, %gt3A_328 : i32
      %get3A_330 = arith.constant 25 : i32
      %get3A_331 = arith.index_cast %get3A_330 : i32 to index
      %get3A_332 = memref.load %arg7[%get3A_331] : memref<33xi32, #tpu.memory_space<smem>>
      %select_n3A_333 = arith.select %gt3A_329, %get3A_332, %get3A_55 : i32
      %eq3A_334 = arith.constant 9 : i32
      %eq3A_335 = vector.broadcast %eq3A_334 : i32 to vector<16xi32>
      %eq3A_336 = arith.cmpi eq, %iota3A, %eq3A_335 : vector<16xi32>
      %broadcast_in_dim3A_337 = vector.broadcast %select_n3A_333 : i32 to vector<16xi32>
      %select_n3A_338 = arith.select %eq3A_336, %broadcast_in_dim3A_337, %select_n3A_327 : vector<16xi1>, vector<16xi32>
      %gt3A_339 = arith.constant 26 : i32
      %gt3A_340 = arith.cmpi sgt, %get3A_49, %gt3A_339 : i32
      %get3A_341 = arith.constant 26 : i32
      %get3A_342 = arith.index_cast %get3A_341 : i32 to index
      %get3A_343 = memref.load %arg7[%get3A_342] : memref<33xi32, #tpu.memory_space<smem>>
      %select_n3A_344 = arith.select %gt3A_340, %get3A_343, %get3A_55 : i32
      %eq3A_345 = arith.constant 10 : i32
      %eq3A_346 = vector.broadcast %eq3A_345 : i32 to vector<16xi32>
      %eq3A_347 = arith.cmpi eq, %iota3A, %eq3A_346 : vector<16xi32>
      %broadcast_in_dim3A_348 = vector.broadcast %select_n3A_344 : i32 to vector<16xi32>
      %select_n3A_349 = arith.select %eq3A_347, %broadcast_in_dim3A_348, %select_n3A_338 : vector<16xi1>, vector<16xi32>
      %gt3A_350 = arith.constant 27 : i32
      %gt3A_351 = arith.cmpi sgt, %get3A_49, %gt3A_350 : i32
      %get3A_352 = arith.constant 27 : i32
      %get3A_353 = arith.index_cast %get3A_352 : i32 to index
      %get3A_354 = memref.load %arg7[%get3A_353] : memref<33xi32, #tpu.memory_space<smem>>
      %select_n3A_355 = arith.select %gt3A_351, %get3A_354, %get3A_55 : i32
      %eq3A_356 = arith.constant 11 : i32
      %eq3A_357 = vector.broadcast %eq3A_356 : i32 to vector<16xi32>
      %eq3A_358 = arith.cmpi eq, %iota3A, %eq3A_357 : vector<16xi32>
      %broadcast_in_dim3A_359 = vector.broadcast %select_n3A_355 : i32 to vector<16xi32>
      %select_n3A_360 = arith.select %eq3A_358, %broadcast_in_dim3A_359, %select_n3A_349 : vector<16xi1>, vector<16xi32>
      %gt3A_361 = arith.constant 28 : i32
      %gt3A_362 = arith.cmpi sgt, %get3A_49, %gt3A_361 : i32
      %get3A_363 = arith.constant 28 : i32
      %get3A_364 = arith.index_cast %get3A_363 : i32 to index
      %get3A_365 = memref.load %arg7[%get3A_364] : memref<33xi32, #tpu.memory_space<smem>>
      %select_n3A_366 = arith.select %gt3A_362, %get3A_365, %get3A_55 : i32
      %eq3A_367 = arith.constant 12 : i32
      %eq3A_368 = vector.broadcast %eq3A_367 : i32 to vector<16xi32>
      %eq3A_369 = arith.cmpi eq, %iota3A, %eq3A_368 : vector<16xi32>
      %broadcast_in_dim3A_370 = vector.broadcast %select_n3A_366 : i32 to vector<16xi32>
      %select_n3A_371 = arith.select %eq3A_369, %broadcast_in_dim3A_370, %select_n3A_360 : vector<16xi1>, vector<16xi32>
      %gt3A_372 = arith.constant 29 : i32
      %gt3A_373 = arith.cmpi sgt, %get3A_49, %gt3A_372 : i32
      %get3A_374 = arith.constant 29 : i32
      %get3A_375 = arith.index_cast %get3A_374 : i32 to index
      %get3A_376 = memref.load %arg7[%get3A_375] : memref<33xi32, #tpu.memory_space<smem>>
      %select_n3A_377 = arith.select %gt3A_373, %get3A_376, %get3A_55 : i32
      %eq3A_378 = arith.constant 13 : i32
      %eq3A_379 = vector.broadcast %eq3A_378 : i32 to vector<16xi32>
      %eq3A_380 = arith.cmpi eq, %iota3A, %eq3A_379 : vector<16xi32>
      %broadcast_in_dim3A_381 = vector.broadcast %select_n3A_377 : i32 to vector<16xi32>
      %select_n3A_382 = arith.select %eq3A_380, %broadcast_in_dim3A_381, %select_n3A_371 : vector<16xi1>, vector<16xi32>
      %gt3A_383 = arith.constant 30 : i32
      %gt3A_384 = arith.cmpi sgt, %get3A_49, %gt3A_383 : i32
      %get3A_385 = arith.constant 30 : i32
      %get3A_386 = arith.index_cast %get3A_385 : i32 to index
      %get3A_387 = memref.load %arg7[%get3A_386] : memref<33xi32, #tpu.memory_space<smem>>
      %select_n3A_388 = arith.select %gt3A_384, %get3A_387, %get3A_55 : i32
      %eq3A_389 = arith.constant 14 : i32
      %eq3A_390 = vector.broadcast %eq3A_389 : i32 to vector<16xi32>
      %eq3A_391 = arith.cmpi eq, %iota3A, %eq3A_390 : vector<16xi32>
      %broadcast_in_dim3A_392 = vector.broadcast %select_n3A_388 : i32 to vector<16xi32>
      %select_n3A_393 = arith.select %eq3A_391, %broadcast_in_dim3A_392, %select_n3A_382 : vector<16xi1>, vector<16xi32>
      %gt3A_394 = arith.constant 31 : i32
      %gt3A_395 = arith.cmpi sgt, %get3A_49, %gt3A_394 : i32
      %get3A_396 = arith.constant 31 : i32
      %get3A_397 = arith.index_cast %get3A_396 : i32 to index
      %get3A_398 = memref.load %arg7[%get3A_397] : memref<33xi32, #tpu.memory_space<smem>>
      %select_n3A_399 = arith.select %gt3A_395, %get3A_398, %get3A_55 : i32
      %eq3A_400 = arith.constant 15 : i32
      %eq3A_401 = vector.broadcast %eq3A_400 : i32 to vector<16xi32>
      %eq3A_402 = arith.cmpi eq, %iota3A, %eq3A_401 : vector<16xi32>
      %broadcast_in_dim3A_403 = vector.broadcast %select_n3A_399 : i32 to vector<16xi32>
      %select_n3A_404 = arith.select %eq3A_402, %broadcast_in_dim3A_403, %select_n3A_393 : vector<16xi1>, vector<16xi32>
      %swap3A_405 = arith.constant 16 : index
      %swap3A_406 = tpu.vector_load %arg12[%swap3A_405] {strides = array<i32>} : memref<32xi32, #tpu.memory_space<vmem>>, vector<16xi32>,
      %swap3A_407 = vector.shape_cast %swap3A_406 : vector<16xi32> to vector<16xi32>
      %swap3A_408 = vector.shape_cast %select_n3A_404 : vector<16xi32> to vector<16xi32>
      tpu.vector_store %arg12[%swap3A_405], %swap3A_408 {strides = array<i32>} : memref<32xi32, #tpu.memory_space<vmem>>, vector<16xi32>,
      %gt3A_409 = arith.constant 0 : i32
      %gt3A_410 = arith.cmpi sgt, %get3A_52, %gt3A_409 : i32
      %get3A_411 = arith.constant 0 : i32
      %get3A_412 = arith.index_cast %get3A_411 : i32 to index
      %get3A_413 = memref.load %arg8[%get3A_412] : memref<65xi32, #tpu.memory_space<smem>>
      %select_n3A_414 = arith.select %gt3A_410, %get3A_413, %get3A_58 : i32
      %broadcast_in_dim3A_415 = vector.broadcast %select_n3A_414 : i32 to vector<16xi32>
      %gt3A_416 = arith.constant 1 : i32
      %gt3A_417 = arith.cmpi sgt, %get3A_52, %gt3A_416 : i32
      %get3A_418 = arith.constant 1 : i32
      %get3A_419 = arith.index_cast %get3A_418 : i32 to index
      %get3A_420 = memref.load %arg8[%get3A_419] : memref<65xi32, #tpu.memory_space<smem>>
      %select_n3A_421 = arith.select %gt3A_417, %get3A_420, %get3A_58 : i32
      %eq3A_422 = arith.constant 1 : i32
      %eq3A_423 = vector.broadcast %eq3A_422 : i32 to vector<16xi32>
      %eq3A_424 = arith.cmpi eq, %iota3A, %eq3A_423 : vector<16xi32>
      %broadcast_in_dim3A_425 = vector.broadcast %select_n3A_421 : i32 to vector<16xi32>
      %select_n3A_426 = arith.select %eq3A_424, %broadcast_in_dim3A_425, %broadcast_in_dim3A_415 : vector<16xi1>, vector<16xi32>
      %gt3A_427 = arith.constant 2 : i32
      %gt3A_428 = arith.cmpi sgt, %get3A_52, %gt3A_427 : i32
      %get3A_429 = arith.constant 2 : i32
      %get3A_430 = arith.index_cast %get3A_429 : i32 to index
      %get3A_431 = memref.load %arg8[%get3A_430] : memref<65xi32, #tpu.memory_space<smem>>
      %select_n3A_432 = arith.select %gt3A_428, %get3A_431, %get3A_58 : i32
      %eq3A_433 = arith.constant 2 : i32
      %eq3A_434 = vector.broadcast %eq3A_433 : i32 to vector<16xi32>
      %eq3A_435 = arith.cmpi eq, %iota3A, %eq3A_434 : vector<16xi32>
      %broadcast_in_dim3A_436 = vector.broadcast %select_n3A_432 : i32 to vector<16xi32>
      %select_n3A_437 = arith.select %eq3A_435, %broadcast_in_dim3A_436, %select_n3A_426 : vector<16xi1>, vector<16xi32>
      %gt3A_438 = arith.constant 3 : i32
      %gt3A_439 = arith.cmpi sgt, %get3A_52, %gt3A_438 : i32
      %get3A_440 = arith.constant 3 : i32
      %get3A_441 = arith.index_cast %get3A_440 : i32 to index
      %get3A_442 = memref.load %arg8[%get3A_441] : memref<65xi32, #tpu.memory_space<smem>>
      %select_n3A_443 = arith.select %gt3A_439, %get3A_442, %get3A_58 : i32
      %eq3A_444 = arith.constant 3 : i32
      %eq3A_445 = vector.broadcast %eq3A_444 : i32 to vector<16xi32>
      %eq3A_446 = arith.cmpi eq, %iota3A, %eq3A_445 : vector<16xi32>
      %broadcast_in_dim3A_447 = vector.broadcast %select_n3A_443 : i32 to vector<16xi32>
      %select_n3A_448 = arith.select %eq3A_446, %broadcast_in_dim3A_447, %select_n3A_437 : vector<16xi1>, vector<16xi32>
      %gt3A_449 = arith.constant 4 : i32
      %gt3A_450 = arith.cmpi sgt, %get3A_52, %gt3A_449 : i32
      %get3A_451 = arith.constant 4 : i32
      %get3A_452 = arith.index_cast %get3A_451 : i32 to index
      %get3A_453 = memref.load %arg8[%get3A_452] : memref<65xi32, #tpu.memory_space<smem>>
      %select_n3A_454 = arith.select %gt3A_450, %get3A_453, %get3A_58 : i32
      %eq3A_455 = arith.constant 4 : i32
      %eq3A_456 = vector.broadcast %eq3A_455 : i32 to vector<16xi32>
      %eq3A_457 = arith.cmpi eq, %iota3A, %eq3A_456 : vector<16xi32>
      %broadcast_in_dim3A_458 = vector.broadcast %select_n3A_454 : i32 to vector<16xi32>
      %select_n3A_459 = arith.select %eq3A_457, %broadcast_in_dim3A_458, %select_n3A_448 : vector<16xi1>, vector<16xi32>
      %gt3A_460 = arith.constant 5 : i32
      %gt3A_461 = arith.cmpi sgt, %get3A_52, %gt3A_460 : i32
      %get3A_462 = arith.constant 5 : i32
      %get3A_463 = arith.index_cast %get3A_462 : i32 to index
      %get3A_464 = memref.load %arg8[%get3A_463] : memref<65xi32, #tpu.memory_space<smem>>
      %select_n3A_465 = arith.select %gt3A_461, %get3A_464, %get3A_58 : i32
      %eq3A_466 = arith.constant 5 : i32
      %eq3A_467 = vector.broadcast %eq3A_466 : i32 to vector<16xi32>
      %eq3A_468 = arith.cmpi eq, %iota3A, %eq3A_467 : vector<16xi32>
      %broadcast_in_dim3A_469 = vector.broadcast %select_n3A_465 : i32 to vector<16xi32>
      %select_n3A_470 = arith.select %eq3A_468, %broadcast_in_dim3A_469, %select_n3A_459 : vector<16xi1>, vector<16xi32>
      %gt3A_471 = arith.constant 6 : i32
      %gt3A_472 = arith.cmpi sgt, %get3A_52, %gt3A_471 : i32
      %get3A_473 = arith.constant 6 : i32
      %get3A_474 = arith.index_cast %get3A_473 : i32 to index
      %get3A_475 = memref.load %arg8[%get3A_474] : memref<65xi32, #tpu.memory_space<smem>>
      %select_n3A_476 = arith.select %gt3A_472, %get3A_475, %get3A_58 : i32
      %eq3A_477 = arith.constant 6 : i32
      %eq3A_478 = vector.broadcast %eq3A_477 : i32 to vector<16xi32>
      %eq3A_479 = arith.cmpi eq, %iota3A, %eq3A_478 : vector<16xi32>
      %broadcast_in_dim3A_480 = vector.broadcast %select_n3A_476 : i32 to vector<16xi32>
      %select_n3A_481 = arith.select %eq3A_479, %broadcast_in_dim3A_480, %select_n3A_470 : vector<16xi1>, vector<16xi32>
      %gt3A_482 = arith.constant 7 : i32
      %gt3A_483 = arith.cmpi sgt, %get3A_52, %gt3A_482 : i32
      %get3A_484 = arith.constant 7 : i32
      %get3A_485 = arith.index_cast %get3A_484 : i32 to index
      %get3A_486 = memref.load %arg8[%get3A_485] : memref<65xi32, #tpu.memory_space<smem>>
      %select_n3A_487 = arith.select %gt3A_483, %get3A_486, %get3A_58 : i32
      %eq3A_488 = arith.constant 7 : i32
      %eq3A_489 = vector.broadcast %eq3A_488 : i32 to vector<16xi32>
      %eq3A_490 = arith.cmpi eq, %iota3A, %eq3A_489 : vector<16xi32>
      %broadcast_in_dim3A_491 = vector.broadcast %select_n3A_487 : i32 to vector<16xi32>
      %select_n3A_492 = arith.select %eq3A_490, %broadcast_in_dim3A_491, %select_n3A_481 : vector<16xi1>, vector<16xi32>
      %gt3A_493 = arith.constant 8 : i32
      %gt3A_494 = arith.cmpi sgt, %get3A_52, %gt3A_493 : i32
      %get3A_495 = arith.constant 8 : i32
      %get3A_496 = arith.index_cast %get3A_495 : i32 to index
      %get3A_497 = memref.load %arg8[%get3A_496] : memref<65xi32, #tpu.memory_space<smem>>
      %select_n3A_498 = arith.select %gt3A_494, %get3A_497, %get3A_58 : i32
      %eq3A_499 = arith.constant 8 : i32
      %eq3A_500 = vector.broadcast %eq3A_499 : i32 to vector<16xi32>
      %eq3A_501 = arith.cmpi eq, %iota3A, %eq3A_500 : vector<16xi32>
      %broadcast_in_dim3A_502 = vector.broadcast %select_n3A_498 : i32 to vector<16xi32>
      %select_n3A_503 = arith.select %eq3A_501, %broadcast_in_dim3A_502, %select_n3A_492 : vector<16xi1>, vector<16xi32>
      %gt3A_504 = arith.constant 9 : i32
      %gt3A_505 = arith.cmpi sgt, %get3A_52, %gt3A_504 : i32
      %get3A_506 = arith.constant 9 : i32
      %get3A_507 = arith.index_cast %get3A_506 : i32 to index
      %get3A_508 = memref.load %arg8[%get3A_507] : memref<65xi32, #tpu.memory_space<smem>>
      %select_n3A_509 = arith.select %gt3A_505, %get3A_508, %get3A_58 : i32
      %eq3A_510 = arith.constant 9 : i32
      %eq3A_511 = vector.broadcast %eq3A_510 : i32 to vector<16xi32>
      %eq3A_512 = arith.cmpi eq, %iota3A, %eq3A_511 : vector<16xi32>
      %broadcast_in_dim3A_513 = vector.broadcast %select_n3A_509 : i32 to vector<16xi32>
      %select_n3A_514 = arith.select %eq3A_512, %broadcast_in_dim3A_513, %select_n3A_503 : vector<16xi1>, vector<16xi32>
      %gt3A_515 = arith.constant 10 : i32
      %gt3A_516 = arith.cmpi sgt, %get3A_52, %gt3A_515 : i32
      %get3A_517 = arith.constant 10 : i32
      %get3A_518 = arith.index_cast %get3A_517 : i32 to index
      %get3A_519 = memref.load %arg8[%get3A_518] : memref<65xi32, #tpu.memory_space<smem>>
      %select_n3A_520 = arith.select %gt3A_516, %get3A_519, %get3A_58 : i32
      %eq3A_521 = arith.constant 10 : i32
      %eq3A_522 = vector.broadcast %eq3A_521 : i32 to vector<16xi32>
      %eq3A_523 = arith.cmpi eq, %iota3A, %eq3A_522 : vector<16xi32>
      %broadcast_in_dim3A_524 = vector.broadcast %select_n3A_520 : i32 to vector<16xi32>
      %select_n3A_525 = arith.select %eq3A_523, %broadcast_in_dim3A_524, %select_n3A_514 : vector<16xi1>, vector<16xi32>
      %gt3A_526 = arith.constant 11 : i32
      %gt3A_527 = arith.cmpi sgt, %get3A_52, %gt3A_526 : i32
      %get3A_528 = arith.constant 11 : i32
      %get3A_529 = arith.index_cast %get3A_528 : i32 to index
      %get3A_530 = memref.load %arg8[%get3A_529] : memref<65xi32, #tpu.memory_space<smem>>
      %select_n3A_531 = arith.select %gt3A_527, %get3A_530, %get3A_58 : i32
      %eq3A_532 = arith.constant 11 : i32
      %eq3A_533 = vector.broadcast %eq3A_532 : i32 to vector<16xi32>
      %eq3A_534 = arith.cmpi eq, %iota3A, %eq3A_533 : vector<16xi32>
      %broadcast_in_dim3A_535 = vector.broadcast %select_n3A_531 : i32 to vector<16xi32>
      %select_n3A_536 = arith.select %eq3A_534, %broadcast_in_dim3A_535, %select_n3A_525 : vector<16xi1>, vector<16xi32>
      %gt3A_537 = arith.constant 12 : i32
      %gt3A_538 = arith.cmpi sgt, %get3A_52, %gt3A_537 : i32
      %get3A_539 = arith.constant 12 : i32
      %get3A_540 = arith.index_cast %get3A_539 : i32 to index
      %get3A_541 = memref.load %arg8[%get3A_540] : memref<65xi32, #tpu.memory_space<smem>>
      %select_n3A_542 = arith.select %gt3A_538, %get3A_541, %get3A_58 : i32
      %eq3A_543 = arith.constant 12 : i32
      %eq3A_544 = vector.broadcast %eq3A_543 : i32 to vector<16xi32>
      %eq3A_545 = arith.cmpi eq, %iota3A, %eq3A_544 : vector<16xi32>
      %broadcast_in_dim3A_546 = vector.broadcast %select_n3A_542 : i32 to vector<16xi32>
      %select_n3A_547 = arith.select %eq3A_545, %broadcast_in_dim3A_546, %select_n3A_536 : vector<16xi1>, vector<16xi32>
      %gt3A_548 = arith.constant 13 : i32
      %gt3A_549 = arith.cmpi sgt, %get3A_52, %gt3A_548 : i32
      %get3A_550 = arith.constant 13 : i32
      %get3A_551 = arith.index_cast %get3A_550 : i32 to index
      %get3A_552 = memref.load %arg8[%get3A_551] : memref<65xi32, #tpu.memory_space<smem>>
      %select_n3A_553 = arith.select %gt3A_549, %get3A_552, %get3A_58 : i32
      %eq3A_554 = arith.constant 13 : i32
      %eq3A_555 = vector.broadcast %eq3A_554 : i32 to vector<16xi32>
      %eq3A_556 = arith.cmpi eq, %iota3A, %eq3A_555 : vector<16xi32>
      %broadcast_in_dim3A_557 = vector.broadcast %select_n3A_553 : i32 to vector<16xi32>
      %select_n3A_558 = arith.select %eq3A_556, %broadcast_in_dim3A_557, %select_n3A_547 : vector<16xi1>, vector<16xi32>
      %gt3A_559 = arith.constant 14 : i32
      %gt3A_560 = arith.cmpi sgt, %get3A_52, %gt3A_559 : i32
      %get3A_561 = arith.constant 14 : i32
      %get3A_562 = arith.index_cast %get3A_561 : i32 to index
      %get3A_563 = memref.load %arg8[%get3A_562] : memref<65xi32, #tpu.memory_space<smem>>
      %select_n3A_564 = arith.select %gt3A_560, %get3A_563, %get3A_58 : i32
      %eq3A_565 = arith.constant 14 : i32
      %eq3A_566 = vector.broadcast %eq3A_565 : i32 to vector<16xi32>
      %eq3A_567 = arith.cmpi eq, %iota3A, %eq3A_566 : vector<16xi32>
      %broadcast_in_dim3A_568 = vector.broadcast %select_n3A_564 : i32 to vector<16xi32>
      %select_n3A_569 = arith.select %eq3A_567, %broadcast_in_dim3A_568, %select_n3A_558 : vector<16xi1>, vector<16xi32>
      %gt3A_570 = arith.constant 15 : i32
      %gt3A_571 = arith.cmpi sgt, %get3A_52, %gt3A_570 : i32
      %get3A_572 = arith.constant 15 : i32
      %get3A_573 = arith.index_cast %get3A_572 : i32 to index
      %get3A_574 = memref.load %arg8[%get3A_573] : memref<65xi32, #tpu.memory_space<smem>>
      %select_n3A_575 = arith.select %gt3A_571, %get3A_574, %get3A_58 : i32
      %eq3A_576 = arith.constant 15 : i32
      %eq3A_577 = vector.broadcast %eq3A_576 : i32 to vector<16xi32>
      %eq3A_578 = arith.cmpi eq, %iota3A, %eq3A_577 : vector<16xi32>
      %broadcast_in_dim3A_579 = vector.broadcast %select_n3A_575 : i32 to vector<16xi32>
      %select_n3A_580 = arith.select %eq3A_578, %broadcast_in_dim3A_579, %select_n3A_569 : vector<16xi1>, vector<16xi32>
      %swap3A_581 = arith.constant 0 : index
      %swap3A_582 = tpu.vector_load %arg13[%swap3A_581] {strides = array<i32>} : memref<64xi32, #tpu.memory_space<vmem>>, vector<16xi32>,
      %swap3A_583 = vector.shape_cast %swap3A_582 : vector<16xi32> to vector<16xi32>
      %swap3A_584 = vector.shape_cast %select_n3A_580 : vector<16xi32> to vector<16xi32>
      tpu.vector_store %arg13[%swap3A_581], %swap3A_584 {strides = array<i32>} : memref<64xi32, #tpu.memory_space<vmem>>, vector<16xi32>,
      %gt3A_585 = arith.constant 16 : i32
      %gt3A_586 = arith.cmpi sgt, %get3A_52, %gt3A_585 : i32
      %get3A_587 = arith.constant 16 : i32
      %get3A_588 = arith.index_cast %get3A_587 : i32 to index
      %get3A_589 = memref.load %arg8[%get3A_588] : memref<65xi32, #tpu.memory_space<smem>>
      %select_n3A_590 = arith.select %gt3A_586, %get3A_589, %get3A_58 : i32
      %broadcast_in_dim3A_591 = vector.broadcast %select_n3A_590 : i32 to vector<16xi32>
      %gt3A_592 = arith.constant 17 : i32
      %gt3A_593 = arith.cmpi sgt, %get3A_52, %gt3A_592 : i32
      %get3A_594 = arith.constant 17 : i32
      %get3A_595 = arith.index_cast %get3A_594 : i32 to index
      %get3A_596 = memref.load %arg8[%get3A_595] : memref<65xi32, #tpu.memory_space<smem>>
      %select_n3A_597 = arith.select %gt3A_593, %get3A_596, %get3A_58 : i32
      %eq3A_598 = arith.constant 1 : i32
      %eq3A_599 = vector.broadcast %eq3A_598 : i32 to vector<16xi32>
      %eq3A_600 = arith.cmpi eq, %iota3A, %eq3A_599 : vector<16xi32>
      %broadcast_in_dim3A_601 = vector.broadcast %select_n3A_597 : i32 to vector<16xi32>
      %select_n3A_602 = arith.select %eq3A_600, %broadcast_in_dim3A_601, %broadcast_in_dim3A_591 : vector<16xi1>, vector<16xi32>
      %gt3A_603 = arith.constant 18 : i32
      %gt3A_604 = arith.cmpi sgt, %get3A_52, %gt3A_603 : i32
      %get3A_605 = arith.constant 18 : i32
      %get3A_606 = arith.index_cast %get3A_605 : i32 to index
      %get3A_607 = memref.load %arg8[%get3A_606] : memref<65xi32, #tpu.memory_space<smem>>
      %select_n3A_608 = arith.select %gt3A_604, %get3A_607, %get3A_58 : i32
      %eq3A_609 = arith.constant 2 : i32
      %eq3A_610 = vector.broadcast %eq3A_609 : i32 to vector<16xi32>
      %eq3A_611 = arith.cmpi eq, %iota3A, %eq3A_610 : vector<16xi32>
      %broadcast_in_dim3A_612 = vector.broadcast %select_n3A_608 : i32 to vector<16xi32>
      %select_n3A_613 = arith.select %eq3A_611, %broadcast_in_dim3A_612, %select_n3A_602 : vector<16xi1>, vector<16xi32>
      %gt3A_614 = arith.constant 19 : i32
      %gt3A_615 = arith.cmpi sgt, %get3A_52, %gt3A_614 : i32
      %get3A_616 = arith.constant 19 : i32
      %get3A_617 = arith.index_cast %get3A_616 : i32 to index
      %get3A_618 = memref.load %arg8[%get3A_617] : memref<65xi32, #tpu.memory_space<smem>>
      %select_n3A_619 = arith.select %gt3A_615, %get3A_618, %get3A_58 : i32
      %eq3A_620 = arith.constant 3 : i32
      %eq3A_621 = vector.broadcast %eq3A_620 : i32 to vector<16xi32>
      %eq3A_622 = arith.cmpi eq, %iota3A, %eq3A_621 : vector<16xi32>
      %broadcast_in_dim3A_623 = vector.broadcast %select_n3A_619 : i32 to vector<16xi32>
      %select_n3A_624 = arith.select %eq3A_622, %broadcast_in_dim3A_623, %select_n3A_613 : vector<16xi1>, vector<16xi32>
      %gt3A_625 = arith.constant 20 : i32
      %gt3A_626 = arith.cmpi sgt, %get3A_52, %gt3A_625 : i32
      %get3A_627 = arith.constant 20 : i32
      %get3A_628 = arith.index_cast %get3A_627 : i32 to index
      %get3A_629 = memref.load %arg8[%get3A_628] : memref<65xi32, #tpu.memory_space<smem>>
      %select_n3A_630 = arith.select %gt3A_626, %get3A_629, %get3A_58 : i32
      %eq3A_631 = arith.constant 4 : i32
      %eq3A_632 = vector.broadcast %eq3A_631 : i32 to vector<16xi32>
      %eq3A_633 = arith.cmpi eq, %iota3A, %eq3A_632 : vector<16xi32>
      %broadcast_in_dim3A_634 = vector.broadcast %select_n3A_630 : i32 to vector<16xi32>
      %select_n3A_635 = arith.select %eq3A_633, %broadcast_in_dim3A_634, %select_n3A_624 : vector<16xi1>, vector<16xi32>
      %gt3A_636 = arith.constant 21 : i32
      %gt3A_637 = arith.cmpi sgt, %get3A_52, %gt3A_636 : i32
      %get3A_638 = arith.constant 21 : i32
      %get3A_639 = arith.index_cast %get3A_638 : i32 to index
      %get3A_640 = memref.load %arg8[%get3A_639] : memref<65xi32, #tpu.memory_space<smem>>
      %select_n3A_641 = arith.select %gt3A_637, %get3A_640, %get3A_58 : i32
      %eq3A_642 = arith.constant 5 : i32
      %eq3A_643 = vector.broadcast %eq3A_642 : i32 to vector<16xi32>
      %eq3A_644 = arith.cmpi eq, %iota3A, %eq3A_643 : vector<16xi32>
      %broadcast_in_dim3A_645 = vector.broadcast %select_n3A_641 : i32 to vector<16xi32>
      %select_n3A_646 = arith.select %eq3A_644, %broadcast_in_dim3A_645, %select_n3A_635 : vector<16xi1>, vector<16xi32>
      %gt3A_647 = arith.constant 22 : i32
      %gt3A_648 = arith.cmpi sgt, %get3A_52, %gt3A_647 : i32
      %get3A_649 = arith.constant 22 : i32
      %get3A_650 = arith.index_cast %get3A_649 : i32 to index
      %get3A_651 = memref.load %arg8[%get3A_650] : memref<65xi32, #tpu.memory_space<smem>>
      %select_n3A_652 = arith.select %gt3A_648, %get3A_651, %get3A_58 : i32
      %eq3A_653 = arith.constant 6 : i32
      %eq3A_654 = vector.broadcast %eq3A_653 : i32 to vector<16xi32>
      %eq3A_655 = arith.cmpi eq, %iota3A, %eq3A_654 : vector<16xi32>
      %broadcast_in_dim3A_656 = vector.broadcast %select_n3A_652 : i32 to vector<16xi32>
      %select_n3A_657 = arith.select %eq3A_655, %broadcast_in_dim3A_656, %select_n3A_646 : vector<16xi1>, vector<16xi32>
      %gt3A_658 = arith.constant 23 : i32
      %gt3A_659 = arith.cmpi sgt, %get3A_52, %gt3A_658 : i32
      %get3A_660 = arith.constant 23 : i32
      %get3A_661 = arith.index_cast %get3A_660 : i32 to index
      %get3A_662 = memref.load %arg8[%get3A_661] : memref<65xi32, #tpu.memory_space<smem>>
      %select_n3A_663 = arith.select %gt3A_659, %get3A_662, %get3A_58 : i32
      %eq3A_664 = arith.constant 7 : i32
      %eq3A_665 = vector.broadcast %eq3A_664 : i32 to vector<16xi32>
      %eq3A_666 = arith.cmpi eq, %iota3A, %eq3A_665 : vector<16xi32>
      %broadcast_in_dim3A_667 = vector.broadcast %select_n3A_663 : i32 to vector<16xi32>
      %select_n3A_668 = arith.select %eq3A_666, %broadcast_in_dim3A_667, %select_n3A_657 : vector<16xi1>, vector<16xi32>
      %gt3A_669 = arith.constant 24 : i32
      %gt3A_670 = arith.cmpi sgt, %get3A_52, %gt3A_669 : i32
      %get3A_671 = arith.constant 24 : i32
      %get3A_672 = arith.index_cast %get3A_671 : i32 to index
      %get3A_673 = memref.load %arg8[%get3A_672] : memref<65xi32, #tpu.memory_space<smem>>
      %select_n3A_674 = arith.select %gt3A_670, %get3A_673, %get3A_58 : i32
      %eq3A_675 = arith.constant 8 : i32
      %eq3A_676 = vector.broadcast %eq3A_675 : i32 to vector<16xi32>
      %eq3A_677 = arith.cmpi eq, %iota3A, %eq3A_676 : vector<16xi32>
      %broadcast_in_dim3A_678 = vector.broadcast %select_n3A_674 : i32 to vector<16xi32>
      %select_n3A_679 = arith.select %eq3A_677, %broadcast_in_dim3A_678, %select_n3A_668 : vector<16xi1>, vector<16xi32>
      %gt3A_680 = arith.constant 25 : i32
      %gt3A_681 = arith.cmpi sgt, %get3A_52, %gt3A_680 : i32
      %get3A_682 = arith.constant 25 : i32
      %get3A_683 = arith.index_cast %get3A_682 : i32 to index
      %get3A_684 = memref.load %arg8[%get3A_683] : memref<65xi32, #tpu.memory_space<smem>>
      %select_n3A_685 = arith.select %gt3A_681, %get3A_684, %get3A_58 : i32
      %eq3A_686 = arith.constant 9 : i32
      %eq3A_687 = vector.broadcast %eq3A_686 : i32 to vector<16xi32>
      %eq3A_688 = arith.cmpi eq, %iota3A, %eq3A_687 : vector<16xi32>
      %broadcast_in_dim3A_689 = vector.broadcast %select_n3A_685 : i32 to vector<16xi32>
      %select_n3A_690 = arith.select %eq3A_688, %broadcast_in_dim3A_689, %select_n3A_679 : vector<16xi1>, vector<16xi32>
      %gt3A_691 = arith.constant 26 : i32
      %gt3A_692 = arith.cmpi sgt, %get3A_52, %gt3A_691 : i32
      %get3A_693 = arith.constant 26 : i32
      %get3A_694 = arith.index_cast %get3A_693 : i32 to index
      %get3A_695 = memref.load %arg8[%get3A_694] : memref<65xi32, #tpu.memory_space<smem>>
      %select_n3A_696 = arith.select %gt3A_692, %get3A_695, %get3A_58 : i32
      %eq3A_697 = arith.constant 10 : i32
      %eq3A_698 = vector.broadcast %eq3A_697 : i32 to vector<16xi32>
      %eq3A_699 = arith.cmpi eq, %iota3A, %eq3A_698 : vector<16xi32>
      %broadcast_in_dim3A_700 = vector.broadcast %select_n3A_696 : i32 to vector<16xi32>
      %select_n3A_701 = arith.select %eq3A_699, %broadcast_in_dim3A_700, %select_n3A_690 : vector<16xi1>, vector<16xi32>
      %gt3A_702 = arith.constant 27 : i32
      %gt3A_703 = arith.cmpi sgt, %get3A_52, %gt3A_702 : i32
      %get3A_704 = arith.constant 27 : i32
      %get3A_705 = arith.index_cast %get3A_704 : i32 to index
      %get3A_706 = memref.load %arg8[%get3A_705] : memref<65xi32, #tpu.memory_space<smem>>
      %select_n3A_707 = arith.select %gt3A_703, %get3A_706, %get3A_58 : i32
      %eq3A_708 = arith.constant 11 : i32
      %eq3A_709 = vector.broadcast %eq3A_708 : i32 to vector<16xi32>
      %eq3A_710 = arith.cmpi eq, %iota3A, %eq3A_709 : vector<16xi32>
      %broadcast_in_dim3A_711 = vector.broadcast %select_n3A_707 : i32 to vector<16xi32>
      %select_n3A_712 = arith.select %eq3A_710, %broadcast_in_dim3A_711, %select_n3A_701 : vector<16xi1>, vector<16xi32>
      %gt3A_713 = arith.constant 28 : i32
      %gt3A_714 = arith.cmpi sgt, %get3A_52, %gt3A_713 : i32
      %get3A_715 = arith.constant 28 : i32
      %get3A_716 = arith.index_cast %get3A_715 : i32 to index
      %get3A_717 = memref.load %arg8[%get3A_716] : memref<65xi32, #tpu.memory_space<smem>>
      %select_n3A_718 = arith.select %gt3A_714, %get3A_717, %get3A_58 : i32
      %eq3A_719 = arith.constant 12 : i32
      %eq3A_720 = vector.broadcast %eq3A_719 : i32 to vector<16xi32>
      %eq3A_721 = arith.cmpi eq, %iota3A, %eq3A_720 : vector<16xi32>
      %broadcast_in_dim3A_722 = vector.broadcast %select_n3A_718 : i32 to vector<16xi32>
      %select_n3A_723 = arith.select %eq3A_721, %broadcast_in_dim3A_722, %select_n3A_712 : vector<16xi1>, vector<16xi32>
      %gt3A_724 = arith.constant 29 : i32
      %gt3A_725 = arith.cmpi sgt, %get3A_52, %gt3A_724 : i32
      %get3A_726 = arith.constant 29 : i32
      %get3A_727 = arith.index_cast %get3A_726 : i32 to index
      %get3A_728 = memref.load %arg8[%get3A_727] : memref<65xi32, #tpu.memory_space<smem>>
      %select_n3A_729 = arith.select %gt3A_725, %get3A_728, %get3A_58 : i32
      %eq3A_730 = arith.constant 13 : i32
      %eq3A_731 = vector.broadcast %eq3A_730 : i32 to vector<16xi32>
      %eq3A_732 = arith.cmpi eq, %iota3A, %eq3A_731 : vector<16xi32>
      %broadcast_in_dim3A_733 = vector.broadcast %select_n3A_729 : i32 to vector<16xi32>
      %select_n3A_734 = arith.select %eq3A_732, %broadcast_in_dim3A_733, %select_n3A_723 : vector<16xi1>, vector<16xi32>
      %gt3A_735 = arith.constant 30 : i32
      %gt3A_736 = arith.cmpi sgt, %get3A_52, %gt3A_735 : i32
      %get3A_737 = arith.constant 30 : i32
      %get3A_738 = arith.index_cast %get3A_737 : i32 to index
      %get3A_739 = memref.load %arg8[%get3A_738] : memref<65xi32, #tpu.memory_space<smem>>
      %select_n3A_740 = arith.select %gt3A_736, %get3A_739, %get3A_58 : i32
      %eq3A_741 = arith.constant 14 : i32
      %eq3A_742 = vector.broadcast %eq3A_741 : i32 to vector<16xi32>
      %eq3A_743 = arith.cmpi eq, %iota3A, %eq3A_742 : vector<16xi32>
      %broadcast_in_dim3A_744 = vector.broadcast %select_n3A_740 : i32 to vector<16xi32>
      %select_n3A_745 = arith.select %eq3A_743, %broadcast_in_dim3A_744, %select_n3A_734 : vector<16xi1>, vector<16xi32>
      %gt3A_746 = arith.constant 31 : i32
      %gt3A_747 = arith.cmpi sgt, %get3A_52, %gt3A_746 : i32
      %get3A_748 = arith.constant 31 : i32
      %get3A_749 = arith.index_cast %get3A_748 : i32 to index
      %get3A_750 = memref.load %arg8[%get3A_749] : memref<65xi32, #tpu.memory_space<smem>>
      %select_n3A_751 = arith.select %gt3A_747, %get3A_750, %get3A_58 : i32
      %eq3A_752 = arith.constant 15 : i32
      %eq3A_753 = vector.broadcast %eq3A_752 : i32 to vector<16xi32>
      %eq3A_754 = arith.cmpi eq, %iota3A, %eq3A_753 : vector<16xi32>
      %broadcast_in_dim3A_755 = vector.broadcast %select_n3A_751 : i32 to vector<16xi32>
      %select_n3A_756 = arith.select %eq3A_754, %broadcast_in_dim3A_755, %select_n3A_745 : vector<16xi1>, vector<16xi32>
      %swap3A_757 = arith.constant 16 : index
      %swap3A_758 = tpu.vector_load %arg13[%swap3A_757] {strides = array<i32>} : memref<64xi32, #tpu.memory_space<vmem>>, vector<16xi32>,
      %swap3A_759 = vector.shape_cast %swap3A_758 : vector<16xi32> to vector<16xi32>
      %swap3A_760 = vector.shape_cast %select_n3A_756 : vector<16xi32> to vector<16xi32>
      tpu.vector_store %arg13[%swap3A_757], %swap3A_760 {strides = array<i32>} : memref<64xi32, #tpu.memory_space<vmem>>, vector<16xi32>,
      %gt3A_761 = arith.constant 32 : i32
      %gt3A_762 = arith.cmpi sgt, %get3A_52, %gt3A_761 : i32
      %get3A_763 = arith.constant 32 : i32
      %get3A_764 = arith.index_cast %get3A_763 : i32 to index
      %get3A_765 = memref.load %arg8[%get3A_764] : memref<65xi32, #tpu.memory_space<smem>>
      %select_n3A_766 = arith.select %gt3A_762, %get3A_765, %get3A_58 : i32
      %broadcast_in_dim3A_767 = vector.broadcast %select_n3A_766 : i32 to vector<16xi32>
      %gt3A_768 = arith.constant 33 : i32
      %gt3A_769 = arith.cmpi sgt, %get3A_52, %gt3A_768 : i32
      %get3A_770 = arith.constant 33 : i32
      %get3A_771 = arith.index_cast %get3A_770 : i32 to index
      %get3A_772 = memref.load %arg8[%get3A_771] : memref<65xi32, #tpu.memory_space<smem>>
      %select_n3A_773 = arith.select %gt3A_769, %get3A_772, %get3A_58 : i32
      %eq3A_774 = arith.constant 1 : i32
      %eq3A_775 = vector.broadcast %eq3A_774 : i32 to vector<16xi32>
      %eq3A_776 = arith.cmpi eq, %iota3A, %eq3A_775 : vector<16xi32>
      %broadcast_in_dim3A_777 = vector.broadcast %select_n3A_773 : i32 to vector<16xi32>
      %select_n3A_778 = arith.select %eq3A_776, %broadcast_in_dim3A_777, %broadcast_in_dim3A_767 : vector<16xi1>, vector<16xi32>
      %gt3A_779 = arith.constant 34 : i32
      %gt3A_780 = arith.cmpi sgt, %get3A_52, %gt3A_779 : i32
      %get3A_781 = arith.constant 34 : i32
      %get3A_782 = arith.index_cast %get3A_781 : i32 to index
      %get3A_783 = memref.load %arg8[%get3A_782] : memref<65xi32, #tpu.memory_space<smem>>
      %select_n3A_784 = arith.select %gt3A_780, %get3A_783, %get3A_58 : i32
      %eq3A_785 = arith.constant 2 : i32
      %eq3A_786 = vector.broadcast %eq3A_785 : i32 to vector<16xi32>
      %eq3A_787 = arith.cmpi eq, %iota3A, %eq3A_786 : vector<16xi32>
      %broadcast_in_dim3A_788 = vector.broadcast %select_n3A_784 : i32 to vector<16xi32>
      %select_n3A_789 = arith.select %eq3A_787, %broadcast_in_dim3A_788, %select_n3A_778 : vector<16xi1>, vector<16xi32>
      %gt3A_790 = arith.constant 35 : i32
      %gt3A_791 = arith.cmpi sgt, %get3A_52, %gt3A_790 : i32
      %get3A_792 = arith.constant 35 : i32
      %get3A_793 = arith.index_cast %get3A_792 : i32 to index
      %get3A_794 = memref.load %arg8[%get3A_793] : memref<65xi32, #tpu.memory_space<smem>>
      %select_n3A_795 = arith.select %gt3A_791, %get3A_794, %get3A_58 : i32
      %eq3A_796 = arith.constant 3 : i32
      %eq3A_797 = vector.broadcast %eq3A_796 : i32 to vector<16xi32>
      %eq3A_798 = arith.cmpi eq, %iota3A, %eq3A_797 : vector<16xi32>
      %broadcast_in_dim3A_799 = vector.broadcast %select_n3A_795 : i32 to vector<16xi32>
      %select_n3A_800 = arith.select %eq3A_798, %broadcast_in_dim3A_799, %select_n3A_789 : vector<16xi1>, vector<16xi32>
      %gt3A_801 = arith.constant 36 : i32
      %gt3A_802 = arith.cmpi sgt, %get3A_52, %gt3A_801 : i32
      %get3A_803 = arith.constant 36 : i32
      %get3A_804 = arith.index_cast %get3A_803 : i32 to index
      %get3A_805 = memref.load %arg8[%get3A_804] : memref<65xi32, #tpu.memory_space<smem>>
      %select_n3A_806 = arith.select %gt3A_802, %get3A_805, %get3A_58 : i32
      %eq3A_807 = arith.constant 4 : i32
      %eq3A_808 = vector.broadcast %eq3A_807 : i32 to vector<16xi32>
      %eq3A_809 = arith.cmpi eq, %iota3A, %eq3A_808 : vector<16xi32>
      %broadcast_in_dim3A_810 = vector.broadcast %select_n3A_806 : i32 to vector<16xi32>
      %select_n3A_811 = arith.select %eq3A_809, %broadcast_in_dim3A_810, %select_n3A_800 : vector<16xi1>, vector<16xi32>
      %gt3A_812 = arith.constant 37 : i32
      %gt3A_813 = arith.cmpi sgt, %get3A_52, %gt3A_812 : i32
      %get3A_814 = arith.constant 37 : i32
      %get3A_815 = arith.index_cast %get3A_814 : i32 to index
      %get3A_816 = memref.load %arg8[%get3A_815] : memref<65xi32, #tpu.memory_space<smem>>
      %select_n3A_817 = arith.select %gt3A_813, %get3A_816, %get3A_58 : i32
      %eq3A_818 = arith.constant 5 : i32
      %eq3A_819 = vector.broadcast %eq3A_818 : i32 to vector<16xi32>
      %eq3A_820 = arith.cmpi eq, %iota3A, %eq3A_819 : vector<16xi32>
      %broadcast_in_dim3A_821 = vector.broadcast %select_n3A_817 : i32 to vector<16xi32>
      %select_n3A_822 = arith.select %eq3A_820, %broadcast_in_dim3A_821, %select_n3A_811 : vector<16xi1>, vector<16xi32>
      %gt3A_823 = arith.constant 38 : i32
      %gt3A_824 = arith.cmpi sgt, %get3A_52, %gt3A_823 : i32
      %get3A_825 = arith.constant 38 : i32
      %get3A_826 = arith.index_cast %get3A_825 : i32 to index
      %get3A_827 = memref.load %arg8[%get3A_826] : memref<65xi32, #tpu.memory_space<smem>>
      %select_n3A_828 = arith.select %gt3A_824, %get3A_827, %get3A_58 : i32
      %eq3A_829 = arith.constant 6 : i32
      %eq3A_830 = vector.broadcast %eq3A_829 : i32 to vector<16xi32>
      %eq3A_831 = arith.cmpi eq, %iota3A, %eq3A_830 : vector<16xi32>
      %broadcast_in_dim3A_832 = vector.broadcast %select_n3A_828 : i32 to vector<16xi32>
      %select_n3A_833 = arith.select %eq3A_831, %broadcast_in_dim3A_832, %select_n3A_822 : vector<16xi1>, vector<16xi32>
      %gt3A_834 = arith.constant 39 : i32
      %gt3A_835 = arith.cmpi sgt, %get3A_52, %gt3A_834 : i32
      %get3A_836 = arith.constant 39 : i32
      %get3A_837 = arith.index_cast %get3A_836 : i32 to index
      %get3A_838 = memref.load %arg8[%get3A_837] : memref<65xi32, #tpu.memory_space<smem>>
      %select_n3A_839 = arith.select %gt3A_835, %get3A_838, %get3A_58 : i32
      %eq3A_840 = arith.constant 7 : i32
      %eq3A_841 = vector.broadcast %eq3A_840 : i32 to vector<16xi32>
      %eq3A_842 = arith.cmpi eq, %iota3A, %eq3A_841 : vector<16xi32>
      %broadcast_in_dim3A_843 = vector.broadcast %select_n3A_839 : i32 to vector<16xi32>
      %select_n3A_844 = arith.select %eq3A_842, %broadcast_in_dim3A_843, %select_n3A_833 : vector<16xi1>, vector<16xi32>
      %gt3A_845 = arith.constant 40 : i32
      %gt3A_846 = arith.cmpi sgt, %get3A_52, %gt3A_845 : i32
      %get3A_847 = arith.constant 40 : i32
      %get3A_848 = arith.index_cast %get3A_847 : i32 to index
      %get3A_849 = memref.load %arg8[%get3A_848] : memref<65xi32, #tpu.memory_space<smem>>
      %select_n3A_850 = arith.select %gt3A_846, %get3A_849, %get3A_58 : i32
      %eq3A_851 = arith.constant 8 : i32
      %eq3A_852 = vector.broadcast %eq3A_851 : i32 to vector<16xi32>
      %eq3A_853 = arith.cmpi eq, %iota3A, %eq3A_852 : vector<16xi32>
      %broadcast_in_dim3A_854 = vector.broadcast %select_n3A_850 : i32 to vector<16xi32>
      %select_n3A_855 = arith.select %eq3A_853, %broadcast_in_dim3A_854, %select_n3A_844 : vector<16xi1>, vector<16xi32>
      %gt3A_856 = arith.constant 41 : i32
      %gt3A_857 = arith.cmpi sgt, %get3A_52, %gt3A_856 : i32
      %get3A_858 = arith.constant 41 : i32
      %get3A_859 = arith.index_cast %get3A_858 : i32 to index
      %get3A_860 = memref.load %arg8[%get3A_859] : memref<65xi32, #tpu.memory_space<smem>>
      %select_n3A_861 = arith.select %gt3A_857, %get3A_860, %get3A_58 : i32
      %eq3A_862 = arith.constant 9 : i32
      %eq3A_863 = vector.broadcast %eq3A_862 : i32 to vector<16xi32>
      %eq3A_864 = arith.cmpi eq, %iota3A, %eq3A_863 : vector<16xi32>
      %broadcast_in_dim3A_865 = vector.broadcast %select_n3A_861 : i32 to vector<16xi32>
      %select_n3A_866 = arith.select %eq3A_864, %broadcast_in_dim3A_865, %select_n3A_855 : vector<16xi1>, vector<16xi32>
      %gt3A_867 = arith.constant 42 : i32
      %gt3A_868 = arith.cmpi sgt, %get3A_52, %gt3A_867 : i32
      %get3A_869 = arith.constant 42 : i32
      %get3A_870 = arith.index_cast %get3A_869 : i32 to index
      %get3A_871 = memref.load %arg8[%get3A_870] : memref<65xi32, #tpu.memory_space<smem>>
      %select_n3A_872 = arith.select %gt3A_868, %get3A_871, %get3A_58 : i32
      %eq3A_873 = arith.constant 10 : i32
      %eq3A_874 = vector.broadcast %eq3A_873 : i32 to vector<16xi32>
      %eq3A_875 = arith.cmpi eq, %iota3A, %eq3A_874 : vector<16xi32>
      %broadcast_in_dim3A_876 = vector.broadcast %select_n3A_872 : i32 to vector<16xi32>
      %select_n3A_877 = arith.select %eq3A_875, %broadcast_in_dim3A_876, %select_n3A_866 : vector<16xi1>, vector<16xi32>
      %gt3A_878 = arith.constant 43 : i32
      %gt3A_879 = arith.cmpi sgt, %get3A_52, %gt3A_878 : i32
      %get3A_880 = arith.constant 43 : i32
      %get3A_881 = arith.index_cast %get3A_880 : i32 to index
      %get3A_882 = memref.load %arg8[%get3A_881] : memref<65xi32, #tpu.memory_space<smem>>
      %select_n3A_883 = arith.select %gt3A_879, %get3A_882, %get3A_58 : i32
      %eq3A_884 = arith.constant 11 : i32
      %eq3A_885 = vector.broadcast %eq3A_884 : i32 to vector<16xi32>
      %eq3A_886 = arith.cmpi eq, %iota3A, %eq3A_885 : vector<16xi32>
      %broadcast_in_dim3A_887 = vector.broadcast %select_n3A_883 : i32 to vector<16xi32>
      %select_n3A_888 = arith.select %eq3A_886, %broadcast_in_dim3A_887, %select_n3A_877 : vector<16xi1>, vector<16xi32>
      %gt3A_889 = arith.constant 44 : i32
      %gt3A_890 = arith.cmpi sgt, %get3A_52, %gt3A_889 : i32
      %get3A_891 = arith.constant 44 : i32
      %get3A_892 = arith.index_cast %get3A_891 : i32 to index
      %get3A_893 = memref.load %arg8[%get3A_892] : memref<65xi32, #tpu.memory_space<smem>>
      %select_n3A_894 = arith.select %gt3A_890, %get3A_893, %get3A_58 : i32
      %eq3A_895 = arith.constant 12 : i32
      %eq3A_896 = vector.broadcast %eq3A_895 : i32 to vector<16xi32>
      %eq3A_897 = arith.cmpi eq, %iota3A, %eq3A_896 : vector<16xi32>
      %broadcast_in_dim3A_898 = vector.broadcast %select_n3A_894 : i32 to vector<16xi32>
      %select_n3A_899 = arith.select %eq3A_897, %broadcast_in_dim3A_898, %select_n3A_888 : vector<16xi1>, vector<16xi32>
      %gt3A_900 = arith.constant 45 : i32
      %gt3A_901 = arith.cmpi sgt, %get3A_52, %gt3A_900 : i32
      %get3A_902 = arith.constant 45 : i32
      %get3A_903 = arith.index_cast %get3A_902 : i32 to index
      %get3A_904 = memref.load %arg8[%get3A_903] : memref<65xi32, #tpu.memory_space<smem>>
      %select_n3A_905 = arith.select %gt3A_901, %get3A_904, %get3A_58 : i32
      %eq3A_906 = arith.constant 13 : i32
      %eq3A_907 = vector.broadcast %eq3A_906 : i32 to vector<16xi32>
      %eq3A_908 = arith.cmpi eq, %iota3A, %eq3A_907 : vector<16xi32>
      %broadcast_in_dim3A_909 = vector.broadcast %select_n3A_905 : i32 to vector<16xi32>
      %select_n3A_910 = arith.select %eq3A_908, %broadcast_in_dim3A_909, %select_n3A_899 : vector<16xi1>, vector<16xi32>
      %gt3A_911 = arith.constant 46 : i32
      %gt3A_912 = arith.cmpi sgt, %get3A_52, %gt3A_911 : i32
      %get3A_913 = arith.constant 46 : i32
      %get3A_914 = arith.index_cast %get3A_913 : i32 to index
      %get3A_915 = memref.load %arg8[%get3A_914] : memref<65xi32, #tpu.memory_space<smem>>
      %select_n3A_916 = arith.select %gt3A_912, %get3A_915, %get3A_58 : i32
      %eq3A_917 = arith.constant 14 : i32
      %eq3A_918 = vector.broadcast %eq3A_917 : i32 to vector<16xi32>
      %eq3A_919 = arith.cmpi eq, %iota3A, %eq3A_918 : vector<16xi32>
      %broadcast_in_dim3A_920 = vector.broadcast %select_n3A_916 : i32 to vector<16xi32>
      %select_n3A_921 = arith.select %eq3A_919, %broadcast_in_dim3A_920, %select_n3A_910 : vector<16xi1>, vector<16xi32>
      %gt3A_922 = arith.constant 47 : i32
      %gt3A_923 = arith.cmpi sgt, %get3A_52, %gt3A_922 : i32
      %get3A_924 = arith.constant 47 : i32
      %get3A_925 = arith.index_cast %get3A_924 : i32 to index
      %get3A_926 = memref.load %arg8[%get3A_925] : memref<65xi32, #tpu.memory_space<smem>>
      %select_n3A_927 = arith.select %gt3A_923, %get3A_926, %get3A_58 : i32
      %eq3A_928 = arith.constant 15 : i32
      %eq3A_929 = vector.broadcast %eq3A_928 : i32 to vector<16xi32>
      %eq3A_930 = arith.cmpi eq, %iota3A, %eq3A_929 : vector<16xi32>
      %broadcast_in_dim3A_931 = vector.broadcast %select_n3A_927 : i32 to vector<16xi32>
      %select_n3A_932 = arith.select %eq3A_930, %broadcast_in_dim3A_931, %select_n3A_921 : vector<16xi1>, vector<16xi32>
      %swap3A_933 = arith.constant 32 : index
      %swap3A_934 = tpu.vector_load %arg13[%swap3A_933] {strides = array<i32>} : memref<64xi32, #tpu.memory_space<vmem>>, vector<16xi32>,
      %swap3A_935 = vector.shape_cast %swap3A_934 : vector<16xi32> to vector<16xi32>
      %swap3A_936 = vector.shape_cast %select_n3A_932 : vector<16xi32> to vector<16xi32>
      tpu.vector_store %arg13[%swap3A_933], %swap3A_936 {strides = array<i32>} : memref<64xi32, #tpu.memory_space<vmem>>, vector<16xi32>,
      %gt3A_937 = arith.constant 48 : i32
      %gt3A_938 = arith.cmpi sgt, %get3A_52, %gt3A_937 : i32
      %get3A_939 = arith.constant 48 : i32
      %get3A_940 = arith.index_cast %get3A_939 : i32 to index
      %get3A_941 = memref.load %arg8[%get3A_940] : memref<65xi32, #tpu.memory_space<smem>>
      %select_n3A_942 = arith.select %gt3A_938, %get3A_941, %get3A_58 : i32
      %broadcast_in_dim3A_943 = vector.broadcast %select_n3A_942 : i32 to vector<16xi32>
      %gt3A_944 = arith.constant 49 : i32
      %gt3A_945 = arith.cmpi sgt, %get3A_52, %gt3A_944 : i32
      %get3A_946 = arith.constant 49 : i32
      %get3A_947 = arith.index_cast %get3A_946 : i32 to index
      %get3A_948 = memref.load %arg8[%get3A_947] : memref<65xi32, #tpu.memory_space<smem>>
      %select_n3A_949 = arith.select %gt3A_945, %get3A_948, %get3A_58 : i32
      %eq3A_950 = arith.constant 1 : i32
      %eq3A_951 = vector.broadcast %eq3A_950 : i32 to vector<16xi32>
      %eq3A_952 = arith.cmpi eq, %iota3A, %eq3A_951 : vector<16xi32>
      %broadcast_in_dim3A_953 = vector.broadcast %select_n3A_949 : i32 to vector<16xi32>
      %select_n3A_954 = arith.select %eq3A_952, %broadcast_in_dim3A_953, %broadcast_in_dim3A_943 : vector<16xi1>, vector<16xi32>
      %gt3A_955 = arith.constant 50 : i32
      %gt3A_956 = arith.cmpi sgt, %get3A_52, %gt3A_955 : i32
      %get3A_957 = arith.constant 50 : i32
      %get3A_958 = arith.index_cast %get3A_957 : i32 to index
      %get3A_959 = memref.load %arg8[%get3A_958] : memref<65xi32, #tpu.memory_space<smem>>
      %select_n3A_960 = arith.select %gt3A_956, %get3A_959, %get3A_58 : i32
      %eq3A_961 = arith.constant 2 : i32
      %eq3A_962 = vector.broadcast %eq3A_961 : i32 to vector<16xi32>
      %eq3A_963 = arith.cmpi eq, %iota3A, %eq3A_962 : vector<16xi32>
      %broadcast_in_dim3A_964 = vector.broadcast %select_n3A_960 : i32 to vector<16xi32>
      %select_n3A_965 = arith.select %eq3A_963, %broadcast_in_dim3A_964, %select_n3A_954 : vector<16xi1>, vector<16xi32>
      %gt3A_966 = arith.constant 51 : i32
      %gt3A_967 = arith.cmpi sgt, %get3A_52, %gt3A_966 : i32
      %get3A_968 = arith.constant 51 : i32
      %get3A_969 = arith.index_cast %get3A_968 : i32 to index
      %get3A_970 = memref.load %arg8[%get3A_969] : memref<65xi32, #tpu.memory_space<smem>>
      %select_n3A_971 = arith.select %gt3A_967, %get3A_970, %get3A_58 : i32
      %eq3A_972 = arith.constant 3 : i32
      %eq3A_973 = vector.broadcast %eq3A_972 : i32 to vector<16xi32>
      %eq3A_974 = arith.cmpi eq, %iota3A, %eq3A_973 : vector<16xi32>
      %broadcast_in_dim3A_975 = vector.broadcast %select_n3A_971 : i32 to vector<16xi32>
      %select_n3A_976 = arith.select %eq3A_974, %broadcast_in_dim3A_975, %select_n3A_965 : vector<16xi1>, vector<16xi32>
      %gt3A_977 = arith.constant 52 : i32
      %gt3A_978 = arith.cmpi sgt, %get3A_52, %gt3A_977 : i32
      %get3A_979 = arith.constant 52 : i32
      %get3A_980 = arith.index_cast %get3A_979 : i32 to index
      %get3A_981 = memref.load %arg8[%get3A_980] : memref<65xi32, #tpu.memory_space<smem>>
      %select_n3A_982 = arith.select %gt3A_978, %get3A_981, %get3A_58 : i32
      %eq3A_983 = arith.constant 4 : i32
      %eq3A_984 = vector.broadcast %eq3A_983 : i32 to vector<16xi32>
      %eq3A_985 = arith.cmpi eq, %iota3A, %eq3A_984 : vector<16xi32>
      %broadcast_in_dim3A_986 = vector.broadcast %select_n3A_982 : i32 to vector<16xi32>
      %select_n3A_987 = arith.select %eq3A_985, %broadcast_in_dim3A_986, %select_n3A_976 : vector<16xi1>, vector<16xi32>
      %gt3A_988 = arith.constant 53 : i32
      %gt3A_989 = arith.cmpi sgt, %get3A_52, %gt3A_988 : i32
      %get3A_990 = arith.constant 53 : i32
      %get3A_991 = arith.index_cast %get3A_990 : i32 to index
      %get3A_992 = memref.load %arg8[%get3A_991] : memref<65xi32, #tpu.memory_space<smem>>
      %select_n3A_993 = arith.select %gt3A_989, %get3A_992, %get3A_58 : i32
      %eq3A_994 = arith.constant 5 : i32
      %eq3A_995 = vector.broadcast %eq3A_994 : i32 to vector<16xi32>
      %eq3A_996 = arith.cmpi eq, %iota3A, %eq3A_995 : vector<16xi32>
      %broadcast_in_dim3A_997 = vector.broadcast %select_n3A_993 : i32 to vector<16xi32>
      %select_n3A_998 = arith.select %eq3A_996, %broadcast_in_dim3A_997, %select_n3A_987 : vector<16xi1>, vector<16xi32>
      %gt3A_999 = arith.constant 54 : i32
      %gt3A_1000 = arith.cmpi sgt, %get3A_52, %gt3A_999 : i32
      %get3A_1001 = arith.constant 54 : i32
      %get3A_1002 = arith.index_cast %get3A_1001 : i32 to index
      %get3A_1003 = memref.load %arg8[%get3A_1002] : memref<65xi32, #tpu.memory_space<smem>>
      %select_n3A_1004 = arith.select %gt3A_1000, %get3A_1003, %get3A_58 : i32
      %eq3A_1005 = arith.constant 6 : i32
      %eq3A_1006 = vector.broadcast %eq3A_1005 : i32 to vector<16xi32>
      %eq3A_1007 = arith.cmpi eq, %iota3A, %eq3A_1006 : vector<16xi32>
      %broadcast_in_dim3A_1008 = vector.broadcast %select_n3A_1004 : i32 to vector<16xi32>
      %select_n3A_1009 = arith.select %eq3A_1007, %broadcast_in_dim3A_1008, %select_n3A_998 : vector<16xi1>, vector<16xi32>
      %gt3A_1010 = arith.constant 55 : i32
      %gt3A_1011 = arith.cmpi sgt, %get3A_52, %gt3A_1010 : i32
      %get3A_1012 = arith.constant 55 : i32
      %get3A_1013 = arith.index_cast %get3A_1012 : i32 to index
      %get3A_1014 = memref.load %arg8[%get3A_1013] : memref<65xi32, #tpu.memory_space<smem>>
      %select_n3A_1015 = arith.select %gt3A_1011, %get3A_1014, %get3A_58 : i32
      %eq3A_1016 = arith.constant 7 : i32
      %eq3A_1017 = vector.broadcast %eq3A_1016 : i32 to vector<16xi32>
      %eq3A_1018 = arith.cmpi eq, %iota3A, %eq3A_1017 : vector<16xi32>
      %broadcast_in_dim3A_1019 = vector.broadcast %select_n3A_1015 : i32 to vector<16xi32>
      %select_n3A_1020 = arith.select %eq3A_1018, %broadcast_in_dim3A_1019, %select_n3A_1009 : vector<16xi1>, vector<16xi32>
      %gt3A_1021 = arith.constant 56 : i32
      %gt3A_1022 = arith.cmpi sgt, %get3A_52, %gt3A_1021 : i32
      %get3A_1023 = arith.constant 56 : i32
      %get3A_1024 = arith.index_cast %get3A_1023 : i32 to index
      %get3A_1025 = memref.load %arg8[%get3A_1024] : memref<65xi32, #tpu.memory_space<smem>>
      %select_n3A_1026 = arith.select %gt3A_1022, %get3A_1025, %get3A_58 : i32
      %eq3A_1027 = arith.constant 8 : i32
      %eq3A_1028 = vector.broadcast %eq3A_1027 : i32 to vector<16xi32>
      %eq3A_1029 = arith.cmpi eq, %iota3A, %eq3A_1028 : vector<16xi32>
      %broadcast_in_dim3A_1030 = vector.broadcast %select_n3A_1026 : i32 to vector<16xi32>
      %select_n3A_1031 = arith.select %eq3A_1029, %broadcast_in_dim3A_1030, %select_n3A_1020 : vector<16xi1>, vector<16xi32>
      %gt3A_1032 = arith.constant 57 : i32
      %gt3A_1033 = arith.cmpi sgt, %get3A_52, %gt3A_1032 : i32
      %get3A_1034 = arith.constant 57 : i32
      %get3A_1035 = arith.index_cast %get3A_1034 : i32 to index
      %get3A_1036 = memref.load %arg8[%get3A_1035] : memref<65xi32, #tpu.memory_space<smem>>
      %select_n3A_1037 = arith.select %gt3A_1033, %get3A_1036, %get3A_58 : i32
      %eq3A_1038 = arith.constant 9 : i32
      %eq3A_1039 = vector.broadcast %eq3A_1038 : i32 to vector<16xi32>
      %eq3A_1040 = arith.cmpi eq, %iota3A, %eq3A_1039 : vector<16xi32>
      %broadcast_in_dim3A_1041 = vector.broadcast %select_n3A_1037 : i32 to vector<16xi32>
      %select_n3A_1042 = arith.select %eq3A_1040, %broadcast_in_dim3A_1041, %select_n3A_1031 : vector<16xi1>, vector<16xi32>
      %gt3A_1043 = arith.constant 58 : i32
      %gt3A_1044 = arith.cmpi sgt, %get3A_52, %gt3A_1043 : i32
      %get3A_1045 = arith.constant 58 : i32
      %get3A_1046 = arith.index_cast %get3A_1045 : i32 to index
      %get3A_1047 = memref.load %arg8[%get3A_1046] : memref<65xi32, #tpu.memory_space<smem>>
      %select_n3A_1048 = arith.select %gt3A_1044, %get3A_1047, %get3A_58 : i32
      %eq3A_1049 = arith.constant 10 : i32
      %eq3A_1050 = vector.broadcast %eq3A_1049 : i32 to vector<16xi32>
      %eq3A_1051 = arith.cmpi eq, %iota3A, %eq3A_1050 : vector<16xi32>
      %broadcast_in_dim3A_1052 = vector.broadcast %select_n3A_1048 : i32 to vector<16xi32>
      %select_n3A_1053 = arith.select %eq3A_1051, %broadcast_in_dim3A_1052, %select_n3A_1042 : vector<16xi1>, vector<16xi32>
      %gt3A_1054 = arith.constant 59 : i32
      %gt3A_1055 = arith.cmpi sgt, %get3A_52, %gt3A_1054 : i32
      %get3A_1056 = arith.constant 59 : i32
      %get3A_1057 = arith.index_cast %get3A_1056 : i32 to index
      %get3A_1058 = memref.load %arg8[%get3A_1057] : memref<65xi32, #tpu.memory_space<smem>>
      %select_n3A_1059 = arith.select %gt3A_1055, %get3A_1058, %get3A_58 : i32
      %eq3A_1060 = arith.constant 11 : i32
      %eq3A_1061 = vector.broadcast %eq3A_1060 : i32 to vector<16xi32>
      %eq3A_1062 = arith.cmpi eq, %iota3A, %eq3A_1061 : vector<16xi32>
      %broadcast_in_dim3A_1063 = vector.broadcast %select_n3A_1059 : i32 to vector<16xi32>
      %select_n3A_1064 = arith.select %eq3A_1062, %broadcast_in_dim3A_1063, %select_n3A_1053 : vector<16xi1>, vector<16xi32>
      %gt3A_1065 = arith.constant 60 : i32
      %gt3A_1066 = arith.cmpi sgt, %get3A_52, %gt3A_1065 : i32
      %get3A_1067 = arith.constant 60 : i32
      %get3A_1068 = arith.index_cast %get3A_1067 : i32 to index
      %get3A_1069 = memref.load %arg8[%get3A_1068] : memref<65xi32, #tpu.memory_space<smem>>
      %select_n3A_1070 = arith.select %gt3A_1066, %get3A_1069, %get3A_58 : i32
      %eq3A_1071 = arith.constant 12 : i32
      %eq3A_1072 = vector.broadcast %eq3A_1071 : i32 to vector<16xi32>
      %eq3A_1073 = arith.cmpi eq, %iota3A, %eq3A_1072 : vector<16xi32>
      %broadcast_in_dim3A_1074 = vector.broadcast %select_n3A_1070 : i32 to vector<16xi32>
      %select_n3A_1075 = arith.select %eq3A_1073, %broadcast_in_dim3A_1074, %select_n3A_1064 : vector<16xi1>, vector<16xi32>
      %gt3A_1076 = arith.constant 61 : i32
      %gt3A_1077 = arith.cmpi sgt, %get3A_52, %gt3A_1076 : i32
      %get3A_1078 = arith.constant 61 : i32
      %get3A_1079 = arith.index_cast %get3A_1078 : i32 to index
      %get3A_1080 = memref.load %arg8[%get3A_1079] : memref<65xi32, #tpu.memory_space<smem>>
      %select_n3A_1081 = arith.select %gt3A_1077, %get3A_1080, %get3A_58 : i32
      %eq3A_1082 = arith.constant 13 : i32
      %eq3A_1083 = vector.broadcast %eq3A_1082 : i32 to vector<16xi32>
      %eq3A_1084 = arith.cmpi eq, %iota3A, %eq3A_1083 : vector<16xi32>
      %broadcast_in_dim3A_1085 = vector.broadcast %select_n3A_1081 : i32 to vector<16xi32>
      %select_n3A_1086 = arith.select %eq3A_1084, %broadcast_in_dim3A_1085, %select_n3A_1075 : vector<16xi1>, vector<16xi32>
      %gt3A_1087 = arith.constant 62 : i32
      %gt3A_1088 = arith.cmpi sgt, %get3A_52, %gt3A_1087 : i32
      %get3A_1089 = arith.constant 62 : i32
      %get3A_1090 = arith.index_cast %get3A_1089 : i32 to index
      %get3A_1091 = memref.load %arg8[%get3A_1090] : memref<65xi32, #tpu.memory_space<smem>>
      %select_n3A_1092 = arith.select %gt3A_1088, %get3A_1091, %get3A_58 : i32
      %eq3A_1093 = arith.constant 14 : i32
      %eq3A_1094 = vector.broadcast %eq3A_1093 : i32 to vector<16xi32>
      %eq3A_1095 = arith.cmpi eq, %iota3A, %eq3A_1094 : vector<16xi32>
      %broadcast_in_dim3A_1096 = vector.broadcast %select_n3A_1092 : i32 to vector<16xi32>
      %select_n3A_1097 = arith.select %eq3A_1095, %broadcast_in_dim3A_1096, %select_n3A_1086 : vector<16xi1>, vector<16xi32>
      %gt3A_1098 = arith.constant 63 : i32
      %gt3A_1099 = arith.cmpi sgt, %get3A_52, %gt3A_1098 : i32
      %get3A_1100 = arith.constant 63 : i32
      %get3A_1101 = arith.index_cast %get3A_1100 : i32 to index
      %get3A_1102 = memref.load %arg8[%get3A_1101] : memref<65xi32, #tpu.memory_space<smem>>
      %select_n3A_1103 = arith.select %gt3A_1099, %get3A_1102, %get3A_58 : i32
      %eq3A_1104 = arith.constant 15 : i32
      %eq3A_1105 = vector.broadcast %eq3A_1104 : i32 to vector<16xi32>
      %eq3A_1106 = arith.cmpi eq, %iota3A, %eq3A_1105 : vector<16xi32>
      %broadcast_in_dim3A_1107 = vector.broadcast %select_n3A_1103 : i32 to vector<16xi32>
      %select_n3A_1108 = arith.select %eq3A_1106, %broadcast_in_dim3A_1107, %select_n3A_1097 : vector<16xi1>, vector<16xi32>
      %swap3A_1109 = arith.constant 48 : index
      %swap3A_1110 = tpu.vector_load %arg13[%swap3A_1109] {strides = array<i32>} : memref<64xi32, #tpu.memory_space<vmem>>, vector<16xi32>,
      %swap3A_1111 = vector.shape_cast %swap3A_1110 : vector<16xi32> to vector<16xi32>
      %swap3A_1112 = vector.shape_cast %select_n3A_1108 : vector<16xi32> to vector<16xi32>
      tpu.vector_store %arg13[%swap3A_1109], %swap3A_1112 {strides = array<i32>} : memref<64xi32, #tpu.memory_space<vmem>>, vector<16xi32>,
      %dma_start3A = arith.constant 0 : i32
      %dma_start3A_1113 = arith.constant 0 : i32
      %dma_start3A_1114 = tpu.memref_slice %arg3[%dma_start3A, %dma_start3A_1113] : memref<32768x128xf32, #tpu.memory_space<hbm>> -> memref<32768x128xf32, #tpu.memory_space<hbm>>
      tpu.enqueue_indirect_dma source(%dma_start3A_1114 : memref<32768x128xf32, #tpu.memory_space<hbm>>) target(%arg14 : memref<32x128xf32, #tpu.memory_space<vmem>>) offsets(%arg12 : memref<32xi32, #tpu.memory_space<vmem>>) semaphore(%arg16 : memref<!tpu.dma_semaphore, #tpu.memory_space<semaphore_mem>>)
      %dma_wait3A = arith.constant 0 : i32
      %dma_wait3A_1115 = arith.constant 0 : i32
      %dma_wait3A_1116 = tpu.memref_slice %arg3[%dma_wait3A, %dma_wait3A_1115] : memref<32768x128xf32, #tpu.memory_space<hbm>> -> memref<32768x128xf32, #tpu.memory_space<hbm>>
      tpu.wait_indirect_dma semaphore(%arg16 : memref<!tpu.dma_semaphore, #tpu.memory_space<semaphore_mem>>) src(%dma_wait3A_1116 : memref<32768x128xf32, #tpu.memory_space<hbm>>) dst(%arg14 : memref<32x128xf32, #tpu.memory_space<vmem>>)
      %dma_start3A_1117 = arith.constant 0 : i32
      %dma_start3A_1118 = arith.constant 0 : i32
      %dma_start3A_1119 = tpu.memref_slice %arg3[%dma_start3A_1117, %dma_start3A_1118] : memref<32768x128xf32, #tpu.memory_space<hbm>> -> memref<32768x128xf32, #tpu.memory_space<hbm>>
      tpu.enqueue_indirect_dma source(%dma_start3A_1119 : memref<32768x128xf32, #tpu.memory_space<hbm>>) target(%arg15 : memref<64x128xf32, #tpu.memory_space<vmem>>) offsets(%arg13 : memref<64xi32, #tpu.memory_space<vmem>>) semaphore(%arg16 : memref<!tpu.dma_semaphore, #tpu.memory_space<semaphore_mem>>)
      %dma_wait3A_1120 = arith.constant 0 : i32
      %dma_wait3A_1121 = arith.constant 0 : i32
      %dma_wait3A_1122 = tpu.memref_slice %arg3[%dma_wait3A_1120, %dma_wait3A_1121] : memref<32768x128xf32, #tpu.memory_space<hbm>> -> memref<32768x128xf32, #tpu.memory_space<hbm>>
      tpu.wait_indirect_dma semaphore(%arg16 : memref<!tpu.dma_semaphore, #tpu.memory_space<semaphore_mem>>) src(%dma_wait3A_1122 : memref<32768x128xf32, #tpu.memory_space<hbm>>) dst(%arg15 : memref<64x128xf32, #tpu.memory_space<vmem>>)
      %add3A_1123 = arith.addi %mul3A_18, %scan3A_31 : i32
      %mul3A_1124 = arith.constant 32 : i32
      %mul3A_1125 = arith.muli %add3A_1123, %mul3A_1124 : i32
      "tpu.region"() ({
        %run_scoped3A = tpu.sem_alloc : memref<!tpu.dma_semaphore, #tpu.memory_space<semaphore_mem>>
        %dma_start3A_1130 = arith.constant 0 : i32
        %dma_start3A_1131 = tpu.memref_slice %arg4[%mul3A_1125, %dma_start3A_1130] : memref<65536x128xf32, #tpu.memory_space<hbm>> -> memref<32x128xf32, #tpu.memory_space<hbm>>
        %dma_start3A_1132 = arith.constant 0 : i32
        %dma_start3A_1133 = tpu.memref_slice %arg4[%mul3A_1125, %dma_start3A_1132] : memref<65536x128xf32, #tpu.memory_space<hbm>> -> memref<32x128xf32, #tpu.memory_space<hbm>>
        tpu.enqueue_dma source(%arg14 : memref<32x128xf32, #tpu.memory_space<vmem>>) target(%dma_start3A_1133 : memref<32x128xf32, #tpu.memory_space<hbm>>) target_semaphore(%run_scoped3A : memref<!tpu.dma_semaphore, #tpu.memory_space<semaphore_mem>>)
        %dma_wait3A_1134 = arith.constant 0 : i32
        %dma_wait3A_1135 = tpu.memref_slice %arg4[%mul3A_1125, %dma_wait3A_1134] : memref<65536x128xf32, #tpu.memory_space<hbm>> -> memref<32x128xf32, #tpu.memory_space<hbm>>
        %dma_wait3A_1136 = arith.constant 0 : i32
        %dma_wait3A_1137 = tpu.memref_slice %arg4[%mul3A_1125, %dma_wait3A_1136] : memref<65536x128xf32, #tpu.memory_space<hbm>> -> memref<32x128xf32, #tpu.memory_space<hbm>>
        tpu.wait_dma2 semaphore(%run_scoped3A : memref<!tpu.dma_semaphore, #tpu.memory_space<semaphore_mem>>) src(%arg14 : memref<32x128xf32, #tpu.memory_space<vmem>>) dst(%dma_wait3A_1137 : memref<32x128xf32, #tpu.memory_space<hbm>>)
        tpu.yield
      }) : () -> ()
      %add3A_1126 = arith.addi %mul3A_18, %scan3A_31 : i32
      %mul3A_1127 = arith.constant 64 : i32
      %mul3A_1128 = arith.muli %add3A_1126, %mul3A_1127 : i32
      "tpu.region"() ({
        %run_scoped3A = tpu.sem_alloc : memref<!tpu.dma_semaphore, #tpu.memory_space<semaphore_mem>>
        %dma_start3A_1130 = arith.constant 0 : i32
        %dma_start3A_1131 = tpu.memref_slice %arg5[%mul3A_1128, %dma_start3A_1130] : memref<131072x128xf32, #tpu.memory_space<hbm>> -> memref<64x128xf32, #tpu.memory_space<hbm>>
        %dma_start3A_1132 = arith.constant 0 : i32
        %dma_start3A_1133 = tpu.memref_slice %arg5[%mul3A_1128, %dma_start3A_1132] : memref<131072x128xf32, #tpu.memory_space<hbm>> -> memref<64x128xf32, #tpu.memory_space<hbm>>
        tpu.enqueue_dma source(%arg15 : memref<64x128xf32, #tpu.memory_space<vmem>>) target(%dma_start3A_1133 : memref<64x128xf32, #tpu.memory_space<hbm>>) target_semaphore(%run_scoped3A : memref<!tpu.dma_semaphore, #tpu.memory_space<semaphore_mem>>)
        %dma_wait3A_1134 = arith.constant 0 : i32
        %dma_wait3A_1135 = tpu.memref_slice %arg5[%mul3A_1128, %dma_wait3A_1134] : memref<131072x128xf32, #tpu.memory_space<hbm>> -> memref<64x128xf32, #tpu.memory_space<hbm>>
        %dma_wait3A_1136 = arith.constant 0 : i32
        %dma_wait3A_1137 = tpu.memref_slice %arg5[%mul3A_1128, %dma_wait3A_1136] : memref<131072x128xf32, #tpu.memory_space<hbm>> -> memref<64x128xf32, #tpu.memory_space<hbm>>
        tpu.wait_dma2 semaphore(%run_scoped3A : memref<!tpu.dma_semaphore, #tpu.memory_space<semaphore_mem>>) src(%arg15 : memref<64x128xf32, #tpu.memory_space<vmem>>) dst(%dma_wait3A_1137 : memref<64x128xf32, #tpu.memory_space<hbm>>)
        tpu.yield
      }) : () -> ()
      %scan3A_1129 = arith.constant 0 : i32
      scf.yield %scan3A_1129 : i32
    }
    %scan3A_30 = arith.constant 64 : i32
    return
  }
}

module attributes {stable_mosaic.version = 14 : i64} {
  func.func @_fps_body(%arg0: memref<4x3x8192xf32, #tpu.memory_space<vmem>>, %arg1: memref<4x512x3xf32, #tpu.memory_space<vmem>>) attributes {dimension_semantics = [], scalar_prefetch = 0 : i64, scratch_operands = 0 : i64, tpu.core_type = #tpu.core_type<tc>} {
    %get3A = arith.constant 0 : index
    %get3A_0 = arith.constant 0 : index
    %get3A_1 = arith.constant 0 : index
    %get3A_2 = vector.load %arg0[%get3A, %get3A_0, %get3A_1] : memref<4x3x8192xf32, #tpu.memory_space<vmem>>, vector<4x1x8192xf32>
    %get3A_3 = vector.shape_cast %get3A_2 : vector<4x1x8192xf32> to vector<4x8192xf32>
    %get3A_4 = arith.constant 0 : index
    %get3A_5 = arith.constant 1 : index
    %get3A_6 = arith.constant 0 : index
    %get3A_7 = vector.load %arg0[%get3A_4, %get3A_5, %get3A_6] : memref<4x3x8192xf32, #tpu.memory_space<vmem>>, vector<4x1x8192xf32>
    %get3A_8 = vector.shape_cast %get3A_7 : vector<4x1x8192xf32> to vector<4x8192xf32>
    %get3A_9 = arith.constant 0 : index
    %get3A_10 = arith.constant 2 : index
    %get3A_11 = arith.constant 0 : index
    %get3A_12 = vector.load %arg0[%get3A_9, %get3A_10, %get3A_11] : memref<4x3x8192xf32, #tpu.memory_space<vmem>>, vector<4x1x8192xf32>
    %get3A_13 = vector.shape_cast %get3A_12 : vector<4x1x8192xf32> to vector<4x8192xf32>
    %iota3A = tpu.iota {dimensions = array<i32: 1>} : vector<4x8192xi32>
    %broadcast_in_dim3A = arith.constant 1.000000e+10 : f32
    %broadcast_in_dim3A_14 = vector.broadcast %broadcast_in_dim3A : f32 to vector<4x8192xf32>
    %broadcast_in_dim3A_15 = arith.constant 0 : i32
    %broadcast_in_dim3A_16 = vector.broadcast %broadcast_in_dim3A_15 : i32 to vector<4x1xi32>
    %scan3A = arith.constant 0 : i32
    %scan3A_17 = arith.constant 512 : i32
    %scan3A_18 = arith.addi %scan3A, %scan3A_17 : i32
    %scan3A_19 = arith.constant 1 : i32
    %scan3A_20:2 = scf.for %scan3A_22 = %scan3A to %scan3A_18 step %scan3A_19 iter_args(%scan3A_23 = %broadcast_in_dim3A_14, %scan3A_24 = %broadcast_in_dim3A_16) -> (vector<4x8192xf32>, vector<4x1xi32>)  : i32 {
      %eq3A = vector.broadcast %scan3A_24 : vector<4x1xi32> to vector<4x8192xi32>
      %eq3A_25 = arith.cmpi eq, %iota3A, %eq3A : vector<4x8192xi32>
      %convert_element_type3A = arith.extui %eq3A_25 : vector<4x8192xi1> to vector<4x8192xi32>
      %convert_element_type3A_26 = arith.sitofp %convert_element_type3A : vector<4x8192xi32> to vector<4x8192xf32>
      %mul3A = arith.mulf %get3A_3, %convert_element_type3A_26 : vector<4x8192xf32>
      %reduce_sum3A = arith.constant dense<0.000000e+00> : vector<4xf32>
      %reduce_sum3A_27 = vector.multi_reduction <add>, %mul3A, %reduce_sum3A [1] : vector<4x8192xf32> to vector<4xf32>
      %broadcast_in_dim3A_28 = vector.shape_cast %reduce_sum3A_27 : vector<4xf32> to vector<4x1xf32>
      %mul3A_29 = arith.mulf %get3A_8, %convert_element_type3A_26 : vector<4x8192xf32>
      %reduce_sum3A_30 = arith.constant dense<0.000000e+00> : vector<4xf32>
      %reduce_sum3A_31 = vector.multi_reduction <add>, %mul3A_29, %reduce_sum3A_30 [1] : vector<4x8192xf32> to vector<4xf32>
      %broadcast_in_dim3A_32 = vector.shape_cast %reduce_sum3A_31 : vector<4xf32> to vector<4x1xf32>
      %mul3A_33 = arith.mulf %get3A_13, %convert_element_type3A_26 : vector<4x8192xf32>
      %reduce_sum3A_34 = arith.constant dense<0.000000e+00> : vector<4xf32>
      %reduce_sum3A_35 = vector.multi_reduction <add>, %mul3A_33, %reduce_sum3A_34 [1] : vector<4x8192xf32> to vector<4xf32>
      %broadcast_in_dim3A_36 = vector.shape_cast %reduce_sum3A_35 : vector<4xf32> to vector<4x1xf32>
      %concatenate3A = tpu.concatenate %broadcast_in_dim3A_28, %broadcast_in_dim3A_32, %broadcast_in_dim3A_36 in 1 : vector<4x1xf32>, vector<4x1xf32>, vector<4x1xf32> -> vector<4x3xf32>
      %broadcast_in_dim3A_37 = vector.shape_cast %concatenate3A : vector<4x3xf32> to vector<4x1x3xf32>
      %swap3A = arith.constant 0 : index
      %swap3A_38 = arith.index_cast %scan3A_22 : i32 to index
      %swap3A_39 = arith.constant 0 : index
      %swap3A_40 = vector.load %arg1[%swap3A, %swap3A_38, %swap3A_39] : memref<4x512x3xf32, #tpu.memory_space<vmem>>, vector<4x1x3xf32>
      tpu.vector_store %arg1[%swap3A, %swap3A_38, %swap3A_39], %broadcast_in_dim3A_37 {strides = array<i32>} : memref<4x512x3xf32, #tpu.memory_space<vmem>>, vector<4x1x3xf32>,
      %sub3A = vector.broadcast %broadcast_in_dim3A_28 : vector<4x1xf32> to vector<4x8192xf32>
      %sub3A_41 = arith.subf %get3A_3, %sub3A : vector<4x8192xf32>
      %sub3A_42 = vector.broadcast %broadcast_in_dim3A_32 : vector<4x1xf32> to vector<4x8192xf32>
      %sub3A_43 = arith.subf %get3A_8, %sub3A_42 : vector<4x8192xf32>
      %sub3A_44 = vector.broadcast %broadcast_in_dim3A_36 : vector<4x1xf32> to vector<4x8192xf32>
      %sub3A_45 = arith.subf %get3A_13, %sub3A_44 : vector<4x8192xf32>
      %mul3A_46 = arith.mulf %sub3A_41, %sub3A_41 : vector<4x8192xf32>
      %mul3A_47 = arith.mulf %sub3A_43, %sub3A_43 : vector<4x8192xf32>
      %add3A = arith.addf %mul3A_46, %mul3A_47 : vector<4x8192xf32>
      %mul3A_48 = arith.mulf %sub3A_45, %sub3A_45 : vector<4x8192xf32>
      %add3A_49 = arith.addf %add3A, %mul3A_48 : vector<4x8192xf32>
      %min3A = arith.minimumf %scan3A_23, %add3A_49 : vector<4x8192xf32>
      %reduce_max3A = arith.constant dense<0xFF800000> : vector<4xf32>
      %reduce_max3A_50 = vector.multi_reduction <maximumf>, %min3A, %reduce_max3A [1] : vector<4x8192xf32> to vector<4xf32>
      %broadcast_in_dim3A_51 = vector.shape_cast %reduce_max3A_50 : vector<4xf32> to vector<4x1xf32>
      %eq3A_52 = vector.broadcast %broadcast_in_dim3A_51 : vector<4x1xf32> to vector<4x8192xf32>
      %eq3A_53 = arith.cmpf oeq, %min3A, %eq3A_52 : vector<4x8192xf32>
      %jit3A = arith.constant 8192 : i32
      %broadcast_in_dim3A_54 = vector.broadcast %jit3A : i32 to vector<4x8192xi32>
      %select_n3A = arith.select %eq3A_53, %iota3A, %broadcast_in_dim3A_54 : vector<4x8192xi1>, vector<4x8192xi32>
      %reduce_min3A = arith.constant dense<2147483647> : vector<4xi32>
      %reduce_min3A_55 = vector.multi_reduction <minsi>, %select_n3A, %reduce_min3A [1] : vector<4x8192xi32> to vector<4xi32>
      %broadcast_in_dim3A_56 = vector.shape_cast %reduce_min3A_55 : vector<4xi32> to vector<4x1xi32>
      scf.yield %min3A, %broadcast_in_dim3A_56 : vector<4x8192xf32>, vector<4x1xi32>
    }
    %scan3A_21 = arith.constant 512 : i32
    return
  }
}

module attributes {stable_mosaic.version = 14 : i64} {
  func.func @_dist_body(%arg0: i32, %arg1: i32, %arg2: memref<256x3xf32, #tpu.memory_space<vmem>>, %arg3: memref<1x3x8192xf32, #tpu.memory_space<vmem>>, %arg4: memref<256x8192xf32, #tpu.memory_space<vmem>>) attributes {dimension_semantics = [#tpu.dimension_semantics<arbitrary>, #tpu.dimension_semantics<arbitrary>], iteration_bounds = array<i64: 4, 2>, scalar_prefetch = 0 : i64, scratch_operands = 0 : i64, tpu.core_type = #tpu.core_type<tc>, window_params = [{transform_indices = @transform_0, window_bounds = array<i64: 256, 3>}, {transform_indices = @transform_1, window_bounds = array<i64: 1, 3, 8192>}, {transform_indices = @transform_2, window_bounds = array<i64: 256, 8192>}]} {
    %get3A = arith.constant 0 : index
    %get3A_0 = arith.constant 0 : index
    %get3A_1 = vector.load %arg2[%get3A, %get3A_0] : memref<256x3xf32, #tpu.memory_space<vmem>>, vector<256x3xf32>
    %get3A_2 = arith.constant 0 : index
    %get3A_3 = arith.constant 0 : index
    %get3A_4 = arith.constant 0 : index
    %get3A_5 = vector.load %arg3[%get3A_2, %get3A_3, %get3A_4] : memref<1x3x8192xf32, #tpu.memory_space<vmem>>, vector<1x3x8192xf32>
    %squeeze3A = vector.shape_cast %get3A_5 : vector<1x3x8192xf32> to vector<3x8192xf32>
    %dot_general3A = arith.constant dense<0.000000e+00> : vector<256x8192xf32>
    %dot_general3A_6 = tpu.matmul %get3A_1, %squeeze3A, %dot_general3A {dimension_numbers = #tpu.dot_dimension_numbers<[1], [0], [0], [1], [0, 0, 1, 1], [], []>, transpose_lhs_hint = false} : vector<256x3xf32>, vector<3x8192xf32>, vector<256x8192xf32> -> vector<256x8192xf32>
    %mul3A = arith.mulf %get3A_1, %get3A_1 : vector<256x3xf32>
    %reduce_sum3A = arith.constant dense<0.000000e+00> : vector<256xf32>
    %reduce_sum3A_7 = vector.multi_reduction <add>, %mul3A, %reduce_sum3A [1] : vector<256x3xf32> to vector<256xf32>
    %broadcast_in_dim3A = vector.shape_cast %reduce_sum3A_7 : vector<256xf32> to vector<256x1xf32>
    %mul3A_8 = arith.mulf %squeeze3A, %squeeze3A : vector<3x8192xf32>
    %reduce_sum3A_9 = arith.constant dense<0.000000e+00> : vector<8192xf32>
    %reduce_sum3A_10 = vector.multi_reduction <add>, %mul3A_8, %reduce_sum3A_9 [0] : vector<3x8192xf32> to vector<8192xf32>
    %broadcast_in_dim3A_11 = vector.shape_cast %reduce_sum3A_10 : vector<8192xf32> to vector<1x8192xf32>
    %add3A = vector.broadcast %broadcast_in_dim3A : vector<256x1xf32> to vector<256x8192xf32>
    %add3A_12 = vector.broadcast %broadcast_in_dim3A_11 : vector<1x8192xf32> to vector<256x8192xf32>
    %add3A_13 = arith.addf %add3A, %add3A_12 : vector<256x8192xf32>
    %mul3A_14 = arith.constant 2.000000e+00 : f32
    %mul3A_15 = vector.broadcast %mul3A_14 : f32 to vector<256x8192xf32>
    %mul3A_16 = arith.mulf %mul3A_15, %dot_general3A_6 : vector<256x8192xf32>
    %sub3A = arith.subf %add3A_13, %mul3A_16 : vector<256x8192xf32>
    %swap3A = arith.constant 0 : index
    %swap3A_17 = arith.constant 0 : index
    %swap3A_18 = vector.load %arg4[%swap3A, %swap3A_17] : memref<256x8192xf32, #tpu.memory_space<vmem>>, vector<256x8192xf32>
    tpu.vector_store %arg4[%swap3A, %swap3A_17], %sub3A {strides = array<i32>} : memref<256x8192xf32, #tpu.memory_space<vmem>>, vector<256x8192xf32>,
    return
  }
  func.func @transform_0(%arg0: i32, %arg1: i32) -> (i32, i32) {
    %mul3A = arith.constant 2 : i32
    %mul3A_0 = arith.muli %arg0, %mul3A : i32
    %add3A = arith.addi %mul3A_0, %arg1 : i32
    %c0_i32 = arith.constant 0 : i32
    %c0_i32_1 = arith.constant 0 : i32
    return %add3A, %c0_i32 : i32, i32
  }
  func.func @transform_1(%arg0: i32, %arg1: i32) -> (i32, i32, i32) {
    %c0_i32 = arith.constant 0 : i32
    %c0_i32_0 = arith.constant 0 : i32
    %c0_i32_1 = arith.constant 0 : i32
    return %arg0, %c0_i32, %c0_i32_0 : i32, i32, i32
  }
  func.func @transform_2(%arg0: i32, %arg1: i32) -> (i32, i32) {
    %mul3A = arith.constant 2 : i32
    %mul3A_0 = arith.muli %arg0, %mul3A : i32
    %add3A = arith.addi %mul3A_0, %arg1 : i32
    %c0_i32 = arith.constant 0 : i32
    %c0_i32_1 = arith.constant 0 : i32
    return %add3A, %c0_i32 : i32, i32
  }
}

module attributes {stable_mosaic.version = 14 : i64} {
  func.func @_mlp_body(%arg0: i32, %arg1: memref<4096x128xf32, #tpu.memory_space<vmem>>, %arg2: memref<128x3xf32, #tpu.memory_space<vmem>>, %arg3: memref<128x32xf32, #tpu.memory_space<vmem>>, %arg4: memref<1x32xf32, #tpu.memory_space<vmem>>, %arg5: memref<32x32xf32, #tpu.memory_space<vmem>>, %arg6: memref<1x32xf32, #tpu.memory_space<vmem>>, %arg7: memref<32x64xf32, #tpu.memory_space<vmem>>, %arg8: memref<1x64xf32, #tpu.memory_space<vmem>>, %arg9: memref<128x64xf32, #tpu.memory_space<vmem>>) attributes {dimension_semantics = [#tpu.dimension_semantics<arbitrary>], iteration_bounds = array<i64: 16>, scalar_prefetch = 0 : i64, scratch_operands = 0 : i64, tpu.core_type = #tpu.core_type<tc>, window_params = [{transform_indices = @transform_0, window_bounds = array<i64: 4096, 128>}, {transform_indices = @transform_1, window_bounds = array<i64: 128, 3>}, {pipeline_mode = #tpu.pipeline_mode<synchronous>, transform_indices = @transform_2, window_bounds = array<i64: 128, 32>}, {pipeline_mode = #tpu.pipeline_mode<synchronous>, transform_indices = @transform_3, window_bounds = array<i64: 1, 32>}, {pipeline_mode = #tpu.pipeline_mode<synchronous>, transform_indices = @transform_4, window_bounds = array<i64: 32, 32>}, {pipeline_mode = #tpu.pipeline_mode<synchronous>, transform_indices = @transform_5, window_bounds = array<i64: 1, 32>}, {pipeline_mode = #tpu.pipeline_mode<synchronous>, transform_indices = @transform_6, window_bounds = array<i64: 32, 64>}, {pipeline_mode = #tpu.pipeline_mode<synchronous>, transform_indices = @transform_7, window_bounds = array<i64: 1, 64>}, {transform_indices = @transform_8, window_bounds = array<i64: 128, 64>}]} {
    %get3A = arith.constant 0 : index
    %get3A_0 = arith.constant 0 : index
    %get3A_1 = vector.load %arg1[%get3A, %get3A_0] : memref<4096x128xf32, #tpu.memory_space<vmem>>, vector<4096x128xf32>
    %get3A_2 = arith.constant 0 : index
    %get3A_3 = arith.constant 0 : index
    %get3A_4 = vector.load %arg3[%get3A_2, %get3A_3] : memref<128x32xf32, #tpu.memory_space<vmem>>, vector<128x32xf32>
    %dot_general3A = arith.constant dense<0.000000e+00> : vector<4096x32xf32>
    %dot_general3A_5 = tpu.matmul %get3A_1, %get3A_4, %dot_general3A {dimension_numbers = #tpu.dot_dimension_numbers<[1], [0], [0], [1], [0, 0, 1, 1], [], []>, transpose_lhs_hint = false} : vector<4096x128xf32>, vector<128x32xf32>, vector<4096x32xf32> -> vector<4096x32xf32>
    %get3A_6 = arith.constant 0 : index
    %get3A_7 = arith.constant 0 : index
    %get3A_8 = vector.load %arg4[%get3A_6, %get3A_7] : memref<1x32xf32, #tpu.memory_space<vmem>>, vector<1x32xf32>
    %get3A_9 = arith.constant 0 : index
    %get3A_10 = arith.constant 0 : index
    %get3A_11 = vector.load %arg2[%get3A_9, %get3A_10] : memref<128x3xf32, #tpu.memory_space<vmem>>, vector<128x3xf32>
    %get3A_12 = arith.constant 32 : index
    %get3A_13 = arith.constant 0 : index
    %get3A_14 = vector.load %arg3[%get3A_12, %get3A_13] : memref<128x32xf32, #tpu.memory_space<vmem>>, vector<3x32xf32>
    %dot_general3A_15 = arith.constant dense<0.000000e+00> : vector<128x32xf32>
    %dot_general3A_16 = tpu.matmul %get3A_11, %get3A_14, %dot_general3A_15 {dimension_numbers = #tpu.dot_dimension_numbers<[1], [0], [0], [1], [0, 0, 1, 1], [], []>, transpose_lhs_hint = false} : vector<128x3xf32>, vector<3x32xf32>, vector<128x32xf32> -> vector<128x32xf32>
    %sub3A = vector.broadcast %get3A_8 : vector<1x32xf32> to vector<128x32xf32>
    %sub3A_17 = arith.subf %sub3A, %dot_general3A_16 : vector<128x32xf32>
    %reshape3A = vector.shape_cast %dot_general3A_5 : vector<4096x32xf32> to vector<128x32x32xf32>
    %broadcast_in_dim3A = vector.shape_cast %sub3A_17 : vector<128x32xf32> to vector<128x1x32xf32>
    %add3A = vector.broadcast %broadcast_in_dim3A : vector<128x1x32xf32> to vector<128x32x32xf32>
    %add3A_18 = arith.addf %reshape3A, %add3A : vector<128x32x32xf32>
    %max3A = arith.constant 0.000000e+00 : f32
    %max3A_19 = vector.broadcast %max3A : f32 to vector<128x32x32xf32>
    %max3A_20 = arith.maximumf %add3A_18, %max3A_19 : vector<128x32x32xf32>
    %reshape3A_21 = vector.shape_cast %max3A_20 : vector<128x32x32xf32> to vector<4096x32xf32>
    %get3A_22 = arith.constant 0 : index
    %get3A_23 = arith.constant 0 : index
    %get3A_24 = vector.load %arg5[%get3A_22, %get3A_23] : memref<32x32xf32, #tpu.memory_space<vmem>>, vector<32x32xf32>
    %dot_general3A_25 = arith.constant dense<0.000000e+00> : vector<4096x32xf32>
    %dot_general3A_26 = tpu.matmul %reshape3A_21, %get3A_24, %dot_general3A_25 {dimension_numbers = #tpu.dot_dimension_numbers<[1], [0], [0], [1], [0, 0, 1, 1], [], []>, transpose_lhs_hint = false} : vector<4096x32xf32>, vector<32x32xf32>, vector<4096x32xf32> -> vector<4096x32xf32>
    %get3A_27 = arith.constant 0 : index
    %get3A_28 = arith.constant 0 : index
    %get3A_29 = vector.load %arg6[%get3A_27, %get3A_28] : memref<1x32xf32, #tpu.memory_space<vmem>>, vector<1x32xf32>
    %add3A_30 = vector.broadcast %get3A_29 : vector<1x32xf32> to vector<4096x32xf32>
    %add3A_31 = arith.addf %dot_general3A_26, %add3A_30 : vector<4096x32xf32>
    %max3A_32 = arith.constant 0.000000e+00 : f32
    %max3A_33 = vector.broadcast %max3A_32 : f32 to vector<4096x32xf32>
    %max3A_34 = arith.maximumf %add3A_31, %max3A_33 : vector<4096x32xf32>
    %get3A_35 = arith.constant 0 : index
    %get3A_36 = arith.constant 0 : index
    %get3A_37 = vector.load %arg7[%get3A_35, %get3A_36] : memref<32x64xf32, #tpu.memory_space<vmem>>, vector<32x64xf32>
    %dot_general3A_38 = arith.constant dense<0.000000e+00> : vector<4096x64xf32>
    %dot_general3A_39 = tpu.matmul %max3A_34, %get3A_37, %dot_general3A_38 {dimension_numbers = #tpu.dot_dimension_numbers<[1], [0], [0], [1], [0, 0, 1, 1], [], []>, transpose_lhs_hint = false} : vector<4096x32xf32>, vector<32x64xf32>, vector<4096x64xf32> -> vector<4096x64xf32>
    %get3A_40 = arith.constant 0 : index
    %get3A_41 = arith.constant 0 : index
    %get3A_42 = vector.load %arg8[%get3A_40, %get3A_41] : memref<1x64xf32, #tpu.memory_space<vmem>>, vector<1x64xf32>
    %add3A_43 = vector.broadcast %get3A_42 : vector<1x64xf32> to vector<4096x64xf32>
    %add3A_44 = arith.addf %dot_general3A_39, %add3A_43 : vector<4096x64xf32>
    %max3A_45 = arith.constant 0.000000e+00 : f32
    %max3A_46 = vector.broadcast %max3A_45 : f32 to vector<4096x64xf32>
    %max3A_47 = arith.maximumf %add3A_44, %max3A_46 : vector<4096x64xf32>
    %reshape3A_48 = vector.shape_cast %max3A_47 : vector<4096x64xf32> to vector<128x32x64xf32>
    %reduce_max3A = arith.constant dense<0xFF800000> : vector<128x64xf32>
    %reduce_max3A_49 = vector.multi_reduction <maximumf>, %reshape3A_48, %reduce_max3A [1] : vector<128x32x64xf32> to vector<128x64xf32>
    %swap3A = arith.constant 0 : index
    %swap3A_50 = arith.constant 0 : index
    %swap3A_51 = vector.load %arg9[%swap3A, %swap3A_50] : memref<128x64xf32, #tpu.memory_space<vmem>>, vector<128x64xf32>
    tpu.vector_store %arg9[%swap3A, %swap3A_50], %reduce_max3A_49 {strides = array<i32>} : memref<128x64xf32, #tpu.memory_space<vmem>>, vector<128x64xf32>,
    return
  }
  func.func @transform_0(%arg0: i32) -> (i32, i32) {
    %c0_i32 = arith.constant 0 : i32
    %c0_i32_0 = arith.constant 0 : i32
    return %arg0, %c0_i32 : i32, i32
  }
  func.func @transform_1(%arg0: i32) -> (i32, i32) {
    %c0_i32 = arith.constant 0 : i32
    %c0_i32_0 = arith.constant 0 : i32
    return %arg0, %c0_i32 : i32, i32
  }
  func.func @transform_2(%arg0: i32) -> (i32, i32) {
    %c0_i32 = arith.constant 0 : i32
    %c0_i32_0 = arith.constant 0 : i32
    %c0_i32_1 = arith.constant 0 : i32
    return %c0_i32, %c0_i32_0 : i32, i32
  }
  func.func @transform_3(%arg0: i32) -> (i32, i32) {
    %c0_i32 = arith.constant 0 : i32
    %c0_i32_0 = arith.constant 0 : i32
    %c0_i32_1 = arith.constant 0 : i32
    return %c0_i32, %c0_i32_0 : i32, i32
  }
  func.func @transform_4(%arg0: i32) -> (i32, i32) {
    %c0_i32 = arith.constant 0 : i32
    %c0_i32_0 = arith.constant 0 : i32
    %c0_i32_1 = arith.constant 0 : i32
    return %c0_i32, %c0_i32_0 : i32, i32
  }
  func.func @transform_5(%arg0: i32) -> (i32, i32) {
    %c0_i32 = arith.constant 0 : i32
    %c0_i32_0 = arith.constant 0 : i32
    %c0_i32_1 = arith.constant 0 : i32
    return %c0_i32, %c0_i32_0 : i32, i32
  }
  func.func @transform_6(%arg0: i32) -> (i32, i32) {
    %c0_i32 = arith.constant 0 : i32
    %c0_i32_0 = arith.constant 0 : i32
    %c0_i32_1 = arith.constant 0 : i32
    return %c0_i32, %c0_i32_0 : i32, i32
  }
  func.func @transform_7(%arg0: i32) -> (i32, i32) {
    %c0_i32 = arith.constant 0 : i32
    %c0_i32_0 = arith.constant 0 : i32
    %c0_i32_1 = arith.constant 0 : i32
    return %c0_i32, %c0_i32_0 : i32, i32
  }
  func.func @transform_8(%arg0: i32) -> (i32, i32) {
    %c0_i32 = arith.constant 0 : i32
    %c0_i32_0 = arith.constant 0 : i32
    return %arg0, %c0_i32 : i32, i32
  }
}

module attributes {stable_mosaic.version = 14 : i64} {
  func.func @_mlp_body(%arg0: i32, %arg1: memref<8192x128xf32, #tpu.memory_space<vmem>>, %arg2: memref<128x3xf32, #tpu.memory_space<vmem>>, %arg3: memref<128x64xf32, #tpu.memory_space<vmem>>, %arg4: memref<1x64xf32, #tpu.memory_space<vmem>>, %arg5: memref<64x64xf32, #tpu.memory_space<vmem>>, %arg6: memref<1x64xf32, #tpu.memory_space<vmem>>, %arg7: memref<64x128xf32, #tpu.memory_space<vmem>>, %arg8: memref<1x128xf32, #tpu.memory_space<vmem>>, %arg9: memref<128x128xf32, #tpu.memory_space<vmem>>) attributes {dimension_semantics = [#tpu.dimension_semantics<arbitrary>], iteration_bounds = array<i64: 16>, scalar_prefetch = 0 : i64, scratch_operands = 0 : i64, tpu.core_type = #tpu.core_type<tc>, window_params = [{transform_indices = @transform_0, window_bounds = array<i64: 8192, 128>}, {transform_indices = @transform_1, window_bounds = array<i64: 128, 3>}, {pipeline_mode = #tpu.pipeline_mode<synchronous>, transform_indices = @transform_2, window_bounds = array<i64: 128, 64>}, {pipeline_mode = #tpu.pipeline_mode<synchronous>, transform_indices = @transform_3, window_bounds = array<i64: 1, 64>}, {pipeline_mode = #tpu.pipeline_mode<synchronous>, transform_indices = @transform_4, window_bounds = array<i64: 64, 64>}, {pipeline_mode = #tpu.pipeline_mode<synchronous>, transform_indices = @transform_5, window_bounds = array<i64: 1, 64>}, {pipeline_mode = #tpu.pipeline_mode<synchronous>, transform_indices = @transform_6, window_bounds = array<i64: 64, 128>}, {pipeline_mode = #tpu.pipeline_mode<synchronous>, transform_indices = @transform_7, window_bounds = array<i64: 1, 128>}, {transform_indices = @transform_8, window_bounds = array<i64: 128, 128>}]} {
    %get3A = arith.constant 0 : index
    %get3A_0 = arith.constant 0 : index
    %get3A_1 = vector.load %arg1[%get3A, %get3A_0] : memref<8192x128xf32, #tpu.memory_space<vmem>>, vector<8192x128xf32>
    %get3A_2 = arith.constant 0 : index
    %get3A_3 = arith.constant 0 : index
    %get3A_4 = vector.load %arg3[%get3A_2, %get3A_3] : memref<128x64xf32, #tpu.memory_space<vmem>>, vector<128x64xf32>
    %dot_general3A = arith.constant dense<0.000000e+00> : vector<8192x64xf32>
    %dot_general3A_5 = tpu.matmul %get3A_1, %get3A_4, %dot_general3A {dimension_numbers = #tpu.dot_dimension_numbers<[1], [0], [0], [1], [0, 0, 1, 1], [], []>, transpose_lhs_hint = false} : vector<8192x128xf32>, vector<128x64xf32>, vector<8192x64xf32> -> vector<8192x64xf32>
    %get3A_6 = arith.constant 0 : index
    %get3A_7 = arith.constant 0 : index
    %get3A_8 = vector.load %arg4[%get3A_6, %get3A_7] : memref<1x64xf32, #tpu.memory_space<vmem>>, vector<1x64xf32>
    %get3A_9 = arith.constant 0 : index
    %get3A_10 = arith.constant 0 : index
    %get3A_11 = vector.load %arg2[%get3A_9, %get3A_10] : memref<128x3xf32, #tpu.memory_space<vmem>>, vector<128x3xf32>
    %get3A_12 = arith.constant 32 : index
    %get3A_13 = arith.constant 0 : index
    %get3A_14 = vector.load %arg3[%get3A_12, %get3A_13] : memref<128x64xf32, #tpu.memory_space<vmem>>, vector<3x64xf32>
    %dot_general3A_15 = arith.constant dense<0.000000e+00> : vector<128x64xf32>
    %dot_general3A_16 = tpu.matmul %get3A_11, %get3A_14, %dot_general3A_15 {dimension_numbers = #tpu.dot_dimension_numbers<[1], [0], [0], [1], [0, 0, 1, 1], [], []>, transpose_lhs_hint = false} : vector<128x3xf32>, vector<3x64xf32>, vector<128x64xf32> -> vector<128x64xf32>
    %sub3A = vector.broadcast %get3A_8 : vector<1x64xf32> to vector<128x64xf32>
    %sub3A_17 = arith.subf %sub3A, %dot_general3A_16 : vector<128x64xf32>
    %reshape3A = vector.shape_cast %dot_general3A_5 : vector<8192x64xf32> to vector<128x64x64xf32>
    %broadcast_in_dim3A = vector.shape_cast %sub3A_17 : vector<128x64xf32> to vector<128x1x64xf32>
    %add3A = vector.broadcast %broadcast_in_dim3A : vector<128x1x64xf32> to vector<128x64x64xf32>
    %add3A_18 = arith.addf %reshape3A, %add3A : vector<128x64x64xf32>
    %max3A = arith.constant 0.000000e+00 : f32
    %max3A_19 = vector.broadcast %max3A : f32 to vector<128x64x64xf32>
    %max3A_20 = arith.maximumf %add3A_18, %max3A_19 : vector<128x64x64xf32>
    %reshape3A_21 = vector.shape_cast %max3A_20 : vector<128x64x64xf32> to vector<8192x64xf32>
    %get3A_22 = arith.constant 0 : index
    %get3A_23 = arith.constant 0 : index
    %get3A_24 = vector.load %arg5[%get3A_22, %get3A_23] : memref<64x64xf32, #tpu.memory_space<vmem>>, vector<64x64xf32>
    %dot_general3A_25 = arith.constant dense<0.000000e+00> : vector<8192x64xf32>
    %dot_general3A_26 = tpu.matmul %reshape3A_21, %get3A_24, %dot_general3A_25 {dimension_numbers = #tpu.dot_dimension_numbers<[1], [0], [0], [1], [0, 0, 1, 1], [], []>, transpose_lhs_hint = false} : vector<8192x64xf32>, vector<64x64xf32>, vector<8192x64xf32> -> vector<8192x64xf32>
    %get3A_27 = arith.constant 0 : index
    %get3A_28 = arith.constant 0 : index
    %get3A_29 = vector.load %arg6[%get3A_27, %get3A_28] : memref<1x64xf32, #tpu.memory_space<vmem>>, vector<1x64xf32>
    %add3A_30 = vector.broadcast %get3A_29 : vector<1x64xf32> to vector<8192x64xf32>
    %add3A_31 = arith.addf %dot_general3A_26, %add3A_30 : vector<8192x64xf32>
    %max3A_32 = arith.constant 0.000000e+00 : f32
    %max3A_33 = vector.broadcast %max3A_32 : f32 to vector<8192x64xf32>
    %max3A_34 = arith.maximumf %add3A_31, %max3A_33 : vector<8192x64xf32>
    %get3A_35 = arith.constant 0 : index
    %get3A_36 = arith.constant 0 : index
    %get3A_37 = vector.load %arg7[%get3A_35, %get3A_36] : memref<64x128xf32, #tpu.memory_space<vmem>>, vector<64x128xf32>
    %dot_general3A_38 = arith.constant dense<0.000000e+00> : vector<8192x128xf32>
    %dot_general3A_39 = tpu.matmul %max3A_34, %get3A_37, %dot_general3A_38 {dimension_numbers = #tpu.dot_dimension_numbers<[1], [0], [0], [1], [0, 0, 1, 1], [], []>, transpose_lhs_hint = false} : vector<8192x64xf32>, vector<64x128xf32>, vector<8192x128xf32> -> vector<8192x128xf32>
    %get3A_40 = arith.constant 0 : index
    %get3A_41 = arith.constant 0 : index
    %get3A_42 = vector.load %arg8[%get3A_40, %get3A_41] : memref<1x128xf32, #tpu.memory_space<vmem>>, vector<1x128xf32>
    %add3A_43 = vector.broadcast %get3A_42 : vector<1x128xf32> to vector<8192x128xf32>
    %add3A_44 = arith.addf %dot_general3A_39, %add3A_43 : vector<8192x128xf32>
    %max3A_45 = arith.constant 0.000000e+00 : f32
    %max3A_46 = vector.broadcast %max3A_45 : f32 to vector<8192x128xf32>
    %max3A_47 = arith.maximumf %add3A_44, %max3A_46 : vector<8192x128xf32>
    %reshape3A_48 = vector.shape_cast %max3A_47 : vector<8192x128xf32> to vector<128x64x128xf32>
    %reduce_max3A = arith.constant dense<0xFF800000> : vector<128x128xf32>
    %reduce_max3A_49 = vector.multi_reduction <maximumf>, %reshape3A_48, %reduce_max3A [1] : vector<128x64x128xf32> to vector<128x128xf32>
    %swap3A = arith.constant 0 : index
    %swap3A_50 = arith.constant 0 : index
    %swap3A_51 = vector.load %arg9[%swap3A, %swap3A_50] : memref<128x128xf32, #tpu.memory_space<vmem>>, vector<128x128xf32>
    tpu.vector_store %arg9[%swap3A, %swap3A_50], %reduce_max3A_49 {strides = array<i32>} : memref<128x128xf32, #tpu.memory_space<vmem>>, vector<128x128xf32>,
    return
  }
  func.func @transform_0(%arg0: i32) -> (i32, i32) {
    %c0_i32 = arith.constant 0 : i32
    %c0_i32_0 = arith.constant 0 : i32
    return %arg0, %c0_i32 : i32, i32
  }
  func.func @transform_1(%arg0: i32) -> (i32, i32) {
    %c0_i32 = arith.constant 0 : i32
    %c0_i32_0 = arith.constant 0 : i32
    return %arg0, %c0_i32 : i32, i32
  }
  func.func @transform_2(%arg0: i32) -> (i32, i32) {
    %c0_i32 = arith.constant 0 : i32
    %c0_i32_0 = arith.constant 0 : i32
    %c0_i32_1 = arith.constant 0 : i32
    return %c0_i32, %c0_i32_0 : i32, i32
  }
  func.func @transform_3(%arg0: i32) -> (i32, i32) {
    %c0_i32 = arith.constant 0 : i32
    %c0_i32_0 = arith.constant 0 : i32
    %c0_i32_1 = arith.constant 0 : i32
    return %c0_i32, %c0_i32_0 : i32, i32
  }
  func.func @transform_4(%arg0: i32) -> (i32, i32) {
    %c0_i32 = arith.constant 0 : i32
    %c0_i32_0 = arith.constant 0 : i32
    %c0_i32_1 = arith.constant 0 : i32
    return %c0_i32, %c0_i32_0 : i32, i32
  }
  func.func @transform_5(%arg0: i32) -> (i32, i32) {
    %c0_i32 = arith.constant 0 : i32
    %c0_i32_0 = arith.constant 0 : i32
    %c0_i32_1 = arith.constant 0 : i32
    return %c0_i32, %c0_i32_0 : i32, i32
  }
  func.func @transform_6(%arg0: i32) -> (i32, i32) {
    %c0_i32 = arith.constant 0 : i32
    %c0_i32_0 = arith.constant 0 : i32
    %c0_i32_1 = arith.constant 0 : i32
    return %c0_i32, %c0_i32_0 : i32, i32
  }
  func.func @transform_7(%arg0: i32) -> (i32, i32) {
    %c0_i32 = arith.constant 0 : i32
    %c0_i32_0 = arith.constant 0 : i32
    %c0_i32_1 = arith.constant 0 : i32
    return %c0_i32, %c0_i32_0 : i32, i32
  }
  func.func @transform_8(%arg0: i32) -> (i32, i32) {
    %c0_i32 = arith.constant 0 : i32
    %c0_i32_0 = arith.constant 0 : i32
    return %arg0, %c0_i32 : i32, i32
  }
}

</mosaic_0001>

<sc_bundles>
// kernel: kernel.7.cloned.1.call-start
scs
__scs_entry_jumppad:
0x0: {  	(pc) =	sbr.rel $0x88, $3  }
0x1: {  	(tag) =	ssettag $0x0;
	lr =	simm.s32 $0x1  }
0x2: {  	[smem:$0x3F93] =	sst lr;
	_ =	strace $0xD0000000  }
0x3: {  	_ = 	snop  }
0x4: {  	_ = 	snop  }
0x5: {  	_ = 	snop  }
0x6: {  	_ = 	snop  }
0x7: {  	_ = 	snop  }
__scs_overlays_trampoline_lowered:
0x8: {  	[smem:$0x3FA2] =	sst s0  }
0x9: {  	[smem:$0x3FA3] =	sst s1  }
0xa: {  	[smem:$0x3FA4] =	sst s2  }
0xb: {  	[smem:$0x3FA5] =	sst s3  }
0xc: {  	[smem:$0x3FA6] =	sst s4  }
0xd: {  	[smem:$0x3FA7] =	sst s5  }
0xe: {  	[smem:$0x3FA8] =	sst s6  }
0xf: {  	[smem:$0x3FA9] =	sst s7  }
0x10: {  	[smem:$0x3FAA] =	sst s8  }
0x11: {  	[smem:$0x3FAB] =	sst s9;
	s0 =	simm.s32 @!p0 $0x0  }
0x12: {  	s1 =	sld [smem:$0x3F91];
	s0 =	simm.s32 @p0 $0x1  }
0x13: {  	[smem:$0x3FAC] =	sst s0;
	s0 =	simm.s32 @!p1 $0x0  }
0x14: {  	s2 =	sld [smem:$0x3F90];
	s0 =	simm.s32 @p1 $0x1  }
0x15: {  	[smem:$0x3FAD] =	sst s0;
	s0 =	simm.s32 @!p2 $0x0  }
0x16: {  	s3 =	sld [smem:$0x3FDB];
	s0 =	simm.s32 @p2 $0x1  }
0x17: {  	s4 =	simm.s32 $0x1BF5;
	[smem:$0x3FAF] =	sst s0  }
0x18: {  	s0 =	sld [smem:$0x3F92];
	_ =	swait.ge [sflag:s4], $0x0  }
0x19: {  	s7 =	sld [smem:$0x3F93]  }
0x1a: {  	s8 =	sadd.s32 $0xFFFFE003, lr  }
0x1b: {  	s9 =	sadd.s32 $0xFFFFFEF7, lr;
	s5 =	simm.s32 $0xFFFFFFFF;
	p2 =	slt.u32 s8, $0xFFFFF086  }
0x1c: {  	p1 =	slt.u32 s9, $0xF7A;
	s5 =	simm.s32 @!p2 $0x0  }
0x1d: {  	s5 =	simm.s32 @p1 $0x1;
	p0 =	seq.s32 s7, s2  }
0x1e: {  	s7 =	smul.u32 @!p0 $0xF7A, s2;
	p2 =	seq.s32 @!p0 s5, $0x0  }
0x1f: {  	s9 =	smul.u32 $0xF7A, s1;
	s8 =	simm.s32 @!p0 $0x1BF5;
	p2 =	por !p2, p0  }
0x20: {  	[sflag:s8] =	ssyncset.s32 @!p0 $0xFFFFF086;
	s6 =	sadd.s32 @!p0 s3, s7;
	s7 =	simm.s32 @!p0 $0x108  }
0x21: {  	s3 =	sadd.s32 s3, s9;
	s6 =	sadd.s32 @!p0 $0x88, s6;
	s7 =	simm.s32 @p2 $0x1082  }
0x22: {  	[simem:s7], [sflag:s8] =	dma.local @!p0 [hbm:s6], $0xF7A  }
0x23: {  	s9 =	sor.u32 $0xD0000000, s2;
	s6 =	simm.s32 $0x108;
	_ =	swait.ge @!p0 [sflag:s8], $0x0  }
0x24: {  	s3 =	sadd.s32 $0x88, s3;
	s6 =	simm.s32 @!p1 $0x1082;
	[sflag:s4] =	ssyncset.s32 $0xFFFFF086  }
0x25: {  	[simem:s6], [sflag:s4] =	dma.local [hbm:s3], $0xF7A  }
0x26: {  	[smem:$0x3F93] =	sst s1;
	(tag) =	ssettag s2;
	_ =	strace s9  }
0x27: {  	s1 =	sld [smem:$0x3FA3]  }
0x28: {  	s2 =	sld [smem:$0x3FA4]  }
0x29: {  	s4 =	sld [smem:$0x3FA6]  }
0x2a: {  	p0 =	seq.s32 s5, $0x0;
	s5 =	sld [smem:$0x3FA7]  }
0x2b: {  	s6 =	sld [smem:$0x3FA8]  }
0x2c: {  	s7 =	sld [smem:$0x3FA9]  }
0x2d: {  	s3 =	simm.s32 $0x108;
	s8 =	sld [smem:$0x3FAA]  }
0x2e: {  	s3 =	simm.s32 @!p0 $0x1082;
	s9 =	sld [smem:$0x3FAB]  }
0x2f: {  	lr =	sadd.s32 s0, s3;
	s0 =	sld [smem:$0x3FA2]  }
0x30: {  	s3 =	sld [smem:$0x3FA5]  }
0x31: {  	[smem:$0x3FAE] =	sst s10  }
0x32: {  	s10 =	sld [smem:$0x3FAC];
	_ =	sdelay $0x3  }
0x33: {  	p0 =	seq.s32 s10, $0x1;
	s10 =	sld [smem:$0x3FAE];
	_ =	sdelay $0x3  }
0x34: {  	[smem:$0x3FAE] =	sst s10  }
0x35: {  	s10 =	sld [smem:$0x3FAD];
	_ =	sdelay $0x3  }
0x36: {  	p1 =	seq.s32 s10, $0x1;
	s10 =	sld [smem:$0x3FAE];
	_ =	sdelay $0x3  }
0x37: {  	[smem:$0x3FAE] =	sst s10  }
0x38: {  	s10 =	sld [smem:$0x3FAF]  }
0x39: {  	_ = 	snop;
	(pc) =	sbr.ind lr, $3  }
0x3a: {  	_ = 	snop  }
0x3b: {  	_ = 	snop  }
0x3c: {  	p2 =	seq.s32 s10, $0x1;
	s10 =	sld [smem:$0x3FAE]  }
0x3d: {  	_ =	shalt  }
0x3e: {  	_ =	shalt  }
0x3f: {  	_ =	shalt  }
0x40: {  	_ =	shalt  }
0x41: {  	_ =	shalt  }
0x42: {  	_ =	shalt  }
0x43: {  	_ =	shalt  }
0x44: {  	_ =	shalt  }
0x45: {  	_ =	shalt  }
0x46: {  	_ =	shalt  }
0x47: {  	_ =	shalt  }
0x48: {  	_ =	shalt  }
0x49: {  	_ =	shalt  }
0x4a: {  	_ =	shalt  }
0x4b: {  	_ =	shalt  }
0x4c: {  	_ =	shalt  }
0x4d: {  	_ =	shalt  }
0x4e: {  	_ =	shalt  }
0x4f: {  	_ =	shalt  }
0x50: {  	_ =	shalt  }
0x51: {  	_ =	shalt  }
0x52: {  	_ =	shalt  }
0x53: {  	_ =	shalt  }
0x54: {  	_ =	shalt  }
0x55: {  	_ =	shalt  }
0x56: {  	_ =	shalt  }
0x57: {  	_ =	shalt  }
0x58: {  	_ =	shalt  }
0x59: {  	_ =	shalt  }
0x5a: {  	_ =	shalt  }
0x5b: {  	_ =	shalt  }
0x5c: {  	_ =	shalt  }
0x5d: {  	_ =	shalt  }
0x5e: {  	_ =	shalt  }
0x5f: {  	_ =	shalt  }
0x60: {  	_ =	shalt  }
0x61: {  	_ =	shalt  }
0x62: {  	_ =	shalt  }
0x63: {  	_ =	shalt  }
0x64: {  	_ =	shalt  }
0x65: {  	_ =	shalt  }
0x66: {  	_ =	shalt  }
0x67: {  	_ =	shalt  }
0x68: {  	_ =	shalt  }
0x69: {  	_ =	shalt  }
0x6a: {  	_ =	shalt  }
0x6b: {  	_ =	shalt  }
0x6c: {  	_ =	shalt  }
0x6d: {  	_ =	shalt  }
0x6e: {  	_ =	shalt  }
0x6f: {  	_ =	shalt  }
0x70: {  	_ =	shalt  }
0x71: {  	_ =	shalt  }
0x72: {  	_ =	shalt  }
0x73: {  	_ =	shalt  }
0x74: {  	_ =	shalt  }
0x75: {  	_ =	shalt  }
0x76: {  	_ =	shalt  }
0x77: {  	_ =	shalt  }
0x78: {  	_ =	shalt  }
0x79: {  	_ =	shalt  }
0x7a: {  	_ =	shalt  }
0x7b: {  	_ =	shalt  }
0x7c: {  	_ =	shalt  }
0x7d: {  	_ =	shalt  }
0x7e: {  	_ =	shalt  }
0x7f: {  	_ =	shalt  }
0x80: {  	_ =	shalt  }
0x81: {  	_ =	shalt  }
0x82: {  	_ =	shalt  }
0x83: {  	_ =	shalt  }
0x84: {  	_ =	shalt  }
0x85: {  	_ =	shalt  }
0x86: {  	_ =	shalt  }
0x87: {  	_ =	shalt  }
.Lfunc_end0:
.L_simem_size_0:
called_computation_lowered:
.L_overlay_start_0:
0x88: {  	s2 =	sld [smem:$0x3FD9]  }
0x89: {  	s3 =	sld [smem:$0x3FFE];
	_ =	sdelay $0x1  }
0x8a: {  	s1 =	srdreg.scid  }
0x8b: {  	s0 =	sand.u32 $0x1, s1  }
0x8c: {  	s16 =	sshll.u32 s0, $0xA;
	s2 =	sadd.s32 s3, s2  }
0x8d: {  	s2 =	sadd.s32 s2, s16  }
0x8e: {  	[smem:$0x3FBA] =	sst s2  }
0x8f: {  	_ = 	snop  }
0x90: {  	(tm) =	ssettm $0x1  }
0x91: {  	s17 =	sld [smem:$0x3FFB];
	_ =	sdelay $0x3  }
0x92: {  	_ =	strace s17  }
0x93: {  	s2 =	sld [smem:$0x3FFC];
	_ =	sdelay $0x3  }
0x94: {  	_ =	strace s2  }
0x95: {  	s2 =	sld [smem:$0x3FFD];
	_ =	sdelay $0x3  }
0x96: {  	_ =	strace s2  }
0x97: {  	_ =	strace $0x8FFFFFFF  }
0x98: {  	s18 =	sld [smem:$0x3FDB];
	_ =	sdelay $0x1  }
0x99: {  	s19 =	simm.s32 $_scs_section_size  }
0x9a: {  	s4 =	simm.s32 $_size__tile_overlayer_lowered;
	s5 =	simm.s32 $_tile_overlayer_lowered  }
0x9b: {  	s22 =	simm.s32 $0x1BFF;
	s21 =	sshll.u32 s5, $0x1;
	s2 =	sadd.s32 s19, s18  }
0x9c: {  	s6 =	simm.s32 $0x0;
	s20 =	sshll.u32 s4, $0x1;
	s4 =	sadd.s32 s21, s2  }
0x9d: {  	[timem:s6], [sflag:s22] =	dma.local [hbm:s4], s20  }
0x9e: {  	_ =	swait.ge [sflag:s22], s20  }
0x9f: {  	s3 =	ssub.s32 $0x0, s20;
	[sflag:s22] =	ssyncset.done $0x0  }
0xa0: {  	[sflag:s22] =	ssyncadd.s32 s3;
	_ =	sdelay $0x1  }
0xa1: {  	s23 =	simm.s32 $0x1B8B  }
0xa2: {  	_ =	swait.ge [sflag:s23], $0x1  }
0xa3: {  	[sflag:s23] =	ssyncset.done $0x0  }
0xa4: {  	s25 =	simm.s32 $0x1B8E;
	s24 =	sld [smem:$0x3FFE];
	[sflag:s23] =	ssyncadd.s32 $0xFFFFFFFF  }
0xa5: {  	s26 =	simm.s32 $execute0_lowered;
	[smem:$0x3FD2] =	sst s25  }
0xa6: {  	s4 =	sshll.u32 s26, $0x1;
	_ =	strace $0x80000046;
	[dreg:$0x1] =	wrdreg $0xFFFFFFFF  }
0xa7: {  	s28 =	simm.s32 $_size_execute0_lowered;
	s2 =	sadd.s32 s2, s4;
	[dreg:$0x0] =	wrdreg $0x0  }
0xa8: {  	s4 =	sshll.u32 s28, $0x1;
	[dreg:$0x2] =	wrdreg s2  }
0xa9: {  	[dreg:$0x3] =	wrdreg s4  }
0xaa: {  	[dreg:$0x4] =	wrdreg $0xC0  }
0xab: {  	_ =	task [dreg:s6], $0x5FFFF  }
0xac: {  	[dreg:$0x1] =	wrdreg $0xFFFFFFFF  }
0xad: {  	[dreg:$0x0] =	wrdreg $0x60  }
0xae: {  	[dreg:$0x2] =	wrdreg s24  }
0xaf: {  	[dreg:$0x3] =	wrdreg $0x9  }
0xb0: {  	_ =	task.clear_ibuf [dreg:s6], $0x4FFFF;
	_ =	strace $0x90000046  }
0xb1: {  	s29 =	simm.s32 $0x9;
	_ =	strace $0x80000048  }
0xb2: {  	_ =	swait.ge [sflag:s29], $0x1  }
0xb3: {  	[sflag:s29] =	ssyncadd.s32 $0xFFFFFFFF  }
0xb4: {  	_ =	strace $0x90000048  }
0xb5: {  	_ =	sfence  }
0xb6: {  	s30 =	sld [smem:$0x0];
	_ =	sdelay $0x2  }
0xb7: {  	s31 =	sshll.u32 s1, $0xD;
	s1 =	sshrl.u32 s1, $0x2  }
0xb8: {  	s3 =	sand.u32 $0x4000, s31;
	s1 =	sadd.s32 s1, s30  }
0xb9: {  	s0 =	sor.u32 s3, s0;
	s1 =	sshll.u32 s1, $0x11  }
0xba: {  	s0 =	sor.u32 s1, s0  }
0xbb: {  	s0 =	sadd.s32 $0x8F2B, s0  }
0xbc: {  	[sflag:s0] =	ssyncadd.remote.s32 $0x1  }
0xbd: {  	_ =	sfence.sel $0xFFFF  }
0xbe: {  	[dreg:$0x0] =	wrdreg $0xFFFFFFFF;
	(pc) =	sbr.abs _section_cstart, $3  }
0xbf: {  	[dreg:$0x1] =	wrdreg $0xFFFFFFFF  }
0xc0: {  	_ =	task.clear_ibuf [dreg:s6], $0x2FFFF;
	_ =	strace $0x9FFFFFFF  }
0xc1: {  	(tm) =	ssettm $0x7FFFFFFF  }
tec
execute0_lowered:
.L_overlay_start_1:
0x0: {  	(tag) =	ssettag $0x1  }
0x1: {  	s0 =	rddreg [dreg:$0x0]  }
0x2: {  	s1 =	simm.s32 $0x0;
	s26 =	srdreg.scid;
	s4 =	stileid.u32  }
0x3: {  	[smem:$0x7FF] =	sst s1;
	s2 =	sadd.s32 $0x2400, s0;
	s1 =	sand.u32 $0x1, s26  }
0x4: {  	s28 =	sadd.s32 $0x282400, s0;
	_ =	strace $0x80000047;
	[dreg:$0x2] =	wrdreg s2  }
0x5: {  	s29 =	sadd.s32 $0x302400, s0;
	s0 =	sadd.s32 $0x402400, s0;
	[dreg:$0x3] =	wrdreg s28  }
0x6: {  	s3 =	sshll.u32 s4, $0x7;
	s4 =	sshll.u32 s4, $0xB;
	[dreg:$0x4] =	wrdreg s29  }
.Ltmp0:
0x7: {  	v0 =	vimm.s32 $0x0;
	vm1 =	vcmask $0x704;
	vm2 =	vcmask $0xB08;
	s30 =	ssub.s32 $0x2, s1;
	[dreg:$0x5] =	wrdreg s0;
	(pc) =	sbr.rel .LBB2_1-.Ltmp0, $4  }
0x8: {  	vm3 =	vcmask $0xF0C;
	vm4 =	vcmask $0x1310;
	vm5 =	vcmask $0x1714;
	s1 =	sshll.u32 s1, $0x6;
	s7 =	sand.u32 $0x6000, s4;
	s31 =	sshrl.u32 s30, $0x1  }
0x9: {  	vm6 =	vcmask $0x1B18;
	vm7 =	vcmask $0x1F1C;
	vm8 =	vcmask $0x2320;
	s1 =	sor.u32 s1, s3;
	[dreg:$0x7] =	wrdreg s7;
	s0 =	ssub.s32 s30, s31  }
0xa: {  	vm9 =	vcmask $0x2724;
	vm10 =	vcmask $0x2B28;
	vm11 =	vcmask $0x2F2C;
	[dreg:$0x6] =	wrdreg s1;
	s0 =	smax.u32 s0, $0x1  }
0xb: {  	vm12 =	vcmask $0x3330;
	vm13 =	vcmask $0x3734;
	vm14 =	vcmask $0x3B38;
	s3 =	simm.s32 $0x2;
	s1 =	simm.s32 $0x0;
	[dreg:$0x8] =	wrdreg s0  }
.LBB2_8:
0xc: {  	s1 =	rddreg [dreg:$0x9]  }
0xd: {  	s0 =	rddreg [dreg:$0x8];
	s1 =	sadd.s32 $0x1, s1  }
0xe: {  	p0 =	sne.s32 s1, s0  }
.Ltmp1:
0xf: {  	_ = 	snop;
	(pc) =	sbr.rel @!p0 .LBB2_9-.Ltmp1, $1  }
0x10: {  	_ =	sdelay $0x3  }
.LBB2_1:
.Ltmp2:
0x11: {  	(pc) =	sbr.rel .LBB2_2-.Ltmp2, $2  }
0x12: {  	_ =	sdelay $0x2  }
0x13: {  	[dreg:$0x9] =	wrdreg s1;
	[tilespmem:$0x2030] =	vst v0;
	s1 =	simm.s32 $0x0  }
.LBB2_7:
0x14: {  	s0 =	sld [smem:$0x100]  }
0x15: {  	s14 =	sld [smem:$0x0]  }
0x16: {  	s25 =	sld [smem:$0x80]  }
0x17: {  	s1 =	sld [smem:$0x1]  }
0x18: {  	s2 =	sld [smem:$0x2]  }
0x19: {  	s3 =	sld [smem:$0x3]  }
0x1a: {  	s4 =	sld [smem:$0x4]  }
0x1b: {  	s7 =	sld [smem:$0x89]  }
0x1c: {  	s9 =	sld [smem:$0x8A]  }
0x1d: {  	s10 =	sld [smem:$0x8B]  }
0x1e: {  	s11 =	sld [smem:$0x8C]  }
0x1f: {  	s12 =	sld [smem:$0x8D]  }
0x20: {  	s15 =	sld [smem:$0x8E]  }
0x21: {  	s16 =	sld [smem:$0x93]  }
0x22: {  	s19 =	sld [smem:$0x94]  }
0x23: {  	s22 =	sld [smem:$0x95]  }
0x24: {  	s29 =	sld [smem:$0x96]  }
0x25: {  	s17 =	sld [smem:$0xA2];
	p0 =	sgt.s32 s0, $0x1;
	s5 =	smov.u32 s14  }
0x26: {  	s5 =	smov.u32 @p0 s1;
	s1 =	sld [smem:$0x5]  }
0x27: {  	p0 =	sgt.s32 s0, $0x2;
	[dreg:$0x19] =	wrdreg s5;
	s5 =	smov.u32 s14  }
0x28: {  	s5 =	smov.u32 @p0 s2;
	s2 =	sld [smem:$0x6]  }
0x29: {  	p0 =	sgt.s32 s0, $0x3;
	[dreg:$0x18] =	wrdreg s5;
	s5 =	smov.u32 s14  }
0x2a: {  	s5 =	smov.u32 @p0 s3;
	s3 =	sld [smem:$0x7]  }
0x2b: {  	p0 =	sgt.s32 s0, $0x4;
	[dreg:$0x17] =	wrdreg s5;
	s5 =	smov.u32 s14  }
0x2c: {  	s5 =	smov.u32 @p0 s4;
	s4 =	sld [smem:$0x8]  }
0x2d: {  	p0 =	sgt.s32 s0, $0x5;
	[dreg:$0x16] =	wrdreg s5;
	s5 =	smov.u32 s14  }
0x2e: {  	s5 =	smov.u32 @p0 s1;
	s1 =	sld [smem:$0x9]  }
0x2f: {  	s26 =	smov.u32 s14;
	p0 =	sgt.s32 s0, $0x6;
	[dreg:$0x15] =	wrdreg s5  }
0x30: {  	s26 =	smov.u32 @p0 s2;
	p0 =	sgt.s32 s0, $0x7;
	s5 =	smov.u32 s14  }
0x31: {  	s2 =	sld [smem:$0xA];
	s5 =	smov.u32 @p0 s3  }
0x32: {  	p0 =	sgt.s32 s0, $0x8;
	[dreg:$0x14] =	wrdreg s5;
	s5 =	smov.u32 s14  }
0x33: {  	s3 =	sld [smem:$0xB];
	s5 =	smov.u32 @p0 s4  }
0x34: {  	p0 =	sgt.s32 s0, $0x9;
	[dreg:$0x13] =	wrdreg s5;
	s5 =	smov.u32 s14  }
0x35: {  	s4 =	sld [smem:$0xC];
	s5 =	smov.u32 @p0 s1  }
0x36: {  	p0 =	sgt.s32 s0, $0xA;
	[dreg:$0x12] =	wrdreg s5;
	s5 =	smov.u32 s14  }
0x37: {  	s1 =	sld [smem:$0xD];
	s5 =	smov.u32 @p0 s2  }
0x38: {  	p0 =	sgt.s32 s0, $0xB;
	[dreg:$0x11] =	wrdreg s5;
	s5 =	smov.u32 s14  }
0x39: {  	s2 =	sld [smem:$0xE];
	s5 =	smov.u32 @p0 s3  }
0x3a: {  	p0 =	sgt.s32 s0, $0xC;
	[dreg:$0x10] =	wrdreg s5;
	s5 =	smov.u32 s14  }
0x3b: {  	s13 =	smov.u32 s14;
	s3 =	sld [smem:$0xF];
	s5 =	smov.u32 @p0 s4  }
0x3c: {  	p0 =	sgt.s32 s0, $0xD;
	[dreg:$0xf] =	wrdreg s5;
	s5 =	smov.u32 s14  }
0x3d: {  	s18 =	smov.u32 s14;
	s4 =	sld [smem:$0x10];
	s5 =	smov.u32 @p0 s1  }
0x3e: {  	p0 =	sgt.s32 s0, $0xE;
	[dreg:$0xe] =	wrdreg s5;
	s5 =	smov.u32 s14  }
0x3f: {  	s20 =	smov.u32 s14;
	s1 =	sld [smem:$0x11];
	s5 =	smov.u32 @p0 s2  }
0x40: {  	s23 =	smov.u32 s14;
	s6 =	smov.u32 s14;
	[dreg:$0xd] =	wrdreg s5  }
0x41: {  	p0 =	sgt.s32 s0, $0xF;
	s2 =	smov.u32 s14;
	s5 =	sld [smem:$0x12]  }
0x42: {  	s2 =	smov.u32 @p0 s3;
	p0 =	sgt.s32 s0, $0x10;
	s3 =	sld [smem:$0x13]  }
0x43: {  	s13 =	smov.u32 @p0 s4;
	p0 =	sgt.s32 s0, $0x11;
	s4 =	sld [smem:$0x14]  }
0x44: {  	s18 =	smov.u32 @p0 s1;
	p0 =	sgt.s32 s0, $0x12;
	s1 =	sld [smem:$0x15]  }
0x45: {  	s20 =	smov.u32 @p0 s5;
	p0 =	sgt.s32 s0, $0x13;
	s5 =	sld [smem:$0x16]  }
0x46: {  	s23 =	smov.u32 @p0 s3;
	p0 =	sgt.s32 s0, $0x14;
	s3 =	sld [smem:$0x17]  }
0x47: {  	s6 =	smov.u32 @p0 s4;
	s4 =	sld [smem:$0x18]  }
0x48: {  	p0 =	sgt.s32 s0, $0x15;
	[smem:$0x7E1] =	sst s6;
	s6 =	smov.u32 s14  }
0x49: {  	s6 =	smov.u32 @p0 s1;
	s1 =	sld [smem:$0x19]  }
0x4a: {  	p0 =	sgt.s32 s0, $0x16;
	[smem:$0x7E2] =	sst s6;
	s6 =	smov.u32 s14  }
0x4b: {  	s6 =	smov.u32 @p0 s5;
	s5 =	sld [smem:$0x1A]  }
0x4c: {  	p0 =	sgt.s32 s0, $0x17;
	[smem:$0x7E3] =	sst s6;
	s6 =	smov.u32 s14  }
0x4d: {  	s6 =	smov.u32 @p0 s3;
	s3 =	sld [smem:$0x1B]  }
0x4e: {  	p0 =	sgt.s32 s0, $0x18;
	[smem:$0x7E4] =	sst s6;
	s6 =	smov.u32 s14  }
0x4f: {  	s6 =	smov.u32 @p0 s4;
	s4 =	sld [smem:$0x1C]  }
0x50: {  	p0 =	sgt.s32 s0, $0x19;
	[smem:$0x7E5] =	sst s6;
	s6 =	smov.u32 s14  }
0x51: {  	s6 =	smov.u32 @p0 s1;
	s1 =	sld [smem:$0x1D]  }
0x52: {  	p0 =	sgt.s32 s0, $0x1A;
	[dreg:$0x1f] =	wrdreg s6;
	s6 =	smov.u32 s14  }
0x53: {  	s6 =	smov.u32 @p0 s5;
	s5 =	sld [smem:$0x1E]  }
0x54: {  	p0 =	sgt.s32 s0, $0x1B;
	[dreg:$0x1e] =	wrdreg s6;
	s6 =	smov.u32 s14  }
0x55: {  	s6 =	smov.u32 @p0 s3;
	s3 =	sld [smem:$0x1F]  }
0x56: {  	p0 =	sgt.s32 s0, $0x1C;
	[dreg:$0x1d] =	wrdreg s6;
	s6 =	smov.u32 s14  }
0x57: {  	s6 =	smov.u32 @p0 s4;
	s4 =	sld [smem:$0x81]  }
0x58: {  	p0 =	sgt.s32 s0, $0x1D;
	[dreg:$0x1c] =	wrdreg s6;
	s6 =	smov.u32 s14  }
0x59: {  	s6 =	smov.u32 @p0 s1;
	s1 =	sld [smem:$0x82]  }
0x5a: {  	v1 =	vmov s2;
	s2 =	smov.u32 s14;
	p0 =	sgt.s32 s0, $0x1E;
	[dreg:$0x1b] =	wrdreg s6  }
0x5b: {  	s2 =	smov.u32 @p0 s5;
	p0 =	sgt.s32 s0, $0x1F;
	s0 =	sld [smem:$0x83]  }
0x5c: {  	s5 =	sld [smem:$0x87]  }
0x5d: {  	s6 =	sld [smem:$0x88]  }
0x5e: {  	[dreg:$0x1a] =	wrdreg s2  }
0x5f: {  	vm0 =	vcmask $0x300;
	s28 =	smov.u32 s25;
	s30 =	smov.u32 s25;
	s2 =	sld [smem:$0x84]  }
0x60: {  	v1 =	vsel vm0, s14, v1;
	s14 =	smov.u32 @p0 s3;
	p0 =	sgt.s32 s24, $0x1;
	s3 =	sld [smem:$0x85]  }
0x61: {  	s31 =	smov.u32 s25;
	s28 =	smov.u32 @p0 s4;
	s4 =	sld [smem:$0x86]  }
0x62: {  	s8 =	smov.u32 s25;
	p0 =	sgt.s32 s24, $0x2;
	v2 =	vmov s14;
	s14 =	rddreg [dreg:$0x14]  }
0x63: {  	s30 =	smov.u32 @p0 s1;
	p0 =	sgt.s32 s24, $0x3;
	s1 =	smov.u32 s25  }
0x64: {  	v2 =	vsel vm0, s13, v2;
	s13 =	sld [smem:$0x7E2];
	s31 =	smov.u32 @p0 s0;
	p0 =	sgt.s32 s24, $0x4  }
0x65: {  	s0 =	smov.u32 s25;
	v2 =	vsel vm1, s18, v2;
	s18 =	sld [smem:$0x7E4];
	s8 =	smov.u32 @p0 s2  }
0x66: {  	p0 =	sgt.s32 s24, $0x5;
	s2 =	smov.u32 s25;
	v2 =	vsel vm2, s20, v2;
	s20 =	rddreg [dreg:$0x12]  }
0x67: {  	s0 =	smov.u32 @p0 s3;
	p0 =	sgt.s32 s24, $0x6;
	s3 =	smov.u32 s25  }
0x68: {  	s1 =	smov.u32 @p0 s4;
	p0 =	sgt.s32 s24, $0x7;
	s4 =	smov.u32 s25  }
0x69: {  	s2 =	smov.u32 @p0 s5;
	p0 =	sgt.s32 s24, $0x8;
	s5 =	smov.u32 s25  }
0x6a: {  	s3 =	smov.u32 @p0 s6;
	p0 =	sgt.s32 s24, $0x9;
	s6 =	smov.u32 s25  }
0x6b: {  	s4 =	smov.u32 @p0 s7;
	p0 =	sgt.s32 s24, $0xA;
	s7 =	smov.u32 s25  }
0x6c: {  	s5 =	smov.u32 @p0 s9;
	p0 =	sgt.s32 s24, $0xB;
	s9 =	smov.u32 s25  }
0x6d: {  	s6 =	smov.u32 @p0 s10;
	p0 =	sgt.s32 s24, $0xC;
	s10 =	sld [smem:$0x8F]  }
0x6e: {  	s7 =	smov.u32 @p0 s11;
	p0 =	sgt.s32 s24, $0xD;
	s11 =	sld [smem:$0x90]  }
0x6f: {  	s21 =	smov.u32 s25;
	s9 =	smov.u32 @p0 s12;
	s12 =	sld [smem:$0x91]  }
0x70: {  	p0 =	sgt.s32 s24, $0xE;
	[smem:$0x7E6] =	sst s9;
	s9 =	smov.u32 s25  }
0x71: {  	s9 =	smov.u32 @p0 s15;
	p0 =	sgt.s32 s24, $0xF;
	s15 =	sld [smem:$0x92]  }
0x72: {  	[smem:$0x7E7] =	sst s9;
	s21 =	smov.u32 @p0 s10  }
0x73: {  	p0 =	sgt.s32 s24, $0x10;
	s9 =	smov.u32 s25;
	v3 =	vmov s21;
	s21 =	rddreg [dreg:$0x18]  }
0x74: {  	s9 =	smov.u32 @p0 s11;
	s11 =	rddreg [dreg:$0x15]  }
0x75: {  	[smem:$0x7E8] =	sst s9;
	v3 =	vsel vm0, s25, v3  }
0x76: {  	p0 =	sgt.s32 s24, $0x11;
	s9 =	smov.u32 s25;
	v3 =	vsel vm1, s28, v3;
	s28 =	rddreg [dreg:$0x16]  }
0x77: {  	s9 =	smov.u32 @p0 s12;
	s12 =	sld [smem:$0x7E1]  }
0x78: {  	p0 =	sgt.s32 s24, $0x12;
	[smem:$0x7E9] =	sst s9;
	s9 =	smov.u32 s25  }
0x79: {  	v3 =	vsel vm2, s30, v3;
	s9 =	smov.u32 @p0 s15;
	s15 =	rddreg [dreg:$0x19]  }
0x7a: {  	v3 =	vsel vm3, s31, v3;
	s31 =	rddreg [dreg:$0x1f]  }
0x7b: {  	[smem:$0x7EB] =	sst s9  }
0x7c: {  	v1 =	vsel vm1, s15, v1;
	s15 =	sld [smem:$0x7E3]  }
0x7d: {  	v2 =	vsel vm3, s23, v2;
	v3 =	vsel vm4, s8, v3;
	s8 =	sld [smem:$0xAE]  }
0x7e: {  	p0 =	sgt.s32 s24, $0x13;
	s9 =	smov.u32 s25;
	v2 =	vsel vm4, s12, v2;
	s12 =	rddreg [dreg:$0x1c]  }
0x7f: {  	s9 =	smov.u32 @p0 s16;
	s16 =	sld [smem:$0x97]  }
0x80: {  	v1 =	vsel vm2, s21, v1;
	s21 =	sld [smem:$0xA5]  }
0x81: {  	v3 =	vsel vm5, s0, v3;
	s0 =	sld [smem:$0xAA]  }
0x82: {  	v2 =	vsel vm5, s13, v2;
	s13 =	rddreg [dreg:$0xd]  }
0x83: {  	[smem:$0x7ED] =	sst s9  }
0x84: {  	p0 =	sgt.s32 s24, $0x14;
	s9 =	smov.u32 s25;
	v3 =	vsel vm6, s1, v3;
	s1 =	sld [smem:$0xAF]  }
0x85: {  	s9 =	smov.u32 @p0 s19;
	s19 =	sld [smem:$0x98]  }
0x86: {  	v3 =	vsel vm7, s2, v3;
	s2 =	rddreg [dreg:$0x10]  }
0x87: {  	[smem:$0x7FC] =	sst s8  }
0x88: {  	s8 =	sld [smem:$0xB1]  }
0x89: {  	p0 =	sgt.s32 s24, $0x15;
	[smem:$0x7EF] =	sst s9;
	s9 =	smov.u32 s25  }
0x8a: {  	v3 =	vsel vm8, s3, v3;
	s3 =	rddreg [dreg:$0x1e];
	s9 =	smov.u32 @p0 s22  }
0x8b: {  	p0 =	sgt.s32 s24, $0x16;
	[smem:$0x7F1] =	sst s9;
	s9 =	smov.u32 s25  }
0x8c: {  	s22 =	sld [smem:$0x99];
	s9 =	smov.u32 @p0 s29  }
0x8d: {  	p0 =	sgt.s32 s24, $0x17;
	[smem:$0x7F3] =	sst s9;
	s9 =	smov.u32 s25  }
0x8e: {  	s29 =	sld [smem:$0x9A];
	s9 =	smov.u32 @p0 s16  }
0x8f: {  	p0 =	sgt.s32 s24, $0x18;
	[smem:$0x7F5] =	sst s9;
	s9 =	smov.u32 s25  }
0x90: {  	s16 =	sld [smem:$0x9B];
	s9 =	smov.u32 @p0 s19  }
0x91: {  	p0 =	sgt.s32 s24, $0x19;
	[smem:$0x7F6] =	sst s9;
	s9 =	smov.u32 s25  }
0x92: {  	s19 =	sld [smem:$0x9C];
	s9 =	smov.u32 @p0 s22  }
0x93: {  	p0 =	sgt.s32 s24, $0x1A;
	[smem:$0x7F7] =	sst s9;
	s9 =	smov.u32 s25  }
0x94: {  	s22 =	sld [smem:$0x9D];
	s9 =	smov.u32 @p0 s29  }
0x95: {  	p0 =	sgt.s32 s24, $0x1B;
	[smem:$0x7F8] =	sst s9;
	s9 =	smov.u32 s25  }
0x96: {  	s29 =	sld [smem:$0x9E];
	s9 =	smov.u32 @p0 s16  }
0x97: {  	p0 =	sgt.s32 s24, $0x1C;
	[smem:$0x7F9] =	sst s9;
	s9 =	smov.u32 s25  }
0x98: {  	s16 =	sld [smem:$0x9F];
	s9 =	smov.u32 @p0 s19  }
0x99: {  	p0 =	sgt.s32 s24, $0x1D;
	[smem:$0x7FA] =	sst s9;
	s9 =	smov.u32 s25  }
0x9a: {  	s19 =	sld [smem:$0xA0];
	s9 =	smov.u32 @p0 s22  }
0x9b: {  	p0 =	sgt.s32 s24, $0x1E;
	[smem:$0x7FB] =	sst s9;
	s9 =	smov.u32 s25  }
0x9c: {  	s22 =	sld [smem:$0xA1];
	s9 =	smov.u32 @p0 s29  }
0x9d: {  	p0 =	sgt.s32 s24, $0x1F;
	s29 =	smov.u32 s25;
	[smem:$0x7FD] =	sst s9  }
0x9e: {  	s29 =	smov.u32 @p0 s16;
	s16 =	sld [smem:$0xA3]  }
0x9f: {  	s10 =	smov.u32 s25;
	p0 =	sgt.s32 s24, $0x20;
	s9 =	rddreg [dreg:$0xf]  }
0xa0: {  	s10 =	smov.u32 @p0 s19;
	s19 =	sld [smem:$0xA4]  }
0xa1: {  	p0 =	sgt.s32 s24, $0x21;
	[smem:$0x7EA] =	sst s10;
	s10 =	smov.u32 s25  }
0xa2: {  	s10 =	smov.u32 @p0 s22;
	s22 =	rddreg [dreg:$0x17]  }
0xa3: {  	[smem:$0x7EC] =	sst s10  }
0xa4: {  	p0 =	sgt.s32 s24, $0x22;
	s10 =	smov.u32 s25;
	v1 =	vsel vm3, s22, v1;
	s22 =	sld [smem:$0x7E5]  }
0xa5: {  	s10 =	smov.u32 @p0 s17;
	s17 =	sld [smem:$0xA6]  }
0xa6: {  	v1 =	vsel vm4, s28, v1;
	s28 =	rddreg [dreg:$0x11]  }
0xa7: {  	s23 =	smov.u32 s25;
	s30 =	smov.u32 s25;
	[smem:$0x7EE] =	sst s10  }
0xa8: {  	v2 =	vsel vm6, s15, v2;
	p0 =	sgt.s32 s24, $0x23;
	s10 =	smov.u32 s25;
	v1 =	vsel vm5, s11, v1;
	s11 =	rddreg [dreg:$0xe]  }
0xa9: {  	s15 =	smov.u32 s25;
	v2 =	vsel vm7, s18, v2;
	s10 =	smov.u32 @p0 s16;
	s16 =	sld [smem:$0xA7]  }
0xaa: {  	s18 =	smov.u32 s25;
	v3 =	vsel vm9, s4, v3;
	s4 =	smov.u32 s25;
	v2 =	vsel vm8, s22, v2;
	s22 =	sld [smem:$0x7E6]  }
0xab: {  	p0 =	sgt.s32 s24, $0x24;
	[smem:$0x7F0] =	sst s10;
	s10 =	smov.u32 s25  }
0xac: {  	v3 =	vsel vm10, s5, v3;
	s5 =	smov.u32 s25;
	s10 =	smov.u32 @p0 s19;
	s19 =	sld [smem:$0xA8]  }
0xad: {  	p0 =	sgt.s32 s24, $0x25;
	[smem:$0x7F2] =	sst s10;
	s10 =	smov.u32 s25  }
0xae: {  	v3 =	vsel vm11, s6, v3;
	s6 =	smov.u32 s25;
	s10 =	smov.u32 @p0 s21;
	s21 =	sld [smem:$0xA9]  }
0xaf: {  	v1 =	vsel vm6, s26, v1;
	s26 =	smov.u32 s25;
	p0 =	sgt.s32 s24, $0x26;
	[smem:$0x7F4] =	sst s10  }
0xb0: {  	v3 =	vsel vm12, s7, v3;
	s7 =	smov.u32 s25;
	s26 =	smov.u32 @p0 s17;
	s17 =	rddreg [dreg:$0x13]  }
0xb1: {  	v4 =	vmov s29;
	s29 =	smov.u32 s25;
	p0 =	sgt.s32 s24, $0x27;
	s10 =	rddreg [dreg:$0x1d]  }
0xb2: {  	v1 =	vsel vm7, s14, v1;
	v2 =	vsel vm9, s31, v2;
	s31 =	smov.u32 s25;
	s30 =	smov.u32 @p0 s16;
	s16 =	sld [smem:$0xAB]  }
0xb3: {  	s14 =	smov.u32 s25;
	v2 =	vsel vm10, s3, v2;
	v1 =	vsel vm8, s17, v1;
	p0 =	sgt.s32 s24, $0x28;
	s17 =	sld [smem:$0xAC]  }
0xb4: {  	s3 =	smov.u32 s25;
	v2 =	vsel vm11, s10, v2;
	s10 =	sld [smem:$0xB0];
	s23 =	smov.u32 @p0 s19  }
0xb5: {  	v1 =	vsel vm9, s20, v1;
	p0 =	sgt.s32 s24, $0x29;
	s20 =	smov.u32 s25;
	s19 =	sld [smem:$0xAD]  }
0xb6: {  	v3 =	vsel vm13, s22, v3;
	s22 =	smov.u32 s25;
	s20 =	smov.u32 @p0 s21;
	s21 =	rddreg [dreg:$0x1a]  }
0xb7: {  	v2 =	vsel vm12, s12, v2;
	s12 =	smov.u32 s25;
	v1 =	vsel vm10, s28, v1;
	p0 =	sgt.s32 s24, $0x2A;
	s28 =	sld [smem:$0x7E7]  }
0xb8: {  	s15 =	smov.u32 @p0 s0;
	p0 =	sgt.s32 s24, $0x2B;
	s0 =	smov.u32 s25  }
0xb9: {  	v1 =	vsel vm11, s2, v1;
	s2 =	smov.u32 s25;
	s31 =	smov.u32 @p0 s16;
	p0 =	sgt.s32 s24, $0x2C  }
0xba: {  	v1 =	vsel vm12, s9, v1;
	s16 =	rddreg [dreg:$0x1b];
	s9 =	smov.u32 s25;
	s14 =	smov.u32 @p0 s17  }
0xbb: {  	p0 =	sgt.s32 s24, $0x2D;
	s17 =	sld [smem:$0xBF];
	v2 =	vsel vm13, s16, v2;
	s16 =	smov.u32 s25  }
0xbc: {  	v1 =	vsel vm13, s11, v1;
	v3 =	vsel vm14, s28, v3;
	s28 =	sld [smem:$0x7E8];
	s18 =	smov.u32 @p0 s19;
	p0 =	sgt.s32 s24, $0x2F  }
0xbd: {  	s11 =	smov.u32 s25;
	v1 =	vsel vm14, s13, v1;
	s13 =	smov.u32 s25;
	s0 =	smov.u32 @p0 s1  }
0xbe: {  	v2 =	vsel vm14, s21, v2;
	s19 =	smov.u32 s25;
	s21 =	smov.u32 s25;
	v5 =	vmov s0;
	s0 =	sld [smem:$0xB2]  }
0xbf: {  	p0 =	sgt.s32 s24, $0x3F;
	s1 =	smov.u32 s25;
	v4 =	vsel vm0, s28, v4;
	s28 =	sld [smem:$0x7E9]  }
0xc0: {  	s25 =	smov.u32 @p0 s17;
	p0 =	sgt.s32 s24, $0x30;
	s17 =	sld [smem:$0x7EE]  }
0xc1: {  	s1 =	smov.u32 @p0 s10;
	s10 =	sld [smem:$0xB3]  }
0xc2: {  	v6 =	vmov s25;
	s25 =	sld [smem:$0x7EC]  }
0xc3: {  	p0 =	sgt.s32 s24, $0x31;
	v6 =	vsel vm0, s1, v6;
	s1 =	sld [smem:$0xB4]  }
0xc4: {  	s2 =	smov.u32 @p0 s8;
	s8 =	sld [smem:$0x7F1]  }
0xc5: {  	p0 =	sgt.s32 s24, $0x32;
	v4 =	vsel vm1, s28, v4;
	s28 =	sld [smem:$0x7EA]  }
0xc6: {  	s3 =	smov.u32 @p0 s0;
	s0 =	sld [smem:$0xB5]  }
0xc7: {  	v6 =	vsel vm1, s2, v6;
	p0 =	sgt.s32 s24, $0x33;
	s2 =	sld [smem:$0xB6]  }
0xc8: {  	s4 =	smov.u32 @p0 s10;
	p0 =	sgt.s32 s24, $0x34;
	s10 =	sld [smem:$0x7F2]  }
0xc9: {  	v6 =	vsel vm2, s3, v6;
	s5 =	smov.u32 @p0 s1;
	s1 =	sld [smem:$0xB7]  }
0xca: {  	v6 =	vsel vm3, s4, v6;
	s4 =	sld [smem:$0x7F6]  }
0xcb: {  	p0 =	sgt.s32 s24, $0x35;
	v5 =	vsel vm0, s28, v5;
	s28 =	sld [smem:$0x7EB]  }
0xcc: {  	s6 =	smov.u32 @p0 s0;
	s0 =	sld [smem:$0xB8]  }
0xcd: {  	v6 =	vsel vm4, s5, v6;
	s5 =	sld [smem:$0x7F7]  }
0xce: {  	p0 =	sgt.s32 s24, $0x36;
	v5 =	vsel vm1, s25, v5;
	s25 =	sld [smem:$0x7EF]  }
0xcf: {  	s7 =	smov.u32 @p0 s2;
	s2 =	sld [smem:$0xB9]  }
0xd0: {  	v6 =	vsel vm5, s6, v6;
	s6 =	sld [smem:$0x7F8]  }
0xd1: {  	v5 =	vsel vm2, s17, v5;
	s17 =	sld [smem:$0x7F3]  }
0xd2: {  	p0 =	sgt.s32 s24, $0x37;
	v4 =	vsel vm2, s28, v4;
	s28 =	sld [smem:$0x7ED]  }
0xd3: {  	s16 =	smov.u32 @p0 s1;
	p0 =	sgt.s32 s24, $0x38;
	s1 =	sld [smem:$0xBA]  }
0xd4: {  	s19 =	smov.u32 @p0 s0;
	s0 =	sld [smem:$0xBB]  }
0xd5: {  	v6 =	vsel vm6, s7, v6;
	v4 =	vsel vm3, s28, v4;
	s28 =	sld [smem:$0x7F0]  }
0xd6: {  	v6 =	vsel vm7, s16, v6;
	s16 =	sld [smem:$0x7FD]  }
0xd7: {  	p0 =	sgt.s32 s24, $0x39;
	v4 =	vsel vm4, s25, v4;
	s25 =	sld [smem:$0x7F4]  }
0xd8: {  	s21 =	smov.u32 @p0 s2;
	s2 =	sld [smem:$0xBC];
	v5 =	vsel vm3, s28, v5  }
0xd9: {  	p0 =	sgt.s32 s24, $0x3A;
	s28 =	sld [smem:$0x7F5];
	v5 =	vsel vm4, s10, v5  }
0xda: {  	s22 =	smov.u32 @p0 s1;
	p0 =	sgt.s32 s24, $0x3B;
	s1 =	sld [smem:$0xBD];
	v4 =	vsel vm5, s8, v4;
	v5 =	vsel vm5, s25, v5  }
0xdb: {  	s9 =	smov.u32 @p0 s0;
	p0 =	sgt.s32 s24, $0x3C;
	s0 =	sld [smem:$0xBE];
	v4 =	vsel vm6, s17, v4;
	v5 =	vsel vm6, s26, v5  }
0xdc: {  	v6 =	vsel vm8, s19, v6;
	s29 =	smov.u32 @p0 s2;
	s2 =	sld [smem:$0x7FC];
	v4 =	vsel vm7, s28, v4;
	v5 =	vsel vm7, s30, v5  }
0xdd: {  	v6 =	vsel vm9, s21, v6;
	s8 =	sld [smem:$0x7F9];
	v4 =	vsel vm8, s4, v4;
	v5 =	vsel vm8, s23, v5  }
0xde: {  	[tilespmem:$0x2080] =	vst v1;
	v1 =	vsel vm10, s22, v6;
	s10 =	sld [smem:$0x7FA];
	v4 =	vsel vm9, s5, v4;
	v5 =	vsel vm9, s20, v5  }
0xdf: {  	p1 =	sgt.s32 s24, $0x3D;
	v1 =	vsel vm11, s9, v1;
	p0 =	sgt.s32 s24, $0x2E;
	v4 =	vsel vm10, s6, v4;
	v5 =	vsel vm10, s15, v5;
	s15 =	sld [smem:$0x7FB]  }
0xe0: {  	s11 =	smov.u32 @p1 s1;
	v1 =	vsel vm12, s29, v1;
	s13 =	smov.u32 @p0 s2;
	p0 =	sgt.s32 s24, $0x3E;
	v4 =	vsel vm11, s8, v4  }
0xe1: {  	[tilespmem:$0x2100] =	vst v3;
	v1 =	vsel vm13, s11, v1;
	s12 =	smov.u32 @p0 s0;
	v4 =	vsel vm12, s10, v4;
	v5 =	vsel vm11, s31, v5  }
0xe2: {  	[tilespmem:$0x2090] =	vst v2;
	v1 =	vsel vm14, s12, v1;
	v5 =	vsel vm12, s14, v5;
	v4 =	vsel vm13, s15, v4  }
0xe3: {  	[tilespmem:$0x2130] =	vst v1;
	v63 =	vsel vm13, s18, v5;
	v2 =	vsel vm14, s16, v4  }
0xe4: {  	s19 =	simm.s32 $0x2080;
	s21 =	simm.s32 $0x1;
	v3 =	vsel vm14, s13, v63;
	[tilespmem:$0x2110] =	vst v2  }
0xe5: {  	s17 =	rddreg [dreg:$0x3];
	s20 =	simm.s32 $0x2180;
	s18 =	simm.s32 $0x20;
	[tilespmem:$0x2120] =	vst v3  }
0xe6: {  	[tilespmem:s20], [sflag:$0x1] =	stream.indirect.gather [hbm4b:s17+s18], $0x80, s19, s18, $0xb8;
	[tilespmem:$0x5180] =	vst v63  }
0xe7: {  	s7 =	rddreg [dreg:$0x7];
	_ =	swait.ge [sflag:s21], $0x1000  }
0xe8: {  	s22 =	simm.s32 $0x40;
	[sflag:s21] =	ssyncset.done $0x0  }
0xe9: {  	s24 =	simm.s32 $0x3180;
	s23 =	simm.s32 $0x2100;
	[sflag:s21] =	ssyncadd.s32 $0xFFFFF000  }
0xea: {  	[tilespmem:s24], [sflag:$0x1] =	stream.indirect.gather [hbm4b:s17+s22], $0x80, s23, s22, $0xb8;
	[tilespmem:$0x5180] =	vst v63  }
0xeb: {  	_ =	swait.ge [sflag:s21], $0x2000  }
0xec: {  	s3 =	simm.s32 $0x2;
	s25 =	rddreg [dreg:$0xc]  }
0xed: {  	[sflag:s21] =	ssyncset.done $0x0;
	s26 =	rddreg [dreg:$0x4];
	s0 =	sshll.u32 s25, $0x9  }
0xee: {  	s28 =	simm.s32 $0x0;
	[sflag:s21] =	ssyncadd.s32 $0xFFFFE000;
	s0 =	sadd.s32 s26, s0  }
0xef: {  	[hbm4b:s0+s28] =	stream.linear.scatter [tilespmem:s20], [sflag:$0x2], $0x1000, $0x38;
	[tilespmem:$0x5180] =	vst v63  }
0xf0: {  	_ =	swait.ge [sflag:s3], $0x1000  }
0xf1: {  	s29 =	rddreg [dreg:$0x5]  }
0xf2: {  	[sflag:s3] =	ssyncset.done $0x0;
	s30 =	rddreg [dreg:$0xb]  }
0xf3: {  	[sflag:s3] =	ssyncadd.s32 $0xFFFFF000;
	s0 =	sadd.s32 s29, s30  }
0xf4: {  	[hbm4b:s0+s28] =	stream.linear.scatter [tilespmem:s24], [sflag:$0x2], $0x2000, $0x38;
	[tilespmem:$0x5180] =	vst v63  }
0xf5: {  	_ =	swait.ge [sflag:s3], $0x2000  }
0xf6: {  	s31 =	rddreg [dreg:$0xa]  }
0xf7: {  	s1 =	sadd.s32 $0x1, s31  }
0xf8: {  	p0 =	sne.s32 s1, $0x40  }
.Ltmp3:
0xf9: {  	_ = 	snop;
	(pc) =	sbr.rel @!p0 .LBB2_8-.Ltmp3, $3  }
0xfa: {  	_ =	sdelay $0x1  }
0xfb: {  	[sflag:s3] =	ssyncset.done $0x0  }
0xfc: {  	[sflag:s3] =	ssyncadd.s32 $0xFFFFE000  }
.LBB2_2:
0xfd: {  	s0 =	rddreg [dreg:$0x6]  }
0xfe: {  	[dreg:$0xa] =	wrdreg s1;
	s26 =	sshll.u32 s1, $0x4  }
0xff: {  	s29 =	rddreg [dreg:$0x2];
	s25 =	simm.s32 $0x0;
	s2 =	sadd.s32 s0, s1  }
0x100: {  	s30 =	simm.s32 $0x80;
	s0 =	sand.u32 $0x70, s26;
	s28 =	sshll.u32 s2, $0xA  }
0x101: {  	[dreg:$0xc] =	wrdreg s2;
	s0 =	sadd.s32 s29, s0;
	s1 =	sand.u32 $0x1FE000, s28  }
0x102: {  	s31 =	simm.s32 $0x400;
	[dreg:$0xb] =	wrdreg s28;
	s0 =	sadd.s32 s1, s0  }
0x103: {  	[tilespmem:s25], [sflag:$0x2] =	stream.strided.gather [hbm4b:s0+s30], $0x2000, s31, s30, $0x38;
	[tilespmem:$0x5180] =	vst v63  }
.Ltmp4:
0x104: {  	_ =	swait.ge [sflag:s3], $0x2000;
	(pc) =	sbr.rel .LBB2_3-.Ltmp4, $4  }
0x105: {  	[sflag:s3] =	ssyncset.done $0x0  }
0x106: {  	[sflag:s3] =	ssyncadd.s32 $0xFFFFE000  }
0x107: {  	[smem:$0x100] =	sst s25  }
0x108: {  	s24 =	simm.s32 $0x0;
	s26 =	simm.s32 $0x0;
	[smem:$0x180] =	sst s25  }
.LBB2_5:
0x109: {  	(v2sf) =	vpush v2, $0x0  }
0x10a: {  	(v2sf) =	vpush v1, $0x0;
	_ =	sdelay $0x3  }
0x10b: {  	(v2sf) =	vpush v2, $0x1;
	_ =	sdelay $0x2  }
0x10c: {  	(v2sf) =	vpush v1, $0x1;
	_ =	sdelay $0x1  }
0x10d: {  	(v2sf) =	vpush v2, $0x2;
	_ =	sdelay $0x1  }
0x10e: {  	(v2sf) =	vpush v1, $0x2;
	_ =	sdelay $0x2  }
0x10f: {  	s0 =	spop (v2sf)  }
0x110: {  	s2 =	spop (v2sf)  }
0x111: {  	s3 =	sadd.s32 s1, s0;
	(v2sf) =	vpush v2, $0x3;
	s1 =	simm.s32 @!p0 $0x20;
	p0 =	slt.s32 s24, $0x40  }
0x112: {  	p1 =	seq.s32 s0, $0x0;
	s0 =	sadd.s32 s26, s7;
	s4 =	sadd.s32 s24, s2  }
0x113: {  	s24 =	simm.s32 @!p0 $0x40;
	p0 =	seq.s32 s2, $0x0;
	(v2sf) =	vpush v1, $0x3;
	s1 =	simm.s32 @p1 $0x20  }
0x114: {  	s6 =	spop (v2sf);
	s8 =	sadd.s32 $0x1, s0;
	s11 =	sadd.s32 $0x2, s0  }
0x115: {  	s14 =	sadd.s32 $0x3, s0;
	s17 =	sadd.s32 $0x4, s0;
	s20 =	sadd.s32 $0x5, s0  }
0x116: {  	s23 =	sadd.s32 $0x6, s0;
	s29 =	sadd.s32 $0x7, s0;
	s24 =	simm.s32 @p0 $0x40;
	(v2sf) =	vpush v2, $0x4  }
0x117: {  	[smem:s1] =	sst s0;
	p0 =	slt.s32 s3, $0x20;
	s5 =	spop (v2sf);
	(v2sf) =	vpush v1, $0x4  }
0x118: {  	s2 =	sadd.s32 s6, s3;
	p1 =	seq.s32 s6, $0x0;
	[smem:s24+$0x80] =	sst s0  }
0x119: {  	s3 =	simm.s32 @!p0 $0x20;
	p0 =	slt.s32 s4, $0x40;
	s9 =	spop (v2sf);
	(v2sf) =	vpush v2, $0x5  }
0x11a: {  	s1 =	sadd.s32 s5, s4;
	s3 =	simm.s32 @p1 $0x20;
	p1 =	seq.s32 s5, $0x0  }
0x11b: {  	s4 =	simm.s32 @!p0 $0x40;
	s10 =	spop (v2sf);
	p0 =	slt.s32 s2, $0x20;
	(v2sf) =	vpush v1, $0x5  }
0x11c: {  	s5 =	sadd.s32 s9, s2;
	s4 =	simm.s32 @p1 $0x40;
	[smem:s3] =	sst s8  }
0x11d: {  	s2 =	simm.s32 @!p0 $0x20;
	p0 =	slt.s32 s1, $0x40;
	s6 =	sadd.s32 s10, s1  }
0x11e: {  	p1 =	seq.s32 s9, $0x0;
	[smem:s4+$0x80] =	sst s8;
	s1 =	simm.s32 @!p0 $0x40  }
0x11f: {  	p0 =	seq.s32 s10, $0x0;
	s2 =	simm.s32 @p1 $0x20;
	s4 =	sadd.s32 $0x8, s0  }
0x120: {  	s1 =	simm.s32 @p0 $0x40;
	[smem:s2] =	sst s11;
	s12 =	spop (v2sf)  }
0x121: {  	p0 =	slt.s32 s5, $0x20;
	[smem:s1+$0x80] =	sst s11;
	(v2sf) =	vpush v2, $0x6;
	s1 =	sadd.s32 s12, s5  }
0x122: {  	s13 =	spop (v2sf);
	p1 =	seq.s32 s12, $0x0;
	s5 =	simm.s32 @!p0 $0x20;
	(v2sf) =	vpush v1, $0x6  }
0x123: {  	s10 =	sadd.s32 $0x9, s0;
	p0 =	slt.s32 s6, $0x40;
	s5 =	simm.s32 @p1 $0x20  }
0x124: {  	s2 =	sadd.s32 s13, s6;
	p1 =	seq.s32 s13, $0x0;
	s6 =	simm.s32 @!p0 $0x40  }
0x125: {  	s15 =	spop (v2sf);
	p0 =	slt.s32 s1, $0x20;
	(v2sf) =	vpush v2, $0x7;
	s13 =	sadd.s32 $0xA, s0  }
0x126: {  	s6 =	simm.s32 @p1 $0x40;
	[smem:s5] =	sst s14;
	s16 =	spop (v2sf);
	(v2sf) =	vpush v1, $0x7  }
0x127: {  	s5 =	sadd.s32 s15, s1;
	s1 =	simm.s32 @!p0 $0x20;
	p0 =	slt.s32 s2, $0x40  }
0x128: {  	p1 =	seq.s32 s15, $0x0;
	[smem:s6+$0x80] =	sst s14;
	s18 =	spop (v2sf);
	(v2sf) =	vpush v2, $0x8  }
0x129: {  	s6 =	sadd.s32 s16, s2;
	s2 =	simm.s32 @!p0 $0x40;
	p0 =	seq.s32 s16, $0x0  }
0x12a: {  	s1 =	simm.s32 @p1 $0x20;
	s2 =	simm.s32 @p0 $0x40;
	s19 =	spop (v2sf);
	(v2sf) =	vpush v1, $0x8  }
0x12b: {  	[smem:s1] =	sst s17;
	p0 =	slt.s32 s5, $0x20;
	p1 =	seq.s32 s18, $0x0  }
0x12c: {  	[smem:s2+$0x80] =	sst s17;
	s2 =	sadd.s32 s18, s5;
	s5 =	simm.s32 @!p0 $0x20  }
0x12d: {  	p0 =	slt.s32 s6, $0x40;
	s1 =	sadd.s32 s19, s6;
	s17 =	sadd.s32 $0xB, s0  }
0x12e: {  	s5 =	simm.s32 @p1 $0x20;
	p1 =	seq.s32 s19, $0x0;
	s6 =	simm.s32 @!p0 $0x40  }
0x12f: {  	p0 =	slt.s32 s2, $0x20;
	s6 =	simm.s32 @p1 $0x40;
	[smem:s5] =	sst s20  }
0x130: {  	[smem:s6+$0x80] =	sst s20;
	s20 =	sadd.s32 $0xC, s0;
	s21 =	spop (v2sf);
	(v2sf) =	vpush v2, $0x9  }
0x131: {  	s22 =	spop (v2sf);
	s5 =	sadd.s32 s21, s2;
	s2 =	simm.s32 @!p0 $0x20  }
0x132: {  	p0 =	slt.s32 s1, $0x40;
	p1 =	seq.s32 s21, $0x0;
	(v2sf) =	vpush v1, $0x9;
	s6 =	sadd.s32 s22, s1  }
0x133: {  	s1 =	simm.s32 @!p0 $0x40;
	p0 =	seq.s32 s22, $0x0;
	s2 =	simm.s32 @p1 $0x20  }
0x134: {  	s24 =	spop (v2sf);
	(v2sf) =	vpush v2, $0xA;
	s1 =	simm.s32 @p0 $0x40;
	[smem:s2] =	sst s23  }
0x135: {  	p0 =	slt.s32 s5, $0x20;
	s28 =	spop (v2sf);
	p1 =	seq.s32 s24, $0x0;
	(v2sf) =	vpush v1, $0xA  }
0x136: {  	[smem:s1+$0x80] =	sst s23;
	s1 =	sadd.s32 s24, s5;
	s5 =	simm.s32 @!p0 $0x20  }
0x137: {  	p0 =	slt.s32 s6, $0x40;
	s2 =	sadd.s32 s28, s6;
	s30 =	spop (v2sf)  }
0x138: {  	(v2sf) =	vpush v2, $0xB;
	s23 =	sadd.s32 $0xD, s0;
	s5 =	simm.s32 @p1 $0x20;
	p1 =	seq.s32 s28, $0x0  }
0x139: {  	s6 =	simm.s32 @!p0 $0x40;
	s31 =	spop (v2sf);
	p0 =	slt.s32 s1, $0x20  }
0x13a: {  	(v2sf) =	vpush v1, $0xB;
	s28 =	sadd.s32 $0xE, s0;
	s6 =	simm.s32 @p1 $0x40;
	[smem:s5] =	sst s29  }
0x13b: {  	s5 =	sadd.s32 s30, s1;
	s1 =	simm.s32 @!p0 $0x20;
	p0 =	slt.s32 s2, $0x40  }
0x13c: {  	p1 =	seq.s32 s30, $0x0;
	(v2sf) =	vpush v2, $0xC;
	[smem:s6+$0x80] =	sst s29;
	s6 =	sadd.s32 s31, s2  }
0x13d: {  	s2 =	simm.s32 @!p0 $0x40;
	p0 =	seq.s32 s31, $0x0;
	s1 =	simm.s32 @p1 $0x20  }
0x13e: {  	s0 =	sadd.s32 $0xF, s0;
	s2 =	simm.s32 @p0 $0x40;
	[smem:s1] =	sst s4  }
0x13f: {  	p0 =	slt.s32 s5, $0x20;
	[smem:s2+$0x80] =	sst s4;
	s8 =	spop (v2sf);
	(v2sf) =	vpush v1, $0xC  }
0x140: {  	s2 =	sadd.s32 s8, s5;
	p1 =	seq.s32 s8, $0x0;
	s5 =	simm.s32 @!p0 $0x20  }
0x141: {  	s9 =	spop (v2sf);
	p0 =	slt.s32 s6, $0x40;
	s5 =	simm.s32 @p1 $0x20  }
0x142: {  	(v2sf) =	vpush v2, $0xD;
	s1 =	sadd.s32 s9, s6;
	p1 =	seq.s32 s9, $0x0;
	s6 =	simm.s32 @!p0 $0x40  }
0x143: {  	s11 =	spop (v2sf);
	p0 =	slt.s32 s2, $0x20;
	(v2sf) =	vpush v1, $0xD;
	s6 =	simm.s32 @p1 $0x40  }
0x144: {  	[smem:s5] =	sst s10;
	s12 =	spop (v2sf);
	s5 =	sadd.s32 s11, s2  }
0x145: {  	s2 =	simm.s32 @!p0 $0x20;
	p0 =	slt.s32 s1, $0x40;
	p1 =	seq.s32 s11, $0x0;
	(v2sf) =	vpush v2, $0xE  }
0x146: {  	[smem:s6+$0x80] =	sst s10;
	s6 =	sadd.s32 s12, s1;
	s1 =	simm.s32 @!p0 $0x40  }
0x147: {  	p0 =	seq.s32 s12, $0x0;
	s2 =	simm.s32 @p1 $0x20;
	s14 =	spop (v2sf);
	(v2sf) =	vpush v1, $0xE  }
0x148: {  	p1 =	slt.s32 s5, $0x20;
	s1 =	simm.s32 @p0 $0x40;
	[smem:s2] =	sst s13  }
0x149: {  	s15 =	spop (v2sf);
	p0 =	seq.s32 s14, $0x0;
	s2 =	sadd.s32 s14, s5  }
0x14a: {  	s5 =	simm.s32 @!p1 $0x20;
	p1 =	slt.s32 s6, $0x40;
	[smem:s1+$0x80] =	sst s13  }
0x14b: {  	s3 =	sadd.s32 s15, s6;
	s16 =	spop (v2sf);
	s6 =	simm.s32 @!p1 $0x40;
	(v2sf) =	vpush v2, $0xF  }
0x14c: {  	p1 =	seq.s32 s15, $0x0;
	s5 =	simm.s32 @p0 $0x20;
	p0 =	slt.s32 s2, $0x20  }
0x14d: {  	s6 =	simm.s32 @p1 $0x40;
	[smem:s5] =	sst s17;
	s5 =	sadd.s32 s16, s2  }
0x14e: {  	p1 =	seq.s32 s16, $0x0;
	s2 =	simm.s32 @!p0 $0x20;
	s18 =	spop (v2sf);
	(v2sf) =	vpush v1, $0xF  }
0x14f: {  	p0 =	slt.s32 s3, $0x40;
	[smem:s6+$0x80] =	sst s17;
	s2 =	simm.s32 @p1 $0x20  }
0x150: {  	s1 =	sadd.s32 s18, s3;
	p1 =	seq.s32 s18, $0x0;
	s3 =	simm.s32 @!p0 $0x40  }
0x151: {  	[smem:s2] =	sst s20;
	s19 =	spop (v2sf);
	s3 =	simm.s32 @p1 $0x40  }
0x152: {  	s21 =	spop (v2sf);
	p0 =	seq.s32 s19, $0x0;
	p1 =	slt.s32 s5, $0x20  }
0x153: {  	[smem:s3+$0x80] =	sst s20;
	s3 =	sadd.s32 s19, s5;
	s5 =	simm.s32 @!p1 $0x20  }
0x154: {  	p1 =	slt.s32 s1, $0x40;
	s4 =	sadd.s32 s21, s1;
	s22 =	spop (v2sf)  }
0x155: {  	s1 =	simm.s32 @!p1 $0x40;
	p1 =	seq.s32 s21, $0x0;
	s5 =	simm.s32 @p0 $0x20  }
0x156: {  	p0 =	slt.s32 s3, $0x20;
	s24 =	spop (v2sf);
	s1 =	simm.s32 @p1 $0x40  }
0x157: {  	[smem:s5] =	sst s23;
	s5 =	sadd.s32 s22, s3;
	p1 =	seq.s32 s22, $0x0  }
0x158: {  	s3 =	simm.s32 @!p0 $0x20;
	p0 =	slt.s32 s4, $0x40;
	[smem:s1+$0x80] =	sst s23  }
0x159: {  	s3 =	simm.s32 @p1 $0x20;
	s1 =	sadd.s32 s24, s4;
	p1 =	seq.s32 s24, $0x0  }
0x15a: {  	s4 =	simm.s32 @!p0 $0x40;
	s29 =	spop (v2sf);
	p0 =	slt.s32 s5, $0x20  }
0x15b: {  	[smem:s3] =	sst s28;
	s4 =	simm.s32 @p1 $0x40;
	s30 =	sadd.s32 s29, s5  }
0x15c: {  	p1 =	seq.s32 s29, $0x0;
	s5 =	simm.s32 @!p0 $0x20;
	p0 =	slt.s32 s1, $0x40  }
0x15d: {  	[smem:s4+$0x80] =	sst s28;
	s5 =	simm.s32 @p1 $0x20;
	s31 =	spop (v2sf)  }
0x15e: {  	s24 =	sadd.s32 s31, s1;
	p1 =	seq.s32 s31, $0x0;
	s1 =	simm.s32 @!p0 $0x40  }
0x15f: {  	[smem:s5] =	sst s0;
	s1 =	simm.s32 @p1 $0x40  }
0x160: {  	[smem:s1+$0x80] =	sst s0  }
0x161: {  	[smem:$0x100] =	sst s30  }
0x162: {  	[smem:$0x180] =	sst s24  }
.LBB2_6:
0x163: {  	s26 =	sadd.s32 $0x10, s26  }
0x164: {  	p0 =	sne.s32 s26, $0x2000  }
.Ltmp5:
0x165: {  	_ = 	snop;
	(pc) =	sbr.rel @!p0 .LBB2_7-.Ltmp5, $2  }
0x166: {  	_ =	sdelay $0x2  }
0x167: {  	s25 =	sadd.s32 $0x10, s25  }
.LBB2_3:
0x168: {  	s1 =	sld [smem:$0x100];
	_ =	sdelay $0x2  }
0x169: {  	p0 =	slt.s32 s1, $0x20  }
0x16a: {  	p1 =	sgt.s32 @!p0 s24, $0x3F  }
0x16b: {  	p1 =	por p0, !p1  }
0x16c: {  	v1 =	vld @p1 [tilespmem:s25+$0x0];
	_ =	sdelay $0x3  }
0x16d: {  	v3 =	vimm.s32 @p1 $0x0  }
0x16e: {  	vm15 =	vle.f32 @p1 v1, $3.999999910e-02;
	vm0 =	vle.f32 @p1 v1, $1.599999960e-01  }
0x16f: {  	p2 =	slt.s32 @p1 s24, $0x40;
	p3 =	slt.s32 @p1 s1, $0x20;
	v2 =	vsel @p1 vm15, $0x1, v3;
	v1 =	vsel @p1 vm0, $0x1, v3  }
0x170: {  	p3 =	por !p3, !p1;
	p2 =	por !p2, !p1;
	v3 =	vmov v2;
	v4 =	vmov v1  }
0x171: {  	v3 =	vpsel p3, $0x0, v3;
	v4 =	vpsel p2, $0x0, v4  }
0x172: {  	v3 =	vadd.s32 @p1 v4, v3  }
0x173: {  	[tilespmem:$0x2020] =	vst @p1 v3  }
0x174: {  	v4 =	vld @p1 [tilespmem:$0x2028];
	_ =	sdelay $0x4  }
0x175: {  	v3 =	vadd.s32 @p1 v4, v3  }
0x176: {  	[tilespmem:$0x2020] =	vst @p1 v3  }
0x177: {  	v4 =	vld @p1 [tilespmem:$0x2024];
	_ =	sdelay $0x4  }
0x178: {  	v3 =	vadd.s32 @p1 v3, v4  }
0x179: {  	[tilespmem:$0x2020] =	vst @p1 v3  }
0x17a: {  	v4 =	vld @p1 [tilespmem:$0x2022];
	_ =	sdelay $0x4  }
0x17b: {  	v3 =	vadd.s32 @p1 v3, v4  }
0x17c: {  	[tilespmem:$0x2020] =	vst @p1 v3  }
0x17d: {  	v4 =	vld @p1 [tilespmem:$0x2021];
	_ =	sdelay $0x4  }
0x17e: {  	v3 =	vadd.s32 @p1 v3, v4  }
0x17f: {  	(v2sf) =	vpush @p1 v3, $0x0;
	_ =	sdelay $0xe  }
0x180: {  	s0 =	spop @p1 (v2sf)  }
0x181: {  	p2 =	slt.s32 @p1 s0, $0x1  }
0x182: {  	p2 =	por !p1, p2  }
.Ltmp6:
0x183: {  	_ = 	snop;
	(pc) =	sbr.rel @!p2 .LBB2_5-.Ltmp6, $4  }
0x184: {  	_ = 	snop  }
0x185: {  	[tilespmem:$0x2000] =	vst @p1 v2  }
0x186: {  	[tilespmem:$0x2010] =	vst @p1 v1  }
0x187: {  	[tilespmem:$0x2020] =	vst @p1 v3  }
.Ltmp7:
0x188: {  	(pc) =	sbr.rel .LBB2_6-.Ltmp7, $2  }
0x189: {  	_ =	sdelay $0x2  }
0x18a: {  	s24 =	smov.u32 @p1 s24  }
.LBB2_9:
0x18b: {  	_ =	sfence.sel $0x180000  }
0x18c: {  	[bflag:$0x0] =	sbarrier.arrive $0xFFFF  }
0x18d: {  	_ =	strace $0x90000047  }
0x18e: {  	s0 =	stileid.u32;
	[bflag:$0x2] =	sbarrier.arrive $0xFFFF  }
0x18f: {  	p0 =	sne.s32 s0, $0x0;
	s0 =	rddreg [dreg:$0x1]  }
0x190: {  	s0 =	sadd.s32 @!p0 $0x100000, s0  }
0x191: {  	[sflag:s0] =	ssyncadd.tile.s32 @!p0 $0x1;
	_ =	shalt  }
.Lfunc_end2:
_tile_overlayer_lowered:
.L_overlay_start_2:
0x192: {  	(tag) =	ssettag $0x2  }
0x193: {  	s0 =	rddreg [dreg:$0x0];
	s2 =	stileid.u32  }
0x194: {  	s1 =	rddreg [dreg:$0x1];
	p0 =	sne.s32 s2, $0x0  }
0x195: {  	s3 =	rddreg [dreg:$0x2];
	[bflag:$0x3] =	sbarrier.arrive $0xFFFF;
	s2 =	simm.s32 @!p0 $0x1C02  }
0x196: {  	[timem:s3], [sflag:s2] =	dma.local @!p0 [hbm:s0], s1  }
0x197: {  	s0 =	simm.s32 @!p0 $0x2  }
0x198: {  	_ =	swait.ge @!p0 [sflag:s0], s1  }
0x199: {  	s1 =	ssub.s32 @!p0 $0x0, s1;
	[sflag:s0] =	ssyncset.done @!p0 $0x0  }
0x19a: {  	[sflag:s0] =	ssyncadd.s32 @!p0 s1  }
0x19b: {  	[bflag:$0x3] =	sbarrier.arrive $0xFFFF  }
0x19c: {  	_ =	shalt  }

</sc_bundles>
